<compile_context>
chip_gen: v7x
topology: tpu7x:2x2x1
jax: 0.10.2.dev20260603
libtpu: 0.0.44.dev20260713+nightly
codegen_flags: <defaults>
</compile_context>

<pallas_src>
import functools

import jax
import jax.numpy as jnp
from jax import lax
from jax.experimental import pallas as pl
from jax.experimental.pallas import tpu as pltpu
from jax.experimental.pallas import tpu_sc as plsc

N_NODES = 10000
D_FEAT = 128
NC = 2
NS = 16
NW = NC * NS
L = 16
BLK = 80
NDST = 4


def _sc_partials(ego_bf, src_b, dst_b, w_b, zeros):
    n_blk = src_b.shape[1]
    rows_per_sub = N_NODES // NS

    mesh = plsc.VectorSubcoreMesh(core_axis_name="c", subcore_axis_name="s")

    @functools.partial(
        pl.kernel,
        out_type=jax.ShapeDtypeStruct((NC, N_NODES, D_FEAT), jnp.float32),
        mesh=mesh,
        compiler_params=pltpu.CompilerParams(
            use_tc_tiling_on_sc=False, needs_layout_passes=False),
        scratch_types=[
            pltpu.VMEM_SHARED((N_NODES, D_FEAT), jnp.float32),
            pltpu.VMEM((n_blk, BLK), jnp.int32),
            [pltpu.VMEM((1, BLK * L), jnp.float32) for _ in range(NDST)],
            [pltpu.VMEM((1, BLK), jnp.int32) for _ in range(NDST)],
            [pltpu.VMEM((BLK, D_FEAT), jnp.bfloat16) for _ in range(2)],
            [pltpu.VMEM((BLK, D_FEAT), jnp.float32) for _ in range(2)],
            [pltpu.SemaphoreType.DMA for _ in range(2)],
            [pltpu.SemaphoreType.DMA for _ in range(NDST)],
            [pltpu.SemaphoreType.DMA for _ in range(NDST)],
            [pltpu.SemaphoreType.DMA for _ in range(2)],
        ],
    )
    def k(ego_hbm, src_hbm, dst_hbm, w_hbm, zeros_hbm, out_hbm,
          h_sh, src_v, w_r, dst_r, rowsr, stager, gsems, dsems, wsems, ssems):
        core = lax.axis_index("c")
        sub = lax.axis_index("s")
        wid = core * NS + sub

        pltpu.sync_copy(src_hbm.at[wid], src_v)

        pltpu.sync_copy(zeros_hbm,
                        h_sh.at[pl.ds(sub * rows_per_sub, rows_per_sub)])

        plsc.subcore_barrier()

        def issue(jj, b, d):
            pltpu.async_copy(ego_hbm.at[src_v.at[jj]], rowsr[b], gsems[b])
            pltpu.async_copy(dst_hbm.at[wid, pl.ds(jj, 1)], dst_r[d], dsems[d])
            pltpu.async_copy(w_hbm.at[wid, pl.ds(jj, 1)], w_r[d], wsems[d])

        def wait_gather(jj, b, d):
            pltpu.make_async_copy(
                ego_hbm.at[src_v.at[jj]], rowsr[b], gsems[b]).wait()
            pltpu.make_async_copy(
                dst_hbm.at[wid, pl.ds(jj, 1)], dst_r[d], dsems[d]).wait()
            pltpu.make_async_copy(
                w_hbm.at[wid, pl.ds(jj, 1)], w_r[d], wsems[d]).wait()

        def scale(jj, b, s, d):
            rows = rowsr[b]
            stage = stager[s]
            wv_ref = w_r[d]

            @plsc.parallel_loop(0, BLK)
            def _(e):
                wv = wv_ref[0, pl.ds(e * L, L)]
                for c in range(D_FEAT // (2 * L)):
                    ab = rows[e, pl.ds(c * 2 * L, 2 * L)]
                    va, vb = plsc.unpack(
                        ab, format=plsc.PackFormat.INTERLEAVED)
                    stage[e, pl.ds(c * 2 * L, L)] = va * wv
                    stage[e, pl.ds(c * 2 * L + L, L)] = vb * wv

        def issue_scatter(s, d):
            pltpu.async_copy(
                stager[s], h_sh.at[dst_r[d].at[0]], ssems[s], add=True)

        def wait_scatter(s, d):
            pltpu.make_async_copy(
                stager[s], h_sh.at[dst_r[d].at[0]], ssems[s]).wait()

        issue(0, 0, 0)
        issue(1, 1, 1)

        for jj in (0, 1):
            wait_gather(jj, jj % 2, jj % NDST)
            scale(jj, jj % 2, jj % 2, jj % NDST)
            issue_scatter(jj % 2, jj % NDST)
            issue(jj + 2, jj % 2, (jj + 2) % NDST)

        @pl.loop(2, n_blk - 3, step=4)
        def _(j):
            for b in range(4):
                jj = j + b
                bb = b % 2
                d = (2 + b) % NDST
                wait_gather(jj, bb, d)
                wait_scatter(bb, (d + 2) % NDST)
                scale(jj, bb, bb, d)
                issue_scatter(bb, d)
                issue(jj + 2, bb, (d + 2) % NDST)

        for t in range(3):
            jj = n_blk - 3 + t
            b = jj % 2
            d = jj % NDST
            wait_gather(jj, b, d)
            wait_scatter(b, (d + 2) % NDST)
            scale(jj, b, b, d)
            issue_scatter(b, d)
            if t == 0:
                issue(n_blk - 1, (n_blk - 1) % 2, (n_blk - 1) % NDST)

        wait_scatter((n_blk - 2) % 2, (n_blk - 2) % NDST)
        wait_scatter((n_blk - 1) % 2, (n_blk - 1) % NDST)

        plsc.subcore_barrier()
        pltpu.sync_copy(
            h_sh.at[pl.ds(sub * rows_per_sub, rows_per_sub)],
            out_hbm.at[core, pl.ds(sub * rows_per_sub, rows_per_sub)])

    return k(ego_bf, src_b, dst_b, w_b, zeros)


def _finish_body(p_ref, o_ref):
    h = p_ref[0] + p_ref[1]
    n2 = jnp.sum(h * h, axis=1, keepdims=True)
    nrm = jnp.maximum(jnp.sqrt(n2), 1e-12)
    o_ref[...] = h / nrm


def _finish(partials):
    return pl.pallas_call(
        _finish_body,
        out_shape=jax.ShapeDtypeStruct((N_NODES, D_FEAT), jnp.float32),
    )(partials)


def _interleave_perm():
    perm = []
    for c in range(D_FEAT // 32):
        for i in range(16):
            perm.append(c * 32 + i)
            perm.append(c * 32 + 16 + i)
    return perm


def kernel(ego_embedding, edge_index, edge_weight):
    e_total = edge_weight.shape[0]
    n_blk = e_total // (NW * BLK)
    src_b = edge_index[0].astype(jnp.int32).reshape(NW, n_blk, BLK)
    dst_b = edge_index[1].astype(jnp.int32).reshape(NW, n_blk, BLK)
    w_b = jnp.repeat(edge_weight.astype(jnp.float32), L).reshape(
        NW, n_blk, BLK * L)
    ego_bf = ego_embedding[:, jnp.array(_interleave_perm())].astype(
        jnp.bfloat16)
    zeros = jnp.zeros((N_NODES // NS, D_FEAT), jnp.float32)
    partials = _sc_partials(ego_bf, src_b, dst_b, w_b, zeros)
    return _finish(partials)

# --- scband reference (transcript-rebuilt; emitter-appended) ---
"""Pipeline reference for scband-light-gcnconv-86337432584536 (READ-ONLY COPY).

The authoritative reference and input builder live on the scoring server;
editing this copy changes nothing except your own understanding.
"""

import jax, jax.numpy as jnp
import numpy as np

N_NODES = 10000
N_EDGES = 320000
D_FEAT = 128


def setup_inputs(seed: int = 0) -> dict:
    key = jax.random.key(seed)
    k1, k2, k3 = jax.random.split(key, 3)
    ego_embedding = jax.random.normal(k1, (N_NODES, D_FEAT), dtype=jnp.float32)
    edge_index = jax.random.randint(k2, (2, N_EDGES), 0, N_NODES, dtype=jnp.int64)
    edge_weight = jax.random.uniform(k3, (N_EDGES,), dtype=jnp.float32)
    return {"ego_embedding": ego_embedding, "edge_index": edge_index, "edge_weight": edge_weight}


def reference(ego_embedding, edge_index, edge_weight):
    # DGL update_all with fn.u_mul_e('h', 'edge_weight', 'm') and fn.sum(msg='m', out='h'):
    # message on each edge = h[src] * edge_weight, reduced by sum at dst node.
    src = edge_index[0]
    dst = edge_index[1]
    messages = jnp.take(ego_embedding, src, axis=0) * edge_weight[:, None]
    h = jax.ops.segment_sum(messages, dst, num_segments=ego_embedding.shape[0])
    # F.normalize(h, dim=1, p=2) with eps=1e-12
    norm = jnp.linalg.norm(h, ord=2, axis=1, keepdims=True)
    h = h / jnp.maximum(norm, 1e-12)
    return h

if __name__ == "__main__":
    import jax
    _d = setup_inputs()
    print(jax.jit(kernel)(*tuple(_d.values())))

</pallas_src>

<mosaic_0001>
#map = affine_map<(d0, d1) -> (0, 0)>
#map1 = affine_map<(d0, d1) -> (0, 0, 0)>
module attributes {stable_mosaic.version = 14 : i64} {
  func.func @k(%arg0: i32, %arg1: i32, %arg2: memref<10000x128xbf16, #tpu.memory_space<hbm>>, %arg3: memref<32x125x80xi32, #tpu.memory_space<hbm>>, %arg4: memref<32x125x80xi32, #tpu.memory_space<hbm>>, %arg5: memref<32x125x1280xf32, #tpu.memory_space<hbm>>, %arg6: memref<625x128xf32, #tpu.memory_space<hbm>>, %arg7: memref<2x10000x128xf32, #tpu.memory_space<hbm>>, %arg8: memref<10000x128xf32, #tpu.memory_space<vmem_shared>>, %arg9: memref<125x80xi32, #tpu.memory_space<vmem>>, %arg10: memref<1x1280xf32, #tpu.memory_space<vmem>>, %arg11: memref<1x1280xf32, #tpu.memory_space<vmem>>, %arg12: memref<1x1280xf32, #tpu.memory_space<vmem>>, %arg13: memref<1x1280xf32, #tpu.memory_space<vmem>>, %arg14: memref<1x80xi32, #tpu.memory_space<vmem>>, %arg15: memref<1x80xi32, #tpu.memory_space<vmem>>, %arg16: memref<1x80xi32, #tpu.memory_space<vmem>>, %arg17: memref<1x80xi32, #tpu.memory_space<vmem>>, %arg18: memref<80x128xbf16, #tpu.memory_space<vmem>>, %arg19: memref<80x128xbf16, #tpu.memory_space<vmem>>, %arg20: memref<80x128xf32, #tpu.memory_space<vmem>>, %arg21: memref<80x128xf32, #tpu.memory_space<vmem>>, %arg22: memref<!tpu.dma_semaphore, #tpu.memory_space<semaphore_mem>>, %arg23: memref<!tpu.dma_semaphore, #tpu.memory_space<semaphore_mem>>, %arg24: memref<!tpu.dma_semaphore, #tpu.memory_space<semaphore_mem>>, %arg25: memref<!tpu.dma_semaphore, #tpu.memory_space<semaphore_mem>>, %arg26: memref<!tpu.dma_semaphore, #tpu.memory_space<semaphore_mem>>, %arg27: memref<!tpu.dma_semaphore, #tpu.memory_space<semaphore_mem>>, %arg28: memref<!tpu.dma_semaphore, #tpu.memory_space<semaphore_mem>>, %arg29: memref<!tpu.dma_semaphore, #tpu.memory_space<semaphore_mem>>, %arg30: memref<!tpu.dma_semaphore, #tpu.memory_space<semaphore_mem>>, %arg31: memref<!tpu.dma_semaphore, #tpu.memory_space<semaphore_mem>>, %arg32: memref<!tpu.dma_semaphore, #tpu.memory_space<semaphore_mem>>, %arg33: memref<!tpu.dma_semaphore, #tpu.memory_space<semaphore_mem>>) attributes {dimension_semantics = [#tpu.dimension_semantics<core_parallel>, #tpu.dimension_semantics<subcore_parallel>], iteration_bounds = array<i64: 2, 16>, scalar_prefetch = 0 : i64, scratch_operands = 26 : i64, tpu.core_type = #tpu.core_type<sc_vector_subcore>, window_params = [{transform_indices = #map}, {transform_indices = #map1}, {transform_indices = #map1}, {transform_indices = #map1}, {transform_indices = #map}, {transform_indices = #map1}]} {
    %mul3A = arith.constant 16 : i32
    %mul3A_0 = arith.muli %arg0, %mul3A : i32
    %add3A = arith.addi %mul3A_0, %arg1 : i32
    "tpu.region"() ({
      %run_scoped3A = tpu.sem_alloc : memref<!tpu.dma_semaphore, #tpu.memory_space<semaphore_mem>>
      %dma_start3A_324 = arith.constant 0 : i32
      %dma_start3A_325 = arith.constant 0 : i32
      %dma_start3A_326 = tpu.memref_slice %arg3[%add3A, %dma_start3A_324, %dma_start3A_325] : memref<32x125x80xi32, #tpu.memory_space<hbm>> -> memref<1x125x80xi32, #tpu.memory_space<hbm>>
      %dma_start3A_327 = tpu.memref_squeeze %dma_start3A_326 : memref<1x125x80xi32, #tpu.memory_space<hbm>> -> memref<125x80xi32, #tpu.memory_space<hbm>>
      %dma_start3A_328 = arith.constant 0 : i32
      %dma_start3A_329 = arith.constant 0 : i32
      %dma_start3A_330 = tpu.memref_slice %arg3[%add3A, %dma_start3A_328, %dma_start3A_329] : memref<32x125x80xi32, #tpu.memory_space<hbm>> -> memref<1x125x80xi32, #tpu.memory_space<hbm>>
      %dma_start3A_331 = tpu.memref_squeeze %dma_start3A_330 : memref<1x125x80xi32, #tpu.memory_space<hbm>> -> memref<125x80xi32, #tpu.memory_space<hbm>>
      tpu.enqueue_dma source(%dma_start3A_331 : memref<125x80xi32, #tpu.memory_space<hbm>>) target(%arg9 : memref<125x80xi32, #tpu.memory_space<vmem>>) target_semaphore(%run_scoped3A : memref<!tpu.dma_semaphore, #tpu.memory_space<semaphore_mem>>)
      %dma_wait3A_332 = arith.constant 0 : i32
      %dma_wait3A_333 = arith.constant 0 : i32
      %dma_wait3A_334 = tpu.memref_slice %arg3[%add3A, %dma_wait3A_332, %dma_wait3A_333] : memref<32x125x80xi32, #tpu.memory_space<hbm>> -> memref<1x125x80xi32, #tpu.memory_space<hbm>>
      %dma_wait3A_335 = tpu.memref_squeeze %dma_wait3A_334 : memref<1x125x80xi32, #tpu.memory_space<hbm>> -> memref<125x80xi32, #tpu.memory_space<hbm>>
      %dma_wait3A_336 = arith.constant 0 : i32
      %dma_wait3A_337 = arith.constant 0 : i32
      %dma_wait3A_338 = tpu.memref_slice %arg3[%add3A, %dma_wait3A_336, %dma_wait3A_337] : memref<32x125x80xi32, #tpu.memory_space<hbm>> -> memref<1x125x80xi32, #tpu.memory_space<hbm>>
      %dma_wait3A_339 = tpu.memref_squeeze %dma_wait3A_338 : memref<1x125x80xi32, #tpu.memory_space<hbm>> -> memref<125x80xi32, #tpu.memory_space<hbm>>
      tpu.wait_dma2 semaphore(%run_scoped3A : memref<!tpu.dma_semaphore, #tpu.memory_space<semaphore_mem>>) src(%dma_wait3A_339 : memref<125x80xi32, #tpu.memory_space<hbm>>) dst(%arg9 : memref<125x80xi32, #tpu.memory_space<vmem>>)
      tpu.yield
    }) : () -> ()
    %mul3A_1 = arith.constant 625 : i32
    %mul3A_2 = arith.muli %arg1, %mul3A_1 : i32
    "tpu.region"() ({
      %run_scoped3A = tpu.sem_alloc : memref<!tpu.dma_semaphore, #tpu.memory_space<semaphore_mem>>
      %dma_start3A_324 = arith.constant 0 : i32
      %dma_start3A_325 = tpu.memref_slice %arg8[%mul3A_2, %dma_start3A_324] : memref<10000x128xf32, #tpu.memory_space<vmem_shared>> -> memref<625x128xf32, #tpu.memory_space<vmem_shared>>
      tpu.enqueue_dma source(%arg6 : memref<625x128xf32, #tpu.memory_space<hbm>>) target(%dma_start3A_325 : memref<625x128xf32, #tpu.memory_space<vmem_shared>>) target_semaphore(%run_scoped3A : memref<!tpu.dma_semaphore, #tpu.memory_space<semaphore_mem>>)
      %dma_wait3A_326 = arith.constant 0 : i32
      %dma_wait3A_327 = tpu.memref_slice %arg8[%mul3A_2, %dma_wait3A_326] : memref<10000x128xf32, #tpu.memory_space<vmem_shared>> -> memref<625x128xf32, #tpu.memory_space<vmem_shared>>
      tpu.wait_dma2 semaphore(%run_scoped3A : memref<!tpu.dma_semaphore, #tpu.memory_space<semaphore_mem>>) src(%arg6 : memref<625x128xf32, #tpu.memory_space<hbm>>) dst(%dma_wait3A_327 : memref<625x128xf32, #tpu.memory_space<vmem_shared>>)
      tpu.yield
    }) : () -> ()
    %barrier3A = arith.constant 0 : index
    tpu.barrier barrier_id(%barrier3A)
    %dma_start3A = arith.constant 0 : i32
    %dma_start3A_3 = arith.constant 0 : i32
    %dma_start3A_4 = tpu.memref_slice %arg9[%dma_start3A, %dma_start3A_3] : memref<125x80xi32, #tpu.memory_space<vmem>> -> memref<1x80xi32, #tpu.memory_space<vmem>>
    %dma_start3A_5 = tpu.memref_squeeze %dma_start3A_4 : memref<1x80xi32, #tpu.memory_space<vmem>> -> memref<80xi32, #tpu.memory_space<vmem>>
    %dma_start3A_6 = arith.constant 0 : i32
    %dma_start3A_7 = arith.constant 0 : i32
    %dma_start3A_8 = tpu.memref_slice %arg2[%dma_start3A_6, %dma_start3A_7] : memref<10000x128xbf16, #tpu.memory_space<hbm>> -> memref<10000x128xbf16, #tpu.memory_space<hbm>>
    tpu.enqueue_indirect_dma source(%dma_start3A_8 : memref<10000x128xbf16, #tpu.memory_space<hbm>>) target(%arg18 : memref<80x128xbf16, #tpu.memory_space<vmem>>) offsets(%dma_start3A_5 : memref<80xi32, #tpu.memory_space<vmem>>) semaphore(%arg22 : memref<!tpu.dma_semaphore, #tpu.memory_space<semaphore_mem>>)
    %dma_start3A_9 = arith.constant 0 : i32
    %dma_start3A_10 = arith.constant 0 : i32
    %dma_start3A_11 = tpu.memref_slice %arg4[%add3A, %dma_start3A_9, %dma_start3A_10] : memref<32x125x80xi32, #tpu.memory_space<hbm>> -> memref<1x1x80xi32, #tpu.memory_space<hbm>>
    %dma_start3A_12 = tpu.memref_squeeze %dma_start3A_11 : memref<1x1x80xi32, #tpu.memory_space<hbm>> -> memref<1x80xi32, #tpu.memory_space<hbm>>
    %dma_start3A_13 = arith.constant 0 : i32
    %dma_start3A_14 = arith.constant 0 : i32
    %dma_start3A_15 = tpu.memref_slice %arg4[%add3A, %dma_start3A_13, %dma_start3A_14] : memref<32x125x80xi32, #tpu.memory_space<hbm>> -> memref<1x1x80xi32, #tpu.memory_space<hbm>>
    %dma_start3A_16 = tpu.memref_squeeze %dma_start3A_15 : memref<1x1x80xi32, #tpu.memory_space<hbm>> -> memref<1x80xi32, #tpu.memory_space<hbm>>
    tpu.enqueue_dma source(%dma_start3A_16 : memref<1x80xi32, #tpu.memory_space<hbm>>) target(%arg14 : memref<1x80xi32, #tpu.memory_space<vmem>>) target_semaphore(%arg24 : memref<!tpu.dma_semaphore, #tpu.memory_space<semaphore_mem>>)
    %dma_start3A_17 = arith.constant 0 : i32
    %dma_start3A_18 = arith.constant 0 : i32
    %dma_start3A_19 = tpu.memref_slice %arg5[%add3A, %dma_start3A_17, %dma_start3A_18] : memref<32x125x1280xf32, #tpu.memory_space<hbm>> -> memref<1x1x1280xf32, #tpu.memory_space<hbm>>
    %dma_start3A_20 = tpu.memref_squeeze %dma_start3A_19 : memref<1x1x1280xf32, #tpu.memory_space<hbm>> -> memref<1x1280xf32, #tpu.memory_space<hbm>>
    %dma_start3A_21 = arith.constant 0 : i32
    %dma_start3A_22 = arith.constant 0 : i32
    %dma_start3A_23 = tpu.memref_slice %arg5[%add3A, %dma_start3A_21, %dma_start3A_22] : memref<32x125x1280xf32, #tpu.memory_space<hbm>> -> memref<1x1x1280xf32, #tpu.memory_space<hbm>>
    %dma_start3A_24 = tpu.memref_squeeze %dma_start3A_23 : memref<1x1x1280xf32, #tpu.memory_space<hbm>> -> memref<1x1280xf32, #tpu.memory_space<hbm>>
    tpu.enqueue_dma source(%dma_start3A_24 : memref<1x1280xf32, #tpu.memory_space<hbm>>) target(%arg10 : memref<1x1280xf32, #tpu.memory_space<vmem>>) target_semaphore(%arg28 : memref<!tpu.dma_semaphore, #tpu.memory_space<semaphore_mem>>)
    %dma_start3A_25 = arith.constant 1 : i32
    %dma_start3A_26 = arith.constant 0 : i32
    %dma_start3A_27 = tpu.memref_slice %arg9[%dma_start3A_25, %dma_start3A_26] : memref<125x80xi32, #tpu.memory_space<vmem>> -> memref<1x80xi32, #tpu.memory_space<vmem>>
    %dma_start3A_28 = tpu.memref_squeeze %dma_start3A_27 : memref<1x80xi32, #tpu.memory_space<vmem>> -> memref<80xi32, #tpu.memory_space<vmem>>
    %dma_start3A_29 = arith.constant 0 : i32
    %dma_start3A_30 = arith.constant 0 : i32
    %dma_start3A_31 = tpu.memref_slice %arg2[%dma_start3A_29, %dma_start3A_30] : memref<10000x128xbf16, #tpu.memory_space<hbm>> -> memref<10000x128xbf16, #tpu.memory_space<hbm>>
    tpu.enqueue_indirect_dma source(%dma_start3A_31 : memref<10000x128xbf16, #tpu.memory_space<hbm>>) target(%arg19 : memref<80x128xbf16, #tpu.memory_space<vmem>>) offsets(%dma_start3A_28 : memref<80xi32, #tpu.memory_space<vmem>>) semaphore(%arg23 : memref<!tpu.dma_semaphore, #tpu.memory_space<semaphore_mem>>)
    %dma_start3A_32 = arith.constant 1 : i32
    %dma_start3A_33 = arith.constant 0 : i32
    %dma_start3A_34 = tpu.memref_slice %arg4[%add3A, %dma_start3A_32, %dma_start3A_33] : memref<32x125x80xi32, #tpu.memory_space<hbm>> -> memref<1x1x80xi32, #tpu.memory_space<hbm>>
    %dma_start3A_35 = tpu.memref_squeeze %dma_start3A_34 : memref<1x1x80xi32, #tpu.memory_space<hbm>> -> memref<1x80xi32, #tpu.memory_space<hbm>>
    %dma_start3A_36 = arith.constant 1 : i32
    %dma_start3A_37 = arith.constant 0 : i32
    %dma_start3A_38 = tpu.memref_slice %arg4[%add3A, %dma_start3A_36, %dma_start3A_37] : memref<32x125x80xi32, #tpu.memory_space<hbm>> -> memref<1x1x80xi32, #tpu.memory_space<hbm>>
    %dma_start3A_39 = tpu.memref_squeeze %dma_start3A_38 : memref<1x1x80xi32, #tpu.memory_space<hbm>> -> memref<1x80xi32, #tpu.memory_space<hbm>>
    tpu.enqueue_dma source(%dma_start3A_39 : memref<1x80xi32, #tpu.memory_space<hbm>>) target(%arg15 : memref<1x80xi32, #tpu.memory_space<vmem>>) target_semaphore(%arg25 : memref<!tpu.dma_semaphore, #tpu.memory_space<semaphore_mem>>)
    %dma_start3A_40 = arith.constant 1 : i32
    %dma_start3A_41 = arith.constant 0 : i32
    %dma_start3A_42 = tpu.memref_slice %arg5[%add3A, %dma_start3A_40, %dma_start3A_41] : memref<32x125x1280xf32, #tpu.memory_space<hbm>> -> memref<1x1x1280xf32, #tpu.memory_space<hbm>>
    %dma_start3A_43 = tpu.memref_squeeze %dma_start3A_42 : memref<1x1x1280xf32, #tpu.memory_space<hbm>> -> memref<1x1280xf32, #tpu.memory_space<hbm>>
    %dma_start3A_44 = arith.constant 1 : i32
    %dma_start3A_45 = arith.constant 0 : i32
    %dma_start3A_46 = tpu.memref_slice %arg5[%add3A, %dma_start3A_44, %dma_start3A_45] : memref<32x125x1280xf32, #tpu.memory_space<hbm>> -> memref<1x1x1280xf32, #tpu.memory_space<hbm>>
    %dma_start3A_47 = tpu.memref_squeeze %dma_start3A_46 : memref<1x1x1280xf32, #tpu.memory_space<hbm>> -> memref<1x1280xf32, #tpu.memory_space<hbm>>
    tpu.enqueue_dma source(%dma_start3A_47 : memref<1x1280xf32, #tpu.memory_space<hbm>>) target(%arg11 : memref<1x1280xf32, #tpu.memory_space<vmem>>) target_semaphore(%arg29 : memref<!tpu.dma_semaphore, #tpu.memory_space<semaphore_mem>>)
    %dma_wait3A = arith.constant 0 : i32
    %dma_wait3A_48 = arith.constant 0 : i32
    %dma_wait3A_49 = tpu.memref_slice %arg9[%dma_wait3A, %dma_wait3A_48] : memref<125x80xi32, #tpu.memory_space<vmem>> -> memref<1x80xi32, #tpu.memory_space<vmem>>
    %dma_wait3A_50 = tpu.memref_squeeze %dma_wait3A_49 : memref<1x80xi32, #tpu.memory_space<vmem>> -> memref<80xi32, #tpu.memory_space<vmem>>
    %dma_wait3A_51 = arith.constant 0 : i32
    %dma_wait3A_52 = arith.constant 0 : i32
    %dma_wait3A_53 = tpu.memref_slice %arg2[%dma_wait3A_51, %dma_wait3A_52] : memref<10000x128xbf16, #tpu.memory_space<hbm>> -> memref<10000x128xbf16, #tpu.memory_space<hbm>>
    tpu.wait_indirect_dma semaphore(%arg22 : memref<!tpu.dma_semaphore, #tpu.memory_space<semaphore_mem>>) src(%dma_wait3A_53 : memref<10000x128xbf16, #tpu.memory_space<hbm>>) dst(%arg18 : memref<80x128xbf16, #tpu.memory_space<vmem>>)
    %dma_wait3A_54 = arith.constant 0 : i32
    %dma_wait3A_55 = arith.constant 0 : i32
    %dma_wait3A_56 = tpu.memref_slice %arg4[%add3A, %dma_wait3A_54, %dma_wait3A_55] : memref<32x125x80xi32, #tpu.memory_space<hbm>> -> memref<1x1x80xi32, #tpu.memory_space<hbm>>
    %dma_wait3A_57 = tpu.memref_squeeze %dma_wait3A_56 : memref<1x1x80xi32, #tpu.memory_space<hbm>> -> memref<1x80xi32, #tpu.memory_space<hbm>>
    %dma_wait3A_58 = arith.constant 0 : i32
    %dma_wait3A_59 = arith.constant 0 : i32
    %dma_wait3A_60 = tpu.memref_slice %arg4[%add3A, %dma_wait3A_58, %dma_wait3A_59] : memref<32x125x80xi32, #tpu.memory_space<hbm>> -> memref<1x1x80xi32, #tpu.memory_space<hbm>>
    %dma_wait3A_61 = tpu.memref_squeeze %dma_wait3A_60 : memref<1x1x80xi32, #tpu.memory_space<hbm>> -> memref<1x80xi32, #tpu.memory_space<hbm>>
    tpu.wait_dma2 semaphore(%arg24 : memref<!tpu.dma_semaphore, #tpu.memory_space<semaphore_mem>>) src(%dma_wait3A_61 : memref<1x80xi32, #tpu.memory_space<hbm>>) dst(%arg14 : memref<1x80xi32, #tpu.memory_space<vmem>>)
    %dma_wait3A_62 = arith.constant 0 : i32
    %dma_wait3A_63 = arith.constant 0 : i32
    %dma_wait3A_64 = tpu.memref_slice %arg5[%add3A, %dma_wait3A_62, %dma_wait3A_63] : memref<32x125x1280xf32, #tpu.memory_space<hbm>> -> memref<1x1x1280xf32, #tpu.memory_space<hbm>>
    %dma_wait3A_65 = tpu.memref_squeeze %dma_wait3A_64 : memref<1x1x1280xf32, #tpu.memory_space<hbm>> -> memref<1x1280xf32, #tpu.memory_space<hbm>>
    %dma_wait3A_66 = arith.constant 0 : i32
    %dma_wait3A_67 = arith.constant 0 : i32
    %dma_wait3A_68 = tpu.memref_slice %arg5[%add3A, %dma_wait3A_66, %dma_wait3A_67] : memref<32x125x1280xf32, #tpu.memory_space<hbm>> -> memref<1x1x1280xf32, #tpu.memory_space<hbm>>
    %dma_wait3A_69 = tpu.memref_squeeze %dma_wait3A_68 : memref<1x1x1280xf32, #tpu.memory_space<hbm>> -> memref<1x1280xf32, #tpu.memory_space<hbm>>
    tpu.wait_dma2 semaphore(%arg28 : memref<!tpu.dma_semaphore, #tpu.memory_space<semaphore_mem>>) src(%dma_wait3A_69 : memref<1x1280xf32, #tpu.memory_space<hbm>>) dst(%arg10 : memref<1x1280xf32, #tpu.memory_space<vmem>>)
    %parallel_loop3A = arith.constant 0 : i32
    %parallel_loop3A_70 = arith.constant 80 : i32
    %parallel_loop3A_71 = arith.constant 1 : i32
    scf.for %parallel_loop3A_324 = %parallel_loop3A to %parallel_loop3A_70 step %parallel_loop3A_71  : i32 {
      %parallel_loop3A_325 = arith.constant 16 : i32
      %parallel_loop3A_326 = arith.muli %parallel_loop3A_324, %parallel_loop3A_325 : i32
      %parallel_loop3A_327 = arith.constant 0 : i32
      %parallel_loop3A_328 = arith.index_cast %parallel_loop3A_327 : i32 to index
      %parallel_loop3A_329 = arith.index_cast %parallel_loop3A_326 : i32 to index
      %parallel_loop3A_330 = tpu.vector_load %arg10[%parallel_loop3A_328, %parallel_loop3A_329] {strides = array<i32>} : memref<1x1280xf32, #tpu.memory_space<vmem>>, vector<16xf32>,
      %parallel_loop3A_331 = arith.index_cast %parallel_loop3A_324 : i32 to index
      %parallel_loop3A_332 = arith.constant 0 : index
      %parallel_loop3A_333 = tpu.vector_load %arg18[%parallel_loop3A_331, %parallel_loop3A_332] {strides = array<i32>} : memref<80x128xbf16, #tpu.memory_space<vmem>>, vector<32xbf16>,
      %parallel_loop3A_334 = tpu.unpack_subelements %parallel_loop3A_333, 0 {pack_format = #tpu.pack_format<interleaved>} : vector<32xbf16> -> vector<16xf32>
      %parallel_loop3A_335 = tpu.unpack_subelements %parallel_loop3A_333, 1 {pack_format = #tpu.pack_format<interleaved>} : vector<32xbf16> -> vector<16xf32>
      %parallel_loop3A_336 = arith.mulf %parallel_loop3A_334, %parallel_loop3A_330 : vector<16xf32>
      %parallel_loop3A_337 = arith.index_cast %parallel_loop3A_324 : i32 to index
      %parallel_loop3A_338 = arith.constant 0 : index
      %parallel_loop3A_339 = tpu.vector_load %arg20[%parallel_loop3A_337, %parallel_loop3A_338] {strides = array<i32>} : memref<80x128xf32, #tpu.memory_space<vmem>>, vector<16xf32>,
      tpu.vector_store %arg20[%parallel_loop3A_337, %parallel_loop3A_338], %parallel_loop3A_336 {strides = array<i32>} : memref<80x128xf32, #tpu.memory_space<vmem>>, vector<16xf32>,
      %parallel_loop3A_340 = arith.mulf %parallel_loop3A_335, %parallel_loop3A_330 : vector<16xf32>
      %parallel_loop3A_341 = arith.index_cast %parallel_loop3A_324 : i32 to index
      %parallel_loop3A_342 = arith.constant 16 : index
      %parallel_loop3A_343 = tpu.vector_load %arg20[%parallel_loop3A_341, %parallel_loop3A_342] {strides = array<i32>} : memref<80x128xf32, #tpu.memory_space<vmem>>, vector<16xf32>,
      tpu.vector_store %arg20[%parallel_loop3A_341, %parallel_loop3A_342], %parallel_loop3A_340 {strides = array<i32>} : memref<80x128xf32, #tpu.memory_space<vmem>>, vector<16xf32>,
      %parallel_loop3A_344 = arith.index_cast %parallel_loop3A_324 : i32 to index
      %parallel_loop3A_345 = arith.constant 32 : index
      %parallel_loop3A_346 = tpu.vector_load %arg18[%parallel_loop3A_344, %parallel_loop3A_345] {strides = array<i32>} : memref<80x128xbf16, #tpu.memory_space<vmem>>, vector<32xbf16>,
      %parallel_loop3A_347 = tpu.unpack_subelements %parallel_loop3A_346, 0 {pack_format = #tpu.pack_format<interleaved>} : vector<32xbf16> -> vector<16xf32>
      %parallel_loop3A_348 = tpu.unpack_subelements %parallel_loop3A_346, 1 {pack_format = #tpu.pack_format<interleaved>} : vector<32xbf16> -> vector<16xf32>
      %parallel_loop3A_349 = arith.mulf %parallel_loop3A_347, %parallel_loop3A_330 : vector<16xf32>
      %parallel_loop3A_350 = arith.index_cast %parallel_loop3A_324 : i32 to index
      %parallel_loop3A_351 = arith.constant 32 : index
      %parallel_loop3A_352 = tpu.vector_load %arg20[%parallel_loop3A_350, %parallel_loop3A_351] {strides = array<i32>} : memref<80x128xf32, #tpu.memory_space<vmem>>, vector<16xf32>,
      tpu.vector_store %arg20[%parallel_loop3A_350, %parallel_loop3A_351], %parallel_loop3A_349 {strides = array<i32>} : memref<80x128xf32, #tpu.memory_space<vmem>>, vector<16xf32>,
      %parallel_loop3A_353 = arith.mulf %parallel_loop3A_348, %parallel_loop3A_330 : vector<16xf32>
      %parallel_loop3A_354 = arith.index_cast %parallel_loop3A_324 : i32 to index
      %parallel_loop3A_355 = arith.constant 48 : index
      %parallel_loop3A_356 = tpu.vector_load %arg20[%parallel_loop3A_354, %parallel_loop3A_355] {strides = array<i32>} : memref<80x128xf32, #tpu.memory_space<vmem>>, vector<16xf32>,
      tpu.vector_store %arg20[%parallel_loop3A_354, %parallel_loop3A_355], %parallel_loop3A_353 {strides = array<i32>} : memref<80x128xf32, #tpu.memory_space<vmem>>, vector<16xf32>,
      %parallel_loop3A_357 = arith.index_cast %parallel_loop3A_324 : i32 to index
      %parallel_loop3A_358 = arith.constant 64 : index
      %parallel_loop3A_359 = tpu.vector_load %arg18[%parallel_loop3A_357, %parallel_loop3A_358] {strides = array<i32>} : memref<80x128xbf16, #tpu.memory_space<vmem>>, vector<32xbf16>,
      %parallel_loop3A_360 = tpu.unpack_subelements %parallel_loop3A_359, 0 {pack_format = #tpu.pack_format<interleaved>} : vector<32xbf16> -> vector<16xf32>
      %parallel_loop3A_361 = tpu.unpack_subelements %parallel_loop3A_359, 1 {pack_format = #tpu.pack_format<interleaved>} : vector<32xbf16> -> vector<16xf32>
      %parallel_loop3A_362 = arith.mulf %parallel_loop3A_360, %parallel_loop3A_330 : vector<16xf32>
      %parallel_loop3A_363 = arith.index_cast %parallel_loop3A_324 : i32 to index
      %parallel_loop3A_364 = arith.constant 64 : index
      %parallel_loop3A_365 = tpu.vector_load %arg20[%parallel_loop3A_363, %parallel_loop3A_364] {strides = array<i32>} : memref<80x128xf32, #tpu.memory_space<vmem>>, vector<16xf32>,
      tpu.vector_store %arg20[%parallel_loop3A_363, %parallel_loop3A_364], %parallel_loop3A_362 {strides = array<i32>} : memref<80x128xf32, #tpu.memory_space<vmem>>, vector<16xf32>,
      %parallel_loop3A_366 = arith.mulf %parallel_loop3A_361, %parallel_loop3A_330 : vector<16xf32>
      %parallel_loop3A_367 = arith.index_cast %parallel_loop3A_324 : i32 to index
      %parallel_loop3A_368 = arith.constant 80 : index
      %parallel_loop3A_369 = tpu.vector_load %arg20[%parallel_loop3A_367, %parallel_loop3A_368] {strides = array<i32>} : memref<80x128xf32, #tpu.memory_space<vmem>>, vector<16xf32>,
      tpu.vector_store %arg20[%parallel_loop3A_367, %parallel_loop3A_368], %parallel_loop3A_366 {strides = array<i32>} : memref<80x128xf32, #tpu.memory_space<vmem>>, vector<16xf32>,
      %parallel_loop3A_370 = arith.index_cast %parallel_loop3A_324 : i32 to index
      %parallel_loop3A_371 = arith.constant 96 : index
      %parallel_loop3A_372 = tpu.vector_load %arg18[%parallel_loop3A_370, %parallel_loop3A_371] {strides = array<i32>} : memref<80x128xbf16, #tpu.memory_space<vmem>>, vector<32xbf16>,
      %parallel_loop3A_373 = tpu.unpack_subelements %parallel_loop3A_372, 0 {pack_format = #tpu.pack_format<interleaved>} : vector<32xbf16> -> vector<16xf32>
      %parallel_loop3A_374 = tpu.unpack_subelements %parallel_loop3A_372, 1 {pack_format = #tpu.pack_format<interleaved>} : vector<32xbf16> -> vector<16xf32>
      %parallel_loop3A_375 = arith.mulf %parallel_loop3A_373, %parallel_loop3A_330 : vector<16xf32>
      %parallel_loop3A_376 = arith.index_cast %parallel_loop3A_324 : i32 to index
      %parallel_loop3A_377 = arith.constant 96 : index
      %parallel_loop3A_378 = tpu.vector_load %arg20[%parallel_loop3A_376, %parallel_loop3A_377] {strides = array<i32>} : memref<80x128xf32, #tpu.memory_space<vmem>>, vector<16xf32>,
      tpu.vector_store %arg20[%parallel_loop3A_376, %parallel_loop3A_377], %parallel_loop3A_375 {strides = array<i32>} : memref<80x128xf32, #tpu.memory_space<vmem>>, vector<16xf32>,
      %parallel_loop3A_379 = arith.mulf %parallel_loop3A_374, %parallel_loop3A_330 : vector<16xf32>
      %parallel_loop3A_380 = arith.index_cast %parallel_loop3A_324 : i32 to index
      %parallel_loop3A_381 = arith.constant 112 : index
      %parallel_loop3A_382 = tpu.vector_load %arg20[%parallel_loop3A_380, %parallel_loop3A_381] {strides = array<i32>} : memref<80x128xf32, #tpu.memory_space<vmem>>, vector<16xf32>,
      tpu.vector_store %arg20[%parallel_loop3A_380, %parallel_loop3A_381], %parallel_loop3A_379 {strides = array<i32>} : memref<80x128xf32, #tpu.memory_space<vmem>>, vector<16xf32>,
    } {sc.loop_unroll_factor = 1 : i64, sc.parallel_access}
    %dma_start3A_72 = arith.constant 0 : i32
    %dma_start3A_73 = arith.constant 0 : i32
    %dma_start3A_74 = tpu.memref_slice %arg14[%dma_start3A_72, %dma_start3A_73] : memref<1x80xi32, #tpu.memory_space<vmem>> -> memref<1x80xi32, #tpu.memory_space<vmem>>
    %dma_start3A_75 = tpu.memref_squeeze %dma_start3A_74 : memref<1x80xi32, #tpu.memory_space<vmem>> -> memref<80xi32, #tpu.memory_space<vmem>>
    %dma_start3A_76 = arith.constant 0 : i32
    %dma_start3A_77 = arith.constant 0 : i32
    %dma_start3A_78 = tpu.memref_slice %arg8[%dma_start3A_76, %dma_start3A_77] : memref<10000x128xf32, #tpu.memory_space<vmem_shared>> -> memref<10000x128xf32, #tpu.memory_space<vmem_shared>>
    tpu.enqueue_indirect_dma source(%arg20 : memref<80x128xf32, #tpu.memory_space<vmem>>) target(%dma_start3A_78 : memref<10000x128xf32, #tpu.memory_space<vmem_shared>>) offsets(%dma_start3A_75 : memref<80xi32, #tpu.memory_space<vmem>>) semaphore(%arg32 : memref<!tpu.dma_semaphore, #tpu.memory_space<semaphore_mem>>) {add = true}
    %dma_start3A_79 = arith.constant 2 : i32
    %dma_start3A_80 = arith.constant 0 : i32
    %dma_start3A_81 = tpu.memref_slice %arg9[%dma_start3A_79, %dma_start3A_80] : memref<125x80xi32, #tpu.memory_space<vmem>> -> memref<1x80xi32, #tpu.memory_space<vmem>>
    %dma_start3A_82 = tpu.memref_squeeze %dma_start3A_81 : memref<1x80xi32, #tpu.memory_space<vmem>> -> memref<80xi32, #tpu.memory_space<vmem>>
    %dma_start3A_83 = arith.constant 0 : i32
    %dma_start3A_84 = arith.constant 0 : i32
    %dma_start3A_85 = tpu.memref_slice %arg2[%dma_start3A_83, %dma_start3A_84] : memref<10000x128xbf16, #tpu.memory_space<hbm>> -> memref<10000x128xbf16, #tpu.memory_space<hbm>>
    tpu.enqueue_indirect_dma source(%dma_start3A_85 : memref<10000x128xbf16, #tpu.memory_space<hbm>>) target(%arg18 : memref<80x128xbf16, #tpu.memory_space<vmem>>) offsets(%dma_start3A_82 : memref<80xi32, #tpu.memory_space<vmem>>) semaphore(%arg22 : memref<!tpu.dma_semaphore, #tpu.memory_space<semaphore_mem>>)
    %dma_start3A_86 = arith.constant 2 : i32
    %dma_start3A_87 = arith.constant 0 : i32
    %dma_start3A_88 = tpu.memref_slice %arg4[%add3A, %dma_start3A_86, %dma_start3A_87] : memref<32x125x80xi32, #tpu.memory_space<hbm>> -> memref<1x1x80xi32, #tpu.memory_space<hbm>>
    %dma_start3A_89 = tpu.memref_squeeze %dma_start3A_88 : memref<1x1x80xi32, #tpu.memory_space<hbm>> -> memref<1x80xi32, #tpu.memory_space<hbm>>
    %dma_start3A_90 = arith.constant 2 : i32
    %dma_start3A_91 = arith.constant 0 : i32
    %dma_start3A_92 = tpu.memref_slice %arg4[%add3A, %dma_start3A_90, %dma_start3A_91] : memref<32x125x80xi32, #tpu.memory_space<hbm>> -> memref<1x1x80xi32, #tpu.memory_space<hbm>>
    %dma_start3A_93 = tpu.memref_squeeze %dma_start3A_92 : memref<1x1x80xi32, #tpu.memory_space<hbm>> -> memref<1x80xi32, #tpu.memory_space<hbm>>
    tpu.enqueue_dma source(%dma_start3A_93 : memref<1x80xi32, #tpu.memory_space<hbm>>) target(%arg16 : memref<1x80xi32, #tpu.memory_space<vmem>>) target_semaphore(%arg26 : memref<!tpu.dma_semaphore, #tpu.memory_space<semaphore_mem>>)
    %dma_start3A_94 = arith.constant 2 : i32
    %dma_start3A_95 = arith.constant 0 : i32
    %dma_start3A_96 = tpu.memref_slice %arg5[%add3A, %dma_start3A_94, %dma_start3A_95] : memref<32x125x1280xf32, #tpu.memory_space<hbm>> -> memref<1x1x1280xf32, #tpu.memory_space<hbm>>
    %dma_start3A_97 = tpu.memref_squeeze %dma_start3A_96 : memref<1x1x1280xf32, #tpu.memory_space<hbm>> -> memref<1x1280xf32, #tpu.memory_space<hbm>>
    %dma_start3A_98 = arith.constant 2 : i32
    %dma_start3A_99 = arith.constant 0 : i32
    %dma_start3A_100 = tpu.memref_slice %arg5[%add3A, %dma_start3A_98, %dma_start3A_99] : memref<32x125x1280xf32, #tpu.memory_space<hbm>> -> memref<1x1x1280xf32, #tpu.memory_space<hbm>>
    %dma_start3A_101 = tpu.memref_squeeze %dma_start3A_100 : memref<1x1x1280xf32, #tpu.memory_space<hbm>> -> memref<1x1280xf32, #tpu.memory_space<hbm>>
    tpu.enqueue_dma source(%dma_start3A_101 : memref<1x1280xf32, #tpu.memory_space<hbm>>) target(%arg12 : memref<1x1280xf32, #tpu.memory_space<vmem>>) target_semaphore(%arg30 : memref<!tpu.dma_semaphore, #tpu.memory_space<semaphore_mem>>)
    %dma_wait3A_102 = arith.constant 1 : i32
    %dma_wait3A_103 = arith.constant 0 : i32
    %dma_wait3A_104 = tpu.memref_slice %arg9[%dma_wait3A_102, %dma_wait3A_103] : memref<125x80xi32, #tpu.memory_space<vmem>> -> memref<1x80xi32, #tpu.memory_space<vmem>>
    %dma_wait3A_105 = tpu.memref_squeeze %dma_wait3A_104 : memref<1x80xi32, #tpu.memory_space<vmem>> -> memref<80xi32, #tpu.memory_space<vmem>>
    %dma_wait3A_106 = arith.constant 0 : i32
    %dma_wait3A_107 = arith.constant 0 : i32
    %dma_wait3A_108 = tpu.memref_slice %arg2[%dma_wait3A_106, %dma_wait3A_107] : memref<10000x128xbf16, #tpu.memory_space<hbm>> -> memref<10000x128xbf16, #tpu.memory_space<hbm>>
    tpu.wait_indirect_dma semaphore(%arg23 : memref<!tpu.dma_semaphore, #tpu.memory_space<semaphore_mem>>) src(%dma_wait3A_108 : memref<10000x128xbf16, #tpu.memory_space<hbm>>) dst(%arg19 : memref<80x128xbf16, #tpu.memory_space<vmem>>)
    %dma_wait3A_109 = arith.constant 1 : i32
    %dma_wait3A_110 = arith.constant 0 : i32
    %dma_wait3A_111 = tpu.memref_slice %arg4[%add3A, %dma_wait3A_109, %dma_wait3A_110] : memref<32x125x80xi32, #tpu.memory_space<hbm>> -> memref<1x1x80xi32, #tpu.memory_space<hbm>>
    %dma_wait3A_112 = tpu.memref_squeeze %dma_wait3A_111 : memref<1x1x80xi32, #tpu.memory_space<hbm>> -> memref<1x80xi32, #tpu.memory_space<hbm>>
    %dma_wait3A_113 = arith.constant 1 : i32
    %dma_wait3A_114 = arith.constant 0 : i32
    %dma_wait3A_115 = tpu.memref_slice %arg4[%add3A, %dma_wait3A_113, %dma_wait3A_114] : memref<32x125x80xi32, #tpu.memory_space<hbm>> -> memref<1x1x80xi32, #tpu.memory_space<hbm>>
    %dma_wait3A_116 = tpu.memref_squeeze %dma_wait3A_115 : memref<1x1x80xi32, #tpu.memory_space<hbm>> -> memref<1x80xi32, #tpu.memory_space<hbm>>
    tpu.wait_dma2 semaphore(%arg25 : memref<!tpu.dma_semaphore, #tpu.memory_space<semaphore_mem>>) src(%dma_wait3A_116 : memref<1x80xi32, #tpu.memory_space<hbm>>) dst(%arg15 : memref<1x80xi32, #tpu.memory_space<vmem>>)
    %dma_wait3A_117 = arith.constant 1 : i32
    %dma_wait3A_118 = arith.constant 0 : i32
    %dma_wait3A_119 = tpu.memref_slice %arg5[%add3A, %dma_wait3A_117, %dma_wait3A_118] : memref<32x125x1280xf32, #tpu.memory_space<hbm>> -> memref<1x1x1280xf32, #tpu.memory_space<hbm>>
    %dma_wait3A_120 = tpu.memref_squeeze %dma_wait3A_119 : memref<1x1x1280xf32, #tpu.memory_space<hbm>> -> memref<1x1280xf32, #tpu.memory_space<hbm>>
    %dma_wait3A_121 = arith.constant 1 : i32
    %dma_wait3A_122 = arith.constant 0 : i32
    %dma_wait3A_123 = tpu.memref_slice %arg5[%add3A, %dma_wait3A_121, %dma_wait3A_122] : memref<32x125x1280xf32, #tpu.memory_space<hbm>> -> memref<1x1x1280xf32, #tpu.memory_space<hbm>>
    %dma_wait3A_124 = tpu.memref_squeeze %dma_wait3A_123 : memref<1x1x1280xf32, #tpu.memory_space<hbm>> -> memref<1x1280xf32, #tpu.memory_space<hbm>>
    tpu.wait_dma2 semaphore(%arg29 : memref<!tpu.dma_semaphore, #tpu.memory_space<semaphore_mem>>) src(%dma_wait3A_124 : memref<1x1280xf32, #tpu.memory_space<hbm>>) dst(%arg11 : memref<1x1280xf32, #tpu.memory_space<vmem>>)
    %parallel_loop3A_125 = arith.constant 0 : i32
    %parallel_loop3A_126 = arith.constant 80 : i32
    %parallel_loop3A_127 = arith.constant 1 : i32
    scf.for %parallel_loop3A_324 = %parallel_loop3A_125 to %parallel_loop3A_126 step %parallel_loop3A_127  : i32 {
      %parallel_loop3A_325 = arith.constant 16 : i32
      %parallel_loop3A_326 = arith.muli %parallel_loop3A_324, %parallel_loop3A_325 : i32
      %parallel_loop3A_327 = arith.constant 0 : i32
      %parallel_loop3A_328 = arith.index_cast %parallel_loop3A_327 : i32 to index
      %parallel_loop3A_329 = arith.index_cast %parallel_loop3A_326 : i32 to index
      %parallel_loop3A_330 = tpu.vector_load %arg11[%parallel_loop3A_328, %parallel_loop3A_329] {strides = array<i32>} : memref<1x1280xf32, #tpu.memory_space<vmem>>, vector<16xf32>,
      %parallel_loop3A_331 = arith.index_cast %parallel_loop3A_324 : i32 to index
      %parallel_loop3A_332 = arith.constant 0 : index
      %parallel_loop3A_333 = tpu.vector_load %arg19[%parallel_loop3A_331, %parallel_loop3A_332] {strides = array<i32>} : memref<80x128xbf16, #tpu.memory_space<vmem>>, vector<32xbf16>,
      %parallel_loop3A_334 = tpu.unpack_subelements %parallel_loop3A_333, 0 {pack_format = #tpu.pack_format<interleaved>} : vector<32xbf16> -> vector<16xf32>
      %parallel_loop3A_335 = tpu.unpack_subelements %parallel_loop3A_333, 1 {pack_format = #tpu.pack_format<interleaved>} : vector<32xbf16> -> vector<16xf32>
      %parallel_loop3A_336 = arith.mulf %parallel_loop3A_334, %parallel_loop3A_330 : vector<16xf32>
      %parallel_loop3A_337 = arith.index_cast %parallel_loop3A_324 : i32 to index
      %parallel_loop3A_338 = arith.constant 0 : index
      %parallel_loop3A_339 = tpu.vector_load %arg21[%parallel_loop3A_337, %parallel_loop3A_338] {strides = array<i32>} : memref<80x128xf32, #tpu.memory_space<vmem>>, vector<16xf32>,
      tpu.vector_store %arg21[%parallel_loop3A_337, %parallel_loop3A_338], %parallel_loop3A_336 {strides = array<i32>} : memref<80x128xf32, #tpu.memory_space<vmem>>, vector<16xf32>,
      %parallel_loop3A_340 = arith.mulf %parallel_loop3A_335, %parallel_loop3A_330 : vector<16xf32>
      %parallel_loop3A_341 = arith.index_cast %parallel_loop3A_324 : i32 to index
      %parallel_loop3A_342 = arith.constant 16 : index
      %parallel_loop3A_343 = tpu.vector_load %arg21[%parallel_loop3A_341, %parallel_loop3A_342] {strides = array<i32>} : memref<80x128xf32, #tpu.memory_space<vmem>>, vector<16xf32>,
      tpu.vector_store %arg21[%parallel_loop3A_341, %parallel_loop3A_342], %parallel_loop3A_340 {strides = array<i32>} : memref<80x128xf32, #tpu.memory_space<vmem>>, vector<16xf32>,
      %parallel_loop3A_344 = arith.index_cast %parallel_loop3A_324 : i32 to index
      %parallel_loop3A_345 = arith.constant 32 : index
      %parallel_loop3A_346 = tpu.vector_load %arg19[%parallel_loop3A_344, %parallel_loop3A_345] {strides = array<i32>} : memref<80x128xbf16, #tpu.memory_space<vmem>>, vector<32xbf16>,
      %parallel_loop3A_347 = tpu.unpack_subelements %parallel_loop3A_346, 0 {pack_format = #tpu.pack_format<interleaved>} : vector<32xbf16> -> vector<16xf32>
      %parallel_loop3A_348 = tpu.unpack_subelements %parallel_loop3A_346, 1 {pack_format = #tpu.pack_format<interleaved>} : vector<32xbf16> -> vector<16xf32>
      %parallel_loop3A_349 = arith.mulf %parallel_loop3A_347, %parallel_loop3A_330 : vector<16xf32>
      %parallel_loop3A_350 = arith.index_cast %parallel_loop3A_324 : i32 to index
      %parallel_loop3A_351 = arith.constant 32 : index
      %parallel_loop3A_352 = tpu.vector_load %arg21[%parallel_loop3A_350, %parallel_loop3A_351] {strides = array<i32>} : memref<80x128xf32, #tpu.memory_space<vmem>>, vector<16xf32>,
      tpu.vector_store %arg21[%parallel_loop3A_350, %parallel_loop3A_351], %parallel_loop3A_349 {strides = array<i32>} : memref<80x128xf32, #tpu.memory_space<vmem>>, vector<16xf32>,
      %parallel_loop3A_353 = arith.mulf %parallel_loop3A_348, %parallel_loop3A_330 : vector<16xf32>
      %parallel_loop3A_354 = arith.index_cast %parallel_loop3A_324 : i32 to index
      %parallel_loop3A_355 = arith.constant 48 : index
      %parallel_loop3A_356 = tpu.vector_load %arg21[%parallel_loop3A_354, %parallel_loop3A_355] {strides = array<i32>} : memref<80x128xf32, #tpu.memory_space<vmem>>, vector<16xf32>,
      tpu.vector_store %arg21[%parallel_loop3A_354, %parallel_loop3A_355], %parallel_loop3A_353 {strides = array<i32>} : memref<80x128xf32, #tpu.memory_space<vmem>>, vector<16xf32>,
      %parallel_loop3A_357 = arith.index_cast %parallel_loop3A_324 : i32 to index
      %parallel_loop3A_358 = arith.constant 64 : index
      %parallel_loop3A_359 = tpu.vector_load %arg19[%parallel_loop3A_357, %parallel_loop3A_358] {strides = array<i32>} : memref<80x128xbf16, #tpu.memory_space<vmem>>, vector<32xbf16>,
      %parallel_loop3A_360 = tpu.unpack_subelements %parallel_loop3A_359, 0 {pack_format = #tpu.pack_format<interleaved>} : vector<32xbf16> -> vector<16xf32>
      %parallel_loop3A_361 = tpu.unpack_subelements %parallel_loop3A_359, 1 {pack_format = #tpu.pack_format<interleaved>} : vector<32xbf16> -> vector<16xf32>
      %parallel_loop3A_362 = arith.mulf %parallel_loop3A_360, %parallel_loop3A_330 : vector<16xf32>
      %parallel_loop3A_363 = arith.index_cast %parallel_loop3A_324 : i32 to index
      %parallel_loop3A_364 = arith.constant 64 : index
      %parallel_loop3A_365 = tpu.vector_load %arg21[%parallel_loop3A_363, %parallel_loop3A_364] {strides = array<i32>} : memref<80x128xf32, #tpu.memory_space<vmem>>, vector<16xf32>,
      tpu.vector_store %arg21[%parallel_loop3A_363, %parallel_loop3A_364], %parallel_loop3A_362 {strides = array<i32>} : memref<80x128xf32, #tpu.memory_space<vmem>>, vector<16xf32>,
      %parallel_loop3A_366 = arith.mulf %parallel_loop3A_361, %parallel_loop3A_330 : vector<16xf32>
      %parallel_loop3A_367 = arith.index_cast %parallel_loop3A_324 : i32 to index
      %parallel_loop3A_368 = arith.constant 80 : index
      %parallel_loop3A_369 = tpu.vector_load %arg21[%parallel_loop3A_367, %parallel_loop3A_368] {strides = array<i32>} : memref<80x128xf32, #tpu.memory_space<vmem>>, vector<16xf32>,
      tpu.vector_store %arg21[%parallel_loop3A_367, %parallel_loop3A_368], %parallel_loop3A_366 {strides = array<i32>} : memref<80x128xf32, #tpu.memory_space<vmem>>, vector<16xf32>,
      %parallel_loop3A_370 = arith.index_cast %parallel_loop3A_324 : i32 to index
      %parallel_loop3A_371 = arith.constant 96 : index
      %parallel_loop3A_372 = tpu.vector_load %arg19[%parallel_loop3A_370, %parallel_loop3A_371] {strides = array<i32>} : memref<80x128xbf16, #tpu.memory_space<vmem>>, vector<32xbf16>,
      %parallel_loop3A_373 = tpu.unpack_subelements %parallel_loop3A_372, 0 {pack_format = #tpu.pack_format<interleaved>} : vector<32xbf16> -> vector<16xf32>
      %parallel_loop3A_374 = tpu.unpack_subelements %parallel_loop3A_372, 1 {pack_format = #tpu.pack_format<interleaved>} : vector<32xbf16> -> vector<16xf32>
      %parallel_loop3A_375 = arith.mulf %parallel_loop3A_373, %parallel_loop3A_330 : vector<16xf32>
      %parallel_loop3A_376 = arith.index_cast %parallel_loop3A_324 : i32 to index
      %parallel_loop3A_377 = arith.constant 96 : index
      %parallel_loop3A_378 = tpu.vector_load %arg21[%parallel_loop3A_376, %parallel_loop3A_377] {strides = array<i32>} : memref<80x128xf32, #tpu.memory_space<vmem>>, vector<16xf32>,
      tpu.vector_store %arg21[%parallel_loop3A_376, %parallel_loop3A_377], %parallel_loop3A_375 {strides = array<i32>} : memref<80x128xf32, #tpu.memory_space<vmem>>, vector<16xf32>,
      %parallel_loop3A_379 = arith.mulf %parallel_loop3A_374, %parallel_loop3A_330 : vector<16xf32>
      %parallel_loop3A_380 = arith.index_cast %parallel_loop3A_324 : i32 to index
      %parallel_loop3A_381 = arith.constant 112 : index
      %parallel_loop3A_382 = tpu.vector_load %arg21[%parallel_loop3A_380, %parallel_loop3A_381] {strides = array<i32>} : memref<80x128xf32, #tpu.memory_space<vmem>>, vector<16xf32>,
      tpu.vector_store %arg21[%parallel_loop3A_380, %parallel_loop3A_381], %parallel_loop3A_379 {strides = array<i32>} : memref<80x128xf32, #tpu.memory_space<vmem>>, vector<16xf32>,
    } {sc.loop_unroll_factor = 1 : i64, sc.parallel_access}
    %dma_start3A_128 = arith.constant 0 : i32
    %dma_start3A_129 = arith.constant 0 : i32
    %dma_start3A_130 = tpu.memref_slice %arg15[%dma_start3A_128, %dma_start3A_129] : memref<1x80xi32, #tpu.memory_space<vmem>> -> memref<1x80xi32, #tpu.memory_space<vmem>>
    %dma_start3A_131 = tpu.memref_squeeze %dma_start3A_130 : memref<1x80xi32, #tpu.memory_space<vmem>> -> memref<80xi32, #tpu.memory_space<vmem>>
    %dma_start3A_132 = arith.constant 0 : i32
    %dma_start3A_133 = arith.constant 0 : i32
    %dma_start3A_134 = tpu.memref_slice %arg8[%dma_start3A_132, %dma_start3A_133] : memref<10000x128xf32, #tpu.memory_space<vmem_shared>> -> memref<10000x128xf32, #tpu.memory_space<vmem_shared>>
    tpu.enqueue_indirect_dma source(%arg21 : memref<80x128xf32, #tpu.memory_space<vmem>>) target(%dma_start3A_134 : memref<10000x128xf32, #tpu.memory_space<vmem_shared>>) offsets(%dma_start3A_131 : memref<80xi32, #tpu.memory_space<vmem>>) semaphore(%arg33 : memref<!tpu.dma_semaphore, #tpu.memory_space<semaphore_mem>>) {add = true}
    %dma_start3A_135 = arith.constant 3 : i32
    %dma_start3A_136 = arith.constant 0 : i32
    %dma_start3A_137 = tpu.memref_slice %arg9[%dma_start3A_135, %dma_start3A_136] : memref<125x80xi32, #tpu.memory_space<vmem>> -> memref<1x80xi32, #tpu.memory_space<vmem>>
    %dma_start3A_138 = tpu.memref_squeeze %dma_start3A_137 : memref<1x80xi32, #tpu.memory_space<vmem>> -> memref<80xi32, #tpu.memory_space<vmem>>
    %dma_start3A_139 = arith.constant 0 : i32
    %dma_start3A_140 = arith.constant 0 : i32
    %dma_start3A_141 = tpu.memref_slice %arg2[%dma_start3A_139, %dma_start3A_140] : memref<10000x128xbf16, #tpu.memory_space<hbm>> -> memref<10000x128xbf16, #tpu.memory_space<hbm>>
    tpu.enqueue_indirect_dma source(%dma_start3A_141 : memref<10000x128xbf16, #tpu.memory_space<hbm>>) target(%arg19 : memref<80x128xbf16, #tpu.memory_space<vmem>>) offsets(%dma_start3A_138 : memref<80xi32, #tpu.memory_space<vmem>>) semaphore(%arg23 : memref<!tpu.dma_semaphore, #tpu.memory_space<semaphore_mem>>)
    %dma_start3A_142 = arith.constant 3 : i32
    %dma_start3A_143 = arith.constant 0 : i32
    %dma_start3A_144 = tpu.memref_slice %arg4[%add3A, %dma_start3A_142, %dma_start3A_143] : memref<32x125x80xi32, #tpu.memory_space<hbm>> -> memref<1x1x80xi32, #tpu.memory_space<hbm>>
    %dma_start3A_145 = tpu.memref_squeeze %dma_start3A_144 : memref<1x1x80xi32, #tpu.memory_space<hbm>> -> memref<1x80xi32, #tpu.memory_space<hbm>>
    %dma_start3A_146 = arith.constant 3 : i32
    %dma_start3A_147 = arith.constant 0 : i32
    %dma_start3A_148 = tpu.memref_slice %arg4[%add3A, %dma_start3A_146, %dma_start3A_147] : memref<32x125x80xi32, #tpu.memory_space<hbm>> -> memref<1x1x80xi32, #tpu.memory_space<hbm>>
    %dma_start3A_149 = tpu.memref_squeeze %dma_start3A_148 : memref<1x1x80xi32, #tpu.memory_space<hbm>> -> memref<1x80xi32, #tpu.memory_space<hbm>>
    tpu.enqueue_dma source(%dma_start3A_149 : memref<1x80xi32, #tpu.memory_space<hbm>>) target(%arg17 : memref<1x80xi32, #tpu.memory_space<vmem>>) target_semaphore(%arg27 : memref<!tpu.dma_semaphore, #tpu.memory_space<semaphore_mem>>)
    %dma_start3A_150 = arith.constant 3 : i32
    %dma_start3A_151 = arith.constant 0 : i32
    %dma_start3A_152 = tpu.memref_slice %arg5[%add3A, %dma_start3A_150, %dma_start3A_151] : memref<32x125x1280xf32, #tpu.memory_space<hbm>> -> memref<1x1x1280xf32, #tpu.memory_space<hbm>>
    %dma_start3A_153 = tpu.memref_squeeze %dma_start3A_152 : memref<1x1x1280xf32, #tpu.memory_space<hbm>> -> memref<1x1280xf32, #tpu.memory_space<hbm>>
    %dma_start3A_154 = arith.constant 3 : i32
    %dma_start3A_155 = arith.constant 0 : i32
    %dma_start3A_156 = tpu.memref_slice %arg5[%add3A, %dma_start3A_154, %dma_start3A_155] : memref<32x125x1280xf32, #tpu.memory_space<hbm>> -> memref<1x1x1280xf32, #tpu.memory_space<hbm>>
    %dma_start3A_157 = tpu.memref_squeeze %dma_start3A_156 : memref<1x1x1280xf32, #tpu.memory_space<hbm>> -> memref<1x1280xf32, #tpu.memory_space<hbm>>
    tpu.enqueue_dma source(%dma_start3A_157 : memref<1x1280xf32, #tpu.memory_space<hbm>>) target(%arg13 : memref<1x1280xf32, #tpu.memory_space<vmem>>) target_semaphore(%arg31 : memref<!tpu.dma_semaphore, #tpu.memory_space<semaphore_mem>>)
    %scan3A = arith.constant 0 : i32
    %scan3A_158 = arith.constant 30 : i32
    %scan3A_159 = arith.addi %scan3A, %scan3A_158 : i32
    %scan3A_160 = arith.constant 1 : i32
    scf.for %scan3A_324 = %scan3A to %scan3A_159 step %scan3A_160  : i32 {
      %mul3A_325 = arith.constant 4 : i32
      %mul3A_326 = arith.muli %scan3A_324, %mul3A_325 : i32
      %add3A_327 = arith.constant 2 : i32
      %add3A_328 = arith.addi %add3A_327, %mul3A_326 : i32
      %add3A_329 = arith.constant 0 : i32
      %add3A_330 = arith.addi %add3A_328, %add3A_329 : i32
      %dma_wait3A_331 = arith.constant 0 : i32
      %dma_wait3A_332 = tpu.memref_slice %arg9[%add3A_330, %dma_wait3A_331] : memref<125x80xi32, #tpu.memory_space<vmem>> -> memref<1x80xi32, #tpu.memory_space<vmem>>
      %dma_wait3A_333 = tpu.memref_squeeze %dma_wait3A_332 : memref<1x80xi32, #tpu.memory_space<vmem>> -> memref<80xi32, #tpu.memory_space<vmem>>
      %dma_wait3A_334 = arith.constant 0 : i32
      %dma_wait3A_335 = arith.constant 0 : i32
      %dma_wait3A_336 = tpu.memref_slice %arg2[%dma_wait3A_334, %dma_wait3A_335] : memref<10000x128xbf16, #tpu.memory_space<hbm>> -> memref<10000x128xbf16, #tpu.memory_space<hbm>>
      tpu.wait_indirect_dma semaphore(%arg22 : memref<!tpu.dma_semaphore, #tpu.memory_space<semaphore_mem>>) src(%dma_wait3A_336 : memref<10000x128xbf16, #tpu.memory_space<hbm>>) dst(%arg18 : memref<80x128xbf16, #tpu.memory_space<vmem>>)
      %dma_wait3A_337 = arith.constant 0 : i32
      %dma_wait3A_338 = tpu.memref_slice %arg4[%add3A, %add3A_330, %dma_wait3A_337] : memref<32x125x80xi32, #tpu.memory_space<hbm>> -> memref<1x1x80xi32, #tpu.memory_space<hbm>>
      %dma_wait3A_339 = tpu.memref_squeeze %dma_wait3A_338 : memref<1x1x80xi32, #tpu.memory_space<hbm>> -> memref<1x80xi32, #tpu.memory_space<hbm>>
      %dma_wait3A_340 = arith.constant 0 : i32
      %dma_wait3A_341 = tpu.memref_slice %arg4[%add3A, %add3A_330, %dma_wait3A_340] : memref<32x125x80xi32, #tpu.memory_space<hbm>> -> memref<1x1x80xi32, #tpu.memory_space<hbm>>
      %dma_wait3A_342 = tpu.memref_squeeze %dma_wait3A_341 : memref<1x1x80xi32, #tpu.memory_space<hbm>> -> memref<1x80xi32, #tpu.memory_space<hbm>>
      tpu.wait_dma2 semaphore(%arg26 : memref<!tpu.dma_semaphore, #tpu.memory_space<semaphore_mem>>) src(%dma_wait3A_342 : memref<1x80xi32, #tpu.memory_space<hbm>>) dst(%arg16 : memref<1x80xi32, #tpu.memory_space<vmem>>)
      %dma_wait3A_343 = arith.constant 0 : i32
      %dma_wait3A_344 = tpu.memref_slice %arg5[%add3A, %add3A_330, %dma_wait3A_343] : memref<32x125x1280xf32, #tpu.memory_space<hbm>> -> memref<1x1x1280xf32, #tpu.memory_space<hbm>>
      %dma_wait3A_345 = tpu.memref_squeeze %dma_wait3A_344 : memref<1x1x1280xf32, #tpu.memory_space<hbm>> -> memref<1x1280xf32, #tpu.memory_space<hbm>>
      %dma_wait3A_346 = arith.constant 0 : i32
      %dma_wait3A_347 = tpu.memref_slice %arg5[%add3A, %add3A_330, %dma_wait3A_346] : memref<32x125x1280xf32, #tpu.memory_space<hbm>> -> memref<1x1x1280xf32, #tpu.memory_space<hbm>>
      %dma_wait3A_348 = tpu.memref_squeeze %dma_wait3A_347 : memref<1x1x1280xf32, #tpu.memory_space<hbm>> -> memref<1x1280xf32, #tpu.memory_space<hbm>>
      tpu.wait_dma2 semaphore(%arg30 : memref<!tpu.dma_semaphore, #tpu.memory_space<semaphore_mem>>) src(%dma_wait3A_348 : memref<1x1280xf32, #tpu.memory_space<hbm>>) dst(%arg12 : memref<1x1280xf32, #tpu.memory_space<vmem>>)
      %dma_wait3A_349 = arith.constant 0 : i32
      %dma_wait3A_350 = arith.constant 0 : i32
      %dma_wait3A_351 = tpu.memref_slice %arg14[%dma_wait3A_349, %dma_wait3A_350] : memref<1x80xi32, #tpu.memory_space<vmem>> -> memref<1x80xi32, #tpu.memory_space<vmem>>
      %dma_wait3A_352 = tpu.memref_squeeze %dma_wait3A_351 : memref<1x80xi32, #tpu.memory_space<vmem>> -> memref<80xi32, #tpu.memory_space<vmem>>
      %dma_wait3A_353 = arith.constant 0 : i32
      %dma_wait3A_354 = arith.constant 0 : i32
      %dma_wait3A_355 = tpu.memref_slice %arg8[%dma_wait3A_353, %dma_wait3A_354] : memref<10000x128xf32, #tpu.memory_space<vmem_shared>> -> memref<10000x128xf32, #tpu.memory_space<vmem_shared>>
      tpu.wait_indirect_dma semaphore(%arg32 : memref<!tpu.dma_semaphore, #tpu.memory_space<semaphore_mem>>) src(%arg20 : memref<80x128xf32, #tpu.memory_space<vmem>>) dst(%dma_wait3A_355 : memref<10000x128xf32, #tpu.memory_space<vmem_shared>>)
      %parallel_loop3A_356 = arith.constant 0 : i32
      %parallel_loop3A_357 = arith.constant 80 : i32
      %parallel_loop3A_358 = arith.constant 1 : i32
      scf.for %parallel_loop3A_557 = %parallel_loop3A_356 to %parallel_loop3A_357 step %parallel_loop3A_358  : i32 {
        %parallel_loop3A_558 = arith.constant 16 : i32
        %parallel_loop3A_559 = arith.muli %parallel_loop3A_557, %parallel_loop3A_558 : i32
        %parallel_loop3A_560 = arith.constant 0 : i32
        %parallel_loop3A_561 = arith.index_cast %parallel_loop3A_560 : i32 to index
        %parallel_loop3A_562 = arith.index_cast %parallel_loop3A_559 : i32 to index
        %parallel_loop3A_563 = tpu.vector_load %arg12[%parallel_loop3A_561, %parallel_loop3A_562] {strides = array<i32>} : memref<1x1280xf32, #tpu.memory_space<vmem>>, vector<16xf32>,
        %parallel_loop3A_564 = arith.index_cast %parallel_loop3A_557 : i32 to index
        %parallel_loop3A_565 = arith.constant 0 : index
        %parallel_loop3A_566 = tpu.vector_load %arg18[%parallel_loop3A_564, %parallel_loop3A_565] {strides = array<i32>} : memref<80x128xbf16, #tpu.memory_space<vmem>>, vector<32xbf16>,
        %parallel_loop3A_567 = tpu.unpack_subelements %parallel_loop3A_566, 0 {pack_format = #tpu.pack_format<interleaved>} : vector<32xbf16> -> vector<16xf32>
        %parallel_loop3A_568 = tpu.unpack_subelements %parallel_loop3A_566, 1 {pack_format = #tpu.pack_format<interleaved>} : vector<32xbf16> -> vector<16xf32>
        %parallel_loop3A_569 = arith.mulf %parallel_loop3A_567, %parallel_loop3A_563 : vector<16xf32>
        %parallel_loop3A_570 = arith.index_cast %parallel_loop3A_557 : i32 to index
        %parallel_loop3A_571 = arith.constant 0 : index
        %parallel_loop3A_572 = tpu.vector_load %arg20[%parallel_loop3A_570, %parallel_loop3A_571] {strides = array<i32>} : memref<80x128xf32, #tpu.memory_space<vmem>>, vector<16xf32>,
        tpu.vector_store %arg20[%parallel_loop3A_570, %parallel_loop3A_571], %parallel_loop3A_569 {strides = array<i32>} : memref<80x128xf32, #tpu.memory_space<vmem>>, vector<16xf32>,
        %parallel_loop3A_573 = arith.mulf %parallel_loop3A_568, %parallel_loop3A_563 : vector<16xf32>
        %parallel_loop3A_574 = arith.index_cast %parallel_loop3A_557 : i32 to index
        %parallel_loop3A_575 = arith.constant 16 : index
        %parallel_loop3A_576 = tpu.vector_load %arg20[%parallel_loop3A_574, %parallel_loop3A_575] {strides = array<i32>} : memref<80x128xf32, #tpu.memory_space<vmem>>, vector<16xf32>,
        tpu.vector_store %arg20[%parallel_loop3A_574, %parallel_loop3A_575], %parallel_loop3A_573 {strides = array<i32>} : memref<80x128xf32, #tpu.memory_space<vmem>>, vector<16xf32>,
        %parallel_loop3A_577 = arith.index_cast %parallel_loop3A_557 : i32 to index
        %parallel_loop3A_578 = arith.constant 32 : index
        %parallel_loop3A_579 = tpu.vector_load %arg18[%parallel_loop3A_577, %parallel_loop3A_578] {strides = array<i32>} : memref<80x128xbf16, #tpu.memory_space<vmem>>, vector<32xbf16>,
        %parallel_loop3A_580 = tpu.unpack_subelements %parallel_loop3A_579, 0 {pack_format = #tpu.pack_format<interleaved>} : vector<32xbf16> -> vector<16xf32>
        %parallel_loop3A_581 = tpu.unpack_subelements %parallel_loop3A_579, 1 {pack_format = #tpu.pack_format<interleaved>} : vector<32xbf16> -> vector<16xf32>
        %parallel_loop3A_582 = arith.mulf %parallel_loop3A_580, %parallel_loop3A_563 : vector<16xf32>
        %parallel_loop3A_583 = arith.index_cast %parallel_loop3A_557 : i32 to index
        %parallel_loop3A_584 = arith.constant 32 : index
        %parallel_loop3A_585 = tpu.vector_load %arg20[%parallel_loop3A_583, %parallel_loop3A_584] {strides = array<i32>} : memref<80x128xf32, #tpu.memory_space<vmem>>, vector<16xf32>,
        tpu.vector_store %arg20[%parallel_loop3A_583, %parallel_loop3A_584], %parallel_loop3A_582 {strides = array<i32>} : memref<80x128xf32, #tpu.memory_space<vmem>>, vector<16xf32>,
        %parallel_loop3A_586 = arith.mulf %parallel_loop3A_581, %parallel_loop3A_563 : vector<16xf32>
        %parallel_loop3A_587 = arith.index_cast %parallel_loop3A_557 : i32 to index
        %parallel_loop3A_588 = arith.constant 48 : index
        %parallel_loop3A_589 = tpu.vector_load %arg20[%parallel_loop3A_587, %parallel_loop3A_588] {strides = array<i32>} : memref<80x128xf32, #tpu.memory_space<vmem>>, vector<16xf32>,
        tpu.vector_store %arg20[%parallel_loop3A_587, %parallel_loop3A_588], %parallel_loop3A_586 {strides = array<i32>} : memref<80x128xf32, #tpu.memory_space<vmem>>, vector<16xf32>,
        %parallel_loop3A_590 = arith.index_cast %parallel_loop3A_557 : i32 to index
        %parallel_loop3A_591 = arith.constant 64 : index
        %parallel_loop3A_592 = tpu.vector_load %arg18[%parallel_loop3A_590, %parallel_loop3A_591] {strides = array<i32>} : memref<80x128xbf16, #tpu.memory_space<vmem>>, vector<32xbf16>,
        %parallel_loop3A_593 = tpu.unpack_subelements %parallel_loop3A_592, 0 {pack_format = #tpu.pack_format<interleaved>} : vector<32xbf16> -> vector<16xf32>
        %parallel_loop3A_594 = tpu.unpack_subelements %parallel_loop3A_592, 1 {pack_format = #tpu.pack_format<interleaved>} : vector<32xbf16> -> vector<16xf32>
        %parallel_loop3A_595 = arith.mulf %parallel_loop3A_593, %parallel_loop3A_563 : vector<16xf32>
        %parallel_loop3A_596 = arith.index_cast %parallel_loop3A_557 : i32 to index
        %parallel_loop3A_597 = arith.constant 64 : index
        %parallel_loop3A_598 = tpu.vector_load %arg20[%parallel_loop3A_596, %parallel_loop3A_597] {strides = array<i32>} : memref<80x128xf32, #tpu.memory_space<vmem>>, vector<16xf32>,
        tpu.vector_store %arg20[%parallel_loop3A_596, %parallel_loop3A_597], %parallel_loop3A_595 {strides = array<i32>} : memref<80x128xf32, #tpu.memory_space<vmem>>, vector<16xf32>,
        %parallel_loop3A_599 = arith.mulf %parallel_loop3A_594, %parallel_loop3A_563 : vector<16xf32>
        %parallel_loop3A_600 = arith.index_cast %parallel_loop3A_557 : i32 to index
        %parallel_loop3A_601 = arith.constant 80 : index
        %parallel_loop3A_602 = tpu.vector_load %arg20[%parallel_loop3A_600, %parallel_loop3A_601] {strides = array<i32>} : memref<80x128xf32, #tpu.memory_space<vmem>>, vector<16xf32>,
        tpu.vector_store %arg20[%parallel_loop3A_600, %parallel_loop3A_601], %parallel_loop3A_599 {strides = array<i32>} : memref<80x128xf32, #tpu.memory_space<vmem>>, vector<16xf32>,
        %parallel_loop3A_603 = arith.index_cast %parallel_loop3A_557 : i32 to index
        %parallel_loop3A_604 = arith.constant 96 : index
        %parallel_loop3A_605 = tpu.vector_load %arg18[%parallel_loop3A_603, %parallel_loop3A_604] {strides = array<i32>} : memref<80x128xbf16, #tpu.memory_space<vmem>>, vector<32xbf16>,
        %parallel_loop3A_606 = tpu.unpack_subelements %parallel_loop3A_605, 0 {pack_format = #tpu.pack_format<interleaved>} : vector<32xbf16> -> vector<16xf32>
        %parallel_loop3A_607 = tpu.unpack_subelements %parallel_loop3A_605, 1 {pack_format = #tpu.pack_format<interleaved>} : vector<32xbf16> -> vector<16xf32>
        %parallel_loop3A_608 = arith.mulf %parallel_loop3A_606, %parallel_loop3A_563 : vector<16xf32>
        %parallel_loop3A_609 = arith.index_cast %parallel_loop3A_557 : i32 to index
        %parallel_loop3A_610 = arith.constant 96 : index
        %parallel_loop3A_611 = tpu.vector_load %arg20[%parallel_loop3A_609, %parallel_loop3A_610] {strides = array<i32>} : memref<80x128xf32, #tpu.memory_space<vmem>>, vector<16xf32>,
        tpu.vector_store %arg20[%parallel_loop3A_609, %parallel_loop3A_610], %parallel_loop3A_608 {strides = array<i32>} : memref<80x128xf32, #tpu.memory_space<vmem>>, vector<16xf32>,
        %parallel_loop3A_612 = arith.mulf %parallel_loop3A_607, %parallel_loop3A_563 : vector<16xf32>
        %parallel_loop3A_613 = arith.index_cast %parallel_loop3A_557 : i32 to index
        %parallel_loop3A_614 = arith.constant 112 : index
        %parallel_loop3A_615 = tpu.vector_load %arg20[%parallel_loop3A_613, %parallel_loop3A_614] {strides = array<i32>} : memref<80x128xf32, #tpu.memory_space<vmem>>, vector<16xf32>,
        tpu.vector_store %arg20[%parallel_loop3A_613, %parallel_loop3A_614], %parallel_loop3A_612 {strides = array<i32>} : memref<80x128xf32, #tpu.memory_space<vmem>>, vector<16xf32>,
      } {sc.loop_unroll_factor = 1 : i64, sc.parallel_access}
      %dma_start3A_359 = arith.constant 0 : i32
      %dma_start3A_360 = arith.constant 0 : i32
      %dma_start3A_361 = tpu.memref_slice %arg16[%dma_start3A_359, %dma_start3A_360] : memref<1x80xi32, #tpu.memory_space<vmem>> -> memref<1x80xi32, #tpu.memory_space<vmem>>
      %dma_start3A_362 = tpu.memref_squeeze %dma_start3A_361 : memref<1x80xi32, #tpu.memory_space<vmem>> -> memref<80xi32, #tpu.memory_space<vmem>>
      %dma_start3A_363 = arith.constant 0 : i32
      %dma_start3A_364 = arith.constant 0 : i32
      %dma_start3A_365 = tpu.memref_slice %arg8[%dma_start3A_363, %dma_start3A_364] : memref<10000x128xf32, #tpu.memory_space<vmem_shared>> -> memref<10000x128xf32, #tpu.memory_space<vmem_shared>>
      tpu.enqueue_indirect_dma source(%arg20 : memref<80x128xf32, #tpu.memory_space<vmem>>) target(%dma_start3A_365 : memref<10000x128xf32, #tpu.memory_space<vmem_shared>>) offsets(%dma_start3A_362 : memref<80xi32, #tpu.memory_space<vmem>>) semaphore(%arg32 : memref<!tpu.dma_semaphore, #tpu.memory_space<semaphore_mem>>) {add = true}
      %add3A_366 = arith.constant 2 : i32
      %add3A_367 = arith.addi %add3A_330, %add3A_366 : i32
      %dma_start3A_368 = arith.constant 0 : i32
      %dma_start3A_369 = tpu.memref_slice %arg9[%add3A_367, %dma_start3A_368] : memref<125x80xi32, #tpu.memory_space<vmem>> -> memref<1x80xi32, #tpu.memory_space<vmem>>
      %dma_start3A_370 = tpu.memref_squeeze %dma_start3A_369 : memref<1x80xi32, #tpu.memory_space<vmem>> -> memref<80xi32, #tpu.memory_space<vmem>>
      %dma_start3A_371 = arith.constant 0 : i32
      %dma_start3A_372 = arith.constant 0 : i32
      %dma_start3A_373 = tpu.memref_slice %arg2[%dma_start3A_371, %dma_start3A_372] : memref<10000x128xbf16, #tpu.memory_space<hbm>> -> memref<10000x128xbf16, #tpu.memory_space<hbm>>
      tpu.enqueue_indirect_dma source(%dma_start3A_373 : memref<10000x128xbf16, #tpu.memory_space<hbm>>) target(%arg18 : memref<80x128xbf16, #tpu.memory_space<vmem>>) offsets(%dma_start3A_370 : memref<80xi32, #tpu.memory_space<vmem>>) semaphore(%arg22 : memref<!tpu.dma_semaphore, #tpu.memory_space<semaphore_mem>>)
      %dma_start3A_374 = arith.constant 0 : i32
      %dma_start3A_375 = tpu.memref_slice %arg4[%add3A, %add3A_367, %dma_start3A_374] : memref<32x125x80xi32, #tpu.memory_space<hbm>> -> memref<1x1x80xi32, #tpu.memory_space<hbm>>
      %dma_start3A_376 = tpu.memref_squeeze %dma_start3A_375 : memref<1x1x80xi32, #tpu.memory_space<hbm>> -> memref<1x80xi32, #tpu.memory_space<hbm>>
      %dma_start3A_377 = arith.constant 0 : i32
      %dma_start3A_378 = tpu.memref_slice %arg4[%add3A, %add3A_367, %dma_start3A_377] : memref<32x125x80xi32, #tpu.memory_space<hbm>> -> memref<1x1x80xi32, #tpu.memory_space<hbm>>
      %dma_start3A_379 = tpu.memref_squeeze %dma_start3A_378 : memref<1x1x80xi32, #tpu.memory_space<hbm>> -> memref<1x80xi32, #tpu.memory_space<hbm>>
      tpu.enqueue_dma source(%dma_start3A_379 : memref<1x80xi32, #tpu.memory_space<hbm>>) target(%arg14 : memref<1x80xi32, #tpu.memory_space<vmem>>) target_semaphore(%arg24 : memref<!tpu.dma_semaphore, #tpu.memory_space<semaphore_mem>>)
      %dma_start3A_380 = arith.constant 0 : i32
      %dma_start3A_381 = tpu.memref_slice %arg5[%add3A, %add3A_367, %dma_start3A_380] : memref<32x125x1280xf32, #tpu.memory_space<hbm>> -> memref<1x1x1280xf32, #tpu.memory_space<hbm>>
      %dma_start3A_382 = tpu.memref_squeeze %dma_start3A_381 : memref<1x1x1280xf32, #tpu.memory_space<hbm>> -> memref<1x1280xf32, #tpu.memory_space<hbm>>
      %dma_start3A_383 = arith.constant 0 : i32
      %dma_start3A_384 = tpu.memref_slice %arg5[%add3A, %add3A_367, %dma_start3A_383] : memref<32x125x1280xf32, #tpu.memory_space<hbm>> -> memref<1x1x1280xf32, #tpu.memory_space<hbm>>
      %dma_start3A_385 = tpu.memref_squeeze %dma_start3A_384 : memref<1x1x1280xf32, #tpu.memory_space<hbm>> -> memref<1x1280xf32, #tpu.memory_space<hbm>>
      tpu.enqueue_dma source(%dma_start3A_385 : memref<1x1280xf32, #tpu.memory_space<hbm>>) target(%arg10 : memref<1x1280xf32, #tpu.memory_space<vmem>>) target_semaphore(%arg28 : memref<!tpu.dma_semaphore, #tpu.memory_space<semaphore_mem>>)
      %add3A_386 = arith.constant 1 : i32
      %add3A_387 = arith.addi %add3A_328, %add3A_386 : i32
      %dma_wait3A_388 = arith.constant 0 : i32
      %dma_wait3A_389 = tpu.memref_slice %arg9[%add3A_387, %dma_wait3A_388] : memref<125x80xi32, #tpu.memory_space<vmem>> -> memref<1x80xi32, #tpu.memory_space<vmem>>
      %dma_wait3A_390 = tpu.memref_squeeze %dma_wait3A_389 : memref<1x80xi32, #tpu.memory_space<vmem>> -> memref<80xi32, #tpu.memory_space<vmem>>
      %dma_wait3A_391 = arith.constant 0 : i32
      %dma_wait3A_392 = arith.constant 0 : i32
      %dma_wait3A_393 = tpu.memref_slice %arg2[%dma_wait3A_391, %dma_wait3A_392] : memref<10000x128xbf16, #tpu.memory_space<hbm>> -> memref<10000x128xbf16, #tpu.memory_space<hbm>>
      tpu.wait_indirect_dma semaphore(%arg23 : memref<!tpu.dma_semaphore, #tpu.memory_space<semaphore_mem>>) src(%dma_wait3A_393 : memref<10000x128xbf16, #tpu.memory_space<hbm>>) dst(%arg19 : memref<80x128xbf16, #tpu.memory_space<vmem>>)
      %dma_wait3A_394 = arith.constant 0 : i32
      %dma_wait3A_395 = tpu.memref_slice %arg4[%add3A, %add3A_387, %dma_wait3A_394] : memref<32x125x80xi32, #tpu.memory_space<hbm>> -> memref<1x1x80xi32, #tpu.memory_space<hbm>>
      %dma_wait3A_396 = tpu.memref_squeeze %dma_wait3A_395 : memref<1x1x80xi32, #tpu.memory_space<hbm>> -> memref<1x80xi32, #tpu.memory_space<hbm>>
      %dma_wait3A_397 = arith.constant 0 : i32
      %dma_wait3A_398 = tpu.memref_slice %arg4[%add3A, %add3A_387, %dma_wait3A_397] : memref<32x125x80xi32, #tpu.memory_space<hbm>> -> memref<1x1x80xi32, #tpu.memory_space<hbm>>
      %dma_wait3A_399 = tpu.memref_squeeze %dma_wait3A_398 : memref<1x1x80xi32, #tpu.memory_space<hbm>> -> memref<1x80xi32, #tpu.memory_space<hbm>>
      tpu.wait_dma2 semaphore(%arg27 : memref<!tpu.dma_semaphore, #tpu.memory_space<semaphore_mem>>) src(%dma_wait3A_399 : memref<1x80xi32, #tpu.memory_space<hbm>>) dst(%arg17 : memref<1x80xi32, #tpu.memory_space<vmem>>)
      %dma_wait3A_400 = arith.constant 0 : i32
      %dma_wait3A_401 = tpu.memref_slice %arg5[%add3A, %add3A_387, %dma_wait3A_400] : memref<32x125x1280xf32, #tpu.memory_space<hbm>> -> memref<1x1x1280xf32, #tpu.memory_space<hbm>>
      %dma_wait3A_402 = tpu.memref_squeeze %dma_wait3A_401 : memref<1x1x1280xf32, #tpu.memory_space<hbm>> -> memref<1x1280xf32, #tpu.memory_space<hbm>>
      %dma_wait3A_403 = arith.constant 0 : i32
      %dma_wait3A_404 = tpu.memref_slice %arg5[%add3A, %add3A_387, %dma_wait3A_403] : memref<32x125x1280xf32, #tpu.memory_space<hbm>> -> memref<1x1x1280xf32, #tpu.memory_space<hbm>>
      %dma_wait3A_405 = tpu.memref_squeeze %dma_wait3A_404 : memref<1x1x1280xf32, #tpu.memory_space<hbm>> -> memref<1x1280xf32, #tpu.memory_space<hbm>>
      tpu.wait_dma2 semaphore(%arg31 : memref<!tpu.dma_semaphore, #tpu.memory_space<semaphore_mem>>) src(%dma_wait3A_405 : memref<1x1280xf32, #tpu.memory_space<hbm>>) dst(%arg13 : memref<1x1280xf32, #tpu.memory_space<vmem>>)
      %dma_wait3A_406 = arith.constant 0 : i32
      %dma_wait3A_407 = arith.constant 0 : i32
      %dma_wait3A_408 = tpu.memref_slice %arg15[%dma_wait3A_406, %dma_wait3A_407] : memref<1x80xi32, #tpu.memory_space<vmem>> -> memref<1x80xi32, #tpu.memory_space<vmem>>
      %dma_wait3A_409 = tpu.memref_squeeze %dma_wait3A_408 : memref<1x80xi32, #tpu.memory_space<vmem>> -> memref<80xi32, #tpu.memory_space<vmem>>
      %dma_wait3A_410 = arith.constant 0 : i32
      %dma_wait3A_411 = arith.constant 0 : i32
      %dma_wait3A_412 = tpu.memref_slice %arg8[%dma_wait3A_410, %dma_wait3A_411] : memref<10000x128xf32, #tpu.memory_space<vmem_shared>> -> memref<10000x128xf32, #tpu.memory_space<vmem_shared>>
      tpu.wait_indirect_dma semaphore(%arg33 : memref<!tpu.dma_semaphore, #tpu.memory_space<semaphore_mem>>) src(%arg21 : memref<80x128xf32, #tpu.memory_space<vmem>>) dst(%dma_wait3A_412 : memref<10000x128xf32, #tpu.memory_space<vmem_shared>>)
      %parallel_loop3A_413 = arith.constant 0 : i32
      %parallel_loop3A_414 = arith.constant 80 : i32
      %parallel_loop3A_415 = arith.constant 1 : i32
      scf.for %parallel_loop3A_557 = %parallel_loop3A_413 to %parallel_loop3A_414 step %parallel_loop3A_415  : i32 {
        %parallel_loop3A_558 = arith.constant 16 : i32
        %parallel_loop3A_559 = arith.muli %parallel_loop3A_557, %parallel_loop3A_558 : i32
        %parallel_loop3A_560 = arith.constant 0 : i32
        %parallel_loop3A_561 = arith.index_cast %parallel_loop3A_560 : i32 to index
        %parallel_loop3A_562 = arith.index_cast %parallel_loop3A_559 : i32 to index
        %parallel_loop3A_563 = tpu.vector_load %arg13[%parallel_loop3A_561, %parallel_loop3A_562] {strides = array<i32>} : memref<1x1280xf32, #tpu.memory_space<vmem>>, vector<16xf32>,
        %parallel_loop3A_564 = arith.index_cast %parallel_loop3A_557 : i32 to index
        %parallel_loop3A_565 = arith.constant 0 : index
        %parallel_loop3A_566 = tpu.vector_load %arg19[%parallel_loop3A_564, %parallel_loop3A_565] {strides = array<i32>} : memref<80x128xbf16, #tpu.memory_space<vmem>>, vector<32xbf16>,
        %parallel_loop3A_567 = tpu.unpack_subelements %parallel_loop3A_566, 0 {pack_format = #tpu.pack_format<interleaved>} : vector<32xbf16> -> vector<16xf32>
        %parallel_loop3A_568 = tpu.unpack_subelements %parallel_loop3A_566, 1 {pack_format = #tpu.pack_format<interleaved>} : vector<32xbf16> -> vector<16xf32>
        %parallel_loop3A_569 = arith.mulf %parallel_loop3A_567, %parallel_loop3A_563 : vector<16xf32>
        %parallel_loop3A_570 = arith.index_cast %parallel_loop3A_557 : i32 to index
        %parallel_loop3A_571 = arith.constant 0 : index
        %parallel_loop3A_572 = tpu.vector_load %arg21[%parallel_loop3A_570, %parallel_loop3A_571] {strides = array<i32>} : memref<80x128xf32, #tpu.memory_space<vmem>>, vector<16xf32>,
        tpu.vector_store %arg21[%parallel_loop3A_570, %parallel_loop3A_571], %parallel_loop3A_569 {strides = array<i32>} : memref<80x128xf32, #tpu.memory_space<vmem>>, vector<16xf32>,
        %parallel_loop3A_573 = arith.mulf %parallel_loop3A_568, %parallel_loop3A_563 : vector<16xf32>
        %parallel_loop3A_574 = arith.index_cast %parallel_loop3A_557 : i32 to index
        %parallel_loop3A_575 = arith.constant 16 : index
        %parallel_loop3A_576 = tpu.vector_load %arg21[%parallel_loop3A_574, %parallel_loop3A_575] {strides = array<i32>} : memref<80x128xf32, #tpu.memory_space<vmem>>, vector<16xf32>,
        tpu.vector_store %arg21[%parallel_loop3A_574, %parallel_loop3A_575], %parallel_loop3A_573 {strides = array<i32>} : memref<80x128xf32, #tpu.memory_space<vmem>>, vector<16xf32>,
        %parallel_loop3A_577 = arith.index_cast %parallel_loop3A_557 : i32 to index
        %parallel_loop3A_578 = arith.constant 32 : index
        %parallel_loop3A_579 = tpu.vector_load %arg19[%parallel_loop3A_577, %parallel_loop3A_578] {strides = array<i32>} : memref<80x128xbf16, #tpu.memory_space<vmem>>, vector<32xbf16>,
        %parallel_loop3A_580 = tpu.unpack_subelements %parallel_loop3A_579, 0 {pack_format = #tpu.pack_format<interleaved>} : vector<32xbf16> -> vector<16xf32>
        %parallel_loop3A_581 = tpu.unpack_subelements %parallel_loop3A_579, 1 {pack_format = #tpu.pack_format<interleaved>} : vector<32xbf16> -> vector<16xf32>
        %parallel_loop3A_582 = arith.mulf %parallel_loop3A_580, %parallel_loop3A_563 : vector<16xf32>
        %parallel_loop3A_583 = arith.index_cast %parallel_loop3A_557 : i32 to index
        %parallel_loop3A_584 = arith.constant 32 : index
        %parallel_loop3A_585 = tpu.vector_load %arg21[%parallel_loop3A_583, %parallel_loop3A_584] {strides = array<i32>} : memref<80x128xf32, #tpu.memory_space<vmem>>, vector<16xf32>,
        tpu.vector_store %arg21[%parallel_loop3A_583, %parallel_loop3A_584], %parallel_loop3A_582 {strides = array<i32>} : memref<80x128xf32, #tpu.memory_space<vmem>>, vector<16xf32>,
        %parallel_loop3A_586 = arith.mulf %parallel_loop3A_581, %parallel_loop3A_563 : vector<16xf32>
        %parallel_loop3A_587 = arith.index_cast %parallel_loop3A_557 : i32 to index
        %parallel_loop3A_588 = arith.constant 48 : index
        %parallel_loop3A_589 = tpu.vector_load %arg21[%parallel_loop3A_587, %parallel_loop3A_588] {strides = array<i32>} : memref<80x128xf32, #tpu.memory_space<vmem>>, vector<16xf32>,
        tpu.vector_store %arg21[%parallel_loop3A_587, %parallel_loop3A_588], %parallel_loop3A_586 {strides = array<i32>} : memref<80x128xf32, #tpu.memory_space<vmem>>, vector<16xf32>,
        %parallel_loop3A_590 = arith.index_cast %parallel_loop3A_557 : i32 to index
        %parallel_loop3A_591 = arith.constant 64 : index
        %parallel_loop3A_592 = tpu.vector_load %arg19[%parallel_loop3A_590, %parallel_loop3A_591] {strides = array<i32>} : memref<80x128xbf16, #tpu.memory_space<vmem>>, vector<32xbf16>,
        %parallel_loop3A_593 = tpu.unpack_subelements %parallel_loop3A_592, 0 {pack_format = #tpu.pack_format<interleaved>} : vector<32xbf16> -> vector<16xf32>
        %parallel_loop3A_594 = tpu.unpack_subelements %parallel_loop3A_592, 1 {pack_format = #tpu.pack_format<interleaved>} : vector<32xbf16> -> vector<16xf32>
        %parallel_loop3A_595 = arith.mulf %parallel_loop3A_593, %parallel_loop3A_563 : vector<16xf32>
        %parallel_loop3A_596 = arith.index_cast %parallel_loop3A_557 : i32 to index
        %parallel_loop3A_597 = arith.constant 64 : index
        %parallel_loop3A_598 = tpu.vector_load %arg21[%parallel_loop3A_596, %parallel_loop3A_597] {strides = array<i32>} : memref<80x128xf32, #tpu.memory_space<vmem>>, vector<16xf32>,
        tpu.vector_store %arg21[%parallel_loop3A_596, %parallel_loop3A_597], %parallel_loop3A_595 {strides = array<i32>} : memref<80x128xf32, #tpu.memory_space<vmem>>, vector<16xf32>,
        %parallel_loop3A_599 = arith.mulf %parallel_loop3A_594, %parallel_loop3A_563 : vector<16xf32>
        %parallel_loop3A_600 = arith.index_cast %parallel_loop3A_557 : i32 to index
        %parallel_loop3A_601 = arith.constant 80 : index
        %parallel_loop3A_602 = tpu.vector_load %arg21[%parallel_loop3A_600, %parallel_loop3A_601] {strides = array<i32>} : memref<80x128xf32, #tpu.memory_space<vmem>>, vector<16xf32>,
        tpu.vector_store %arg21[%parallel_loop3A_600, %parallel_loop3A_601], %parallel_loop3A_599 {strides = array<i32>} : memref<80x128xf32, #tpu.memory_space<vmem>>, vector<16xf32>,
        %parallel_loop3A_603 = arith.index_cast %parallel_loop3A_557 : i32 to index
        %parallel_loop3A_604 = arith.constant 96 : index
        %parallel_loop3A_605 = tpu.vector_load %arg19[%parallel_loop3A_603, %parallel_loop3A_604] {strides = array<i32>} : memref<80x128xbf16, #tpu.memory_space<vmem>>, vector<32xbf16>,
        %parallel_loop3A_606 = tpu.unpack_subelements %parallel_loop3A_605, 0 {pack_format = #tpu.pack_format<interleaved>} : vector<32xbf16> -> vector<16xf32>
        %parallel_loop3A_607 = tpu.unpack_subelements %parallel_loop3A_605, 1 {pack_format = #tpu.pack_format<interleaved>} : vector<32xbf16> -> vector<16xf32>
        %parallel_loop3A_608 = arith.mulf %parallel_loop3A_606, %parallel_loop3A_563 : vector<16xf32>
        %parallel_loop3A_609 = arith.index_cast %parallel_loop3A_557 : i32 to index
        %parallel_loop3A_610 = arith.constant 96 : index
        %parallel_loop3A_611 = tpu.vector_load %arg21[%parallel_loop3A_609, %parallel_loop3A_610] {strides = array<i32>} : memref<80x128xf32, #tpu.memory_space<vmem>>, vector<16xf32>,
        tpu.vector_store %arg21[%parallel_loop3A_609, %parallel_loop3A_610], %parallel_loop3A_608 {strides = array<i32>} : memref<80x128xf32, #tpu.memory_space<vmem>>, vector<16xf32>,
        %parallel_loop3A_612 = arith.mulf %parallel_loop3A_607, %parallel_loop3A_563 : vector<16xf32>
        %parallel_loop3A_613 = arith.index_cast %parallel_loop3A_557 : i32 to index
        %parallel_loop3A_614 = arith.constant 112 : index
        %parallel_loop3A_615 = tpu.vector_load %arg21[%parallel_loop3A_613, %parallel_loop3A_614] {strides = array<i32>} : memref<80x128xf32, #tpu.memory_space<vmem>>, vector<16xf32>,
        tpu.vector_store %arg21[%parallel_loop3A_613, %parallel_loop3A_614], %parallel_loop3A_612 {strides = array<i32>} : memref<80x128xf32, #tpu.memory_space<vmem>>, vector<16xf32>,
      } {sc.loop_unroll_factor = 1 : i64, sc.parallel_access}
      %dma_start3A_416 = arith.constant 0 : i32
      %dma_start3A_417 = arith.constant 0 : i32
      %dma_start3A_418 = tpu.memref_slice %arg17[%dma_start3A_416, %dma_start3A_417] : memref<1x80xi32, #tpu.memory_space<vmem>> -> memref<1x80xi32, #tpu.memory_space<vmem>>
      %dma_start3A_419 = tpu.memref_squeeze %dma_start3A_418 : memref<1x80xi32, #tpu.memory_space<vmem>> -> memref<80xi32, #tpu.memory_space<vmem>>
      %dma_start3A_420 = arith.constant 0 : i32
      %dma_start3A_421 = arith.constant 0 : i32
      %dma_start3A_422 = tpu.memref_slice %arg8[%dma_start3A_420, %dma_start3A_421] : memref<10000x128xf32, #tpu.memory_space<vmem_shared>> -> memref<10000x128xf32, #tpu.memory_space<vmem_shared>>
      tpu.enqueue_indirect_dma source(%arg21 : memref<80x128xf32, #tpu.memory_space<vmem>>) target(%dma_start3A_422 : memref<10000x128xf32, #tpu.memory_space<vmem_shared>>) offsets(%dma_start3A_419 : memref<80xi32, #tpu.memory_space<vmem>>) semaphore(%arg33 : memref<!tpu.dma_semaphore, #tpu.memory_space<semaphore_mem>>) {add = true}
      %add3A_423 = arith.constant 2 : i32
      %add3A_424 = arith.addi %add3A_387, %add3A_423 : i32
      %dma_start3A_425 = arith.constant 0 : i32
      %dma_start3A_426 = tpu.memref_slice %arg9[%add3A_424, %dma_start3A_425] : memref<125x80xi32, #tpu.memory_space<vmem>> -> memref<1x80xi32, #tpu.memory_space<vmem>>
      %dma_start3A_427 = tpu.memref_squeeze %dma_start3A_426 : memref<1x80xi32, #tpu.memory_space<vmem>> -> memref<80xi32, #tpu.memory_space<vmem>>
      %dma_start3A_428 = arith.constant 0 : i32
      %dma_start3A_429 = arith.constant 0 : i32
      %dma_start3A_430 = tpu.memref_slice %arg2[%dma_start3A_428, %dma_start3A_429] : memref<10000x128xbf16, #tpu.memory_space<hbm>> -> memref<10000x128xbf16, #tpu.memory_space<hbm>>
      tpu.enqueue_indirect_dma source(%dma_start3A_430 : memref<10000x128xbf16, #tpu.memory_space<hbm>>) target(%arg19 : memref<80x128xbf16, #tpu.memory_space<vmem>>) offsets(%dma_start3A_427 : memref<80xi32, #tpu.memory_space<vmem>>) semaphore(%arg23 : memref<!tpu.dma_semaphore, #tpu.memory_space<semaphore_mem>>)
      %dma_start3A_431 = arith.constant 0 : i32
      %dma_start3A_432 = tpu.memref_slice %arg4[%add3A, %add3A_424, %dma_start3A_431] : memref<32x125x80xi32, #tpu.memory_space<hbm>> -> memref<1x1x80xi32, #tpu.memory_space<hbm>>
      %dma_start3A_433 = tpu.memref_squeeze %dma_start3A_432 : memref<1x1x80xi32, #tpu.memory_space<hbm>> -> memref<1x80xi32, #tpu.memory_space<hbm>>
      %dma_start3A_434 = arith.constant 0 : i32
      %dma_start3A_435 = tpu.memref_slice %arg4[%add3A, %add3A_424, %dma_start3A_434] : memref<32x125x80xi32, #tpu.memory_space<hbm>> -> memref<1x1x80xi32, #tpu.memory_space<hbm>>
      %dma_start3A_436 = tpu.memref_squeeze %dma_start3A_435 : memref<1x1x80xi32, #tpu.memory_space<hbm>> -> memref<1x80xi32, #tpu.memory_space<hbm>>
      tpu.enqueue_dma source(%dma_start3A_436 : memref<1x80xi32, #tpu.memory_space<hbm>>) target(%arg15 : memref<1x80xi32, #tpu.memory_space<vmem>>) target_semaphore(%arg25 : memref<!tpu.dma_semaphore, #tpu.memory_space<semaphore_mem>>)
      %dma_start3A_437 = arith.constant 0 : i32
      %dma_start3A_438 = tpu.memref_slice %arg5[%add3A, %add3A_424, %dma_start3A_437] : memref<32x125x1280xf32, #tpu.memory_space<hbm>> -> memref<1x1x1280xf32, #tpu.memory_space<hbm>>
      %dma_start3A_439 = tpu.memref_squeeze %dma_start3A_438 : memref<1x1x1280xf32, #tpu.memory_space<hbm>> -> memref<1x1280xf32, #tpu.memory_space<hbm>>
      %dma_start3A_440 = arith.constant 0 : i32
      %dma_start3A_441 = tpu.memref_slice %arg5[%add3A, %add3A_424, %dma_start3A_440] : memref<32x125x1280xf32, #tpu.memory_space<hbm>> -> memref<1x1x1280xf32, #tpu.memory_space<hbm>>
      %dma_start3A_442 = tpu.memref_squeeze %dma_start3A_441 : memref<1x1x1280xf32, #tpu.memory_space<hbm>> -> memref<1x1280xf32, #tpu.memory_space<hbm>>
      tpu.enqueue_dma source(%dma_start3A_442 : memref<1x1280xf32, #tpu.memory_space<hbm>>) target(%arg11 : memref<1x1280xf32, #tpu.memory_space<vmem>>) target_semaphore(%arg29 : memref<!tpu.dma_semaphore, #tpu.memory_space<semaphore_mem>>)
      %add3A_443 = arith.constant 2 : i32
      %add3A_444 = arith.addi %add3A_328, %add3A_443 : i32
      %dma_wait3A_445 = arith.constant 0 : i32
      %dma_wait3A_446 = tpu.memref_slice %arg9[%add3A_444, %dma_wait3A_445] : memref<125x80xi32, #tpu.memory_space<vmem>> -> memref<1x80xi32, #tpu.memory_space<vmem>>
      %dma_wait3A_447 = tpu.memref_squeeze %dma_wait3A_446 : memref<1x80xi32, #tpu.memory_space<vmem>> -> memref<80xi32, #tpu.memory_space<vmem>>
      %dma_wait3A_448 = arith.constant 0 : i32
      %dma_wait3A_449 = arith.constant 0 : i32
      %dma_wait3A_450 = tpu.memref_slice %arg2[%dma_wait3A_448, %dma_wait3A_449] : memref<10000x128xbf16, #tpu.memory_space<hbm>> -> memref<10000x128xbf16, #tpu.memory_space<hbm>>
      tpu.wait_indirect_dma semaphore(%arg22 : memref<!tpu.dma_semaphore, #tpu.memory_space<semaphore_mem>>) src(%dma_wait3A_450 : memref<10000x128xbf16, #tpu.memory_space<hbm>>) dst(%arg18 : memref<80x128xbf16, #tpu.memory_space<vmem>>)
      %dma_wait3A_451 = arith.constant 0 : i32
      %dma_wait3A_452 = tpu.memref_slice %arg4[%add3A, %add3A_444, %dma_wait3A_451] : memref<32x125x80xi32, #tpu.memory_space<hbm>> -> memref<1x1x80xi32, #tpu.memory_space<hbm>>
      %dma_wait3A_453 = tpu.memref_squeeze %dma_wait3A_452 : memref<1x1x80xi32, #tpu.memory_space<hbm>> -> memref<1x80xi32, #tpu.memory_space<hbm>>
      %dma_wait3A_454 = arith.constant 0 : i32
      %dma_wait3A_455 = tpu.memref_slice %arg4[%add3A, %add3A_444, %dma_wait3A_454] : memref<32x125x80xi32, #tpu.memory_space<hbm>> -> memref<1x1x80xi32, #tpu.memory_space<hbm>>
      %dma_wait3A_456 = tpu.memref_squeeze %dma_wait3A_455 : memref<1x1x80xi32, #tpu.memory_space<hbm>> -> memref<1x80xi32, #tpu.memory_space<hbm>>
      tpu.wait_dma2 semaphore(%arg24 : memref<!tpu.dma_semaphore, #tpu.memory_space<semaphore_mem>>) src(%dma_wait3A_456 : memref<1x80xi32, #tpu.memory_space<hbm>>) dst(%arg14 : memref<1x80xi32, #tpu.memory_space<vmem>>)
      %dma_wait3A_457 = arith.constant 0 : i32
      %dma_wait3A_458 = tpu.memref_slice %arg5[%add3A, %add3A_444, %dma_wait3A_457] : memref<32x125x1280xf32, #tpu.memory_space<hbm>> -> memref<1x1x1280xf32, #tpu.memory_space<hbm>>
      %dma_wait3A_459 = tpu.memref_squeeze %dma_wait3A_458 : memref<1x1x1280xf32, #tpu.memory_space<hbm>> -> memref<1x1280xf32, #tpu.memory_space<hbm>>
      %dma_wait3A_460 = arith.constant 0 : i32
      %dma_wait3A_461 = tpu.memref_slice %arg5[%add3A, %add3A_444, %dma_wait3A_460] : memref<32x125x1280xf32, #tpu.memory_space<hbm>> -> memref<1x1x1280xf32, #tpu.memory_space<hbm>>
      %dma_wait3A_462 = tpu.memref_squeeze %dma_wait3A_461 : memref<1x1x1280xf32, #tpu.memory_space<hbm>> -> memref<1x1280xf32, #tpu.memory_space<hbm>>
      tpu.wait_dma2 semaphore(%arg28 : memref<!tpu.dma_semaphore, #tpu.memory_space<semaphore_mem>>) src(%dma_wait3A_462 : memref<1x1280xf32, #tpu.memory_space<hbm>>) dst(%arg10 : memref<1x1280xf32, #tpu.memory_space<vmem>>)
      %dma_wait3A_463 = arith.constant 0 : i32
      %dma_wait3A_464 = arith.constant 0 : i32
      %dma_wait3A_465 = tpu.memref_slice %arg16[%dma_wait3A_463, %dma_wait3A_464] : memref<1x80xi32, #tpu.memory_space<vmem>> -> memref<1x80xi32, #tpu.memory_space<vmem>>
      %dma_wait3A_466 = tpu.memref_squeeze %dma_wait3A_465 : memref<1x80xi32, #tpu.memory_space<vmem>> -> memref<80xi32, #tpu.memory_space<vmem>>
      %dma_wait3A_467 = arith.constant 0 : i32
      %dma_wait3A_468 = arith.constant 0 : i32
      %dma_wait3A_469 = tpu.memref_slice %arg8[%dma_wait3A_467, %dma_wait3A_468] : memref<10000x128xf32, #tpu.memory_space<vmem_shared>> -> memref<10000x128xf32, #tpu.memory_space<vmem_shared>>
      tpu.wait_indirect_dma semaphore(%arg32 : memref<!tpu.dma_semaphore, #tpu.memory_space<semaphore_mem>>) src(%arg20 : memref<80x128xf32, #tpu.memory_space<vmem>>) dst(%dma_wait3A_469 : memref<10000x128xf32, #tpu.memory_space<vmem_shared>>)
      %parallel_loop3A_470 = arith.constant 0 : i32
      %parallel_loop3A_471 = arith.constant 80 : i32
      %parallel_loop3A_472 = arith.constant 1 : i32
      scf.for %parallel_loop3A_557 = %parallel_loop3A_470 to %parallel_loop3A_471 step %parallel_loop3A_472  : i32 {
        %parallel_loop3A_558 = arith.constant 16 : i32
        %parallel_loop3A_559 = arith.muli %parallel_loop3A_557, %parallel_loop3A_558 : i32
        %parallel_loop3A_560 = arith.constant 0 : i32
        %parallel_loop3A_561 = arith.index_cast %parallel_loop3A_560 : i32 to index
        %parallel_loop3A_562 = arith.index_cast %parallel_loop3A_559 : i32 to index
        %parallel_loop3A_563 = tpu.vector_load %arg10[%parallel_loop3A_561, %parallel_loop3A_562] {strides = array<i32>} : memref<1x1280xf32, #tpu.memory_space<vmem>>, vector<16xf32>,
        %parallel_loop3A_564 = arith.index_cast %parallel_loop3A_557 : i32 to index
        %parallel_loop3A_565 = arith.constant 0 : index
        %parallel_loop3A_566 = tpu.vector_load %arg18[%parallel_loop3A_564, %parallel_loop3A_565] {strides = array<i32>} : memref<80x128xbf16, #tpu.memory_space<vmem>>, vector<32xbf16>,
        %parallel_loop3A_567 = tpu.unpack_subelements %parallel_loop3A_566, 0 {pack_format = #tpu.pack_format<interleaved>} : vector<32xbf16> -> vector<16xf32>
        %parallel_loop3A_568 = tpu.unpack_subelements %parallel_loop3A_566, 1 {pack_format = #tpu.pack_format<interleaved>} : vector<32xbf16> -> vector<16xf32>
        %parallel_loop3A_569 = arith.mulf %parallel_loop3A_567, %parallel_loop3A_563 : vector<16xf32>
        %parallel_loop3A_570 = arith.index_cast %parallel_loop3A_557 : i32 to index
        %parallel_loop3A_571 = arith.constant 0 : index
        %parallel_loop3A_572 = tpu.vector_load %arg20[%parallel_loop3A_570, %parallel_loop3A_571] {strides = array<i32>} : memref<80x128xf32, #tpu.memory_space<vmem>>, vector<16xf32>,
        tpu.vector_store %arg20[%parallel_loop3A_570, %parallel_loop3A_571], %parallel_loop3A_569 {strides = array<i32>} : memref<80x128xf32, #tpu.memory_space<vmem>>, vector<16xf32>,
        %parallel_loop3A_573 = arith.mulf %parallel_loop3A_568, %parallel_loop3A_563 : vector<16xf32>
        %parallel_loop3A_574 = arith.index_cast %parallel_loop3A_557 : i32 to index
        %parallel_loop3A_575 = arith.constant 16 : index
        %parallel_loop3A_576 = tpu.vector_load %arg20[%parallel_loop3A_574, %parallel_loop3A_575] {strides = array<i32>} : memref<80x128xf32, #tpu.memory_space<vmem>>, vector<16xf32>,
        tpu.vector_store %arg20[%parallel_loop3A_574, %parallel_loop3A_575], %parallel_loop3A_573 {strides = array<i32>} : memref<80x128xf32, #tpu.memory_space<vmem>>, vector<16xf32>,
        %parallel_loop3A_577 = arith.index_cast %parallel_loop3A_557 : i32 to index
        %parallel_loop3A_578 = arith.constant 32 : index
        %parallel_loop3A_579 = tpu.vector_load %arg18[%parallel_loop3A_577, %parallel_loop3A_578] {strides = array<i32>} : memref<80x128xbf16, #tpu.memory_space<vmem>>, vector<32xbf16>,
        %parallel_loop3A_580 = tpu.unpack_subelements %parallel_loop3A_579, 0 {pack_format = #tpu.pack_format<interleaved>} : vector<32xbf16> -> vector<16xf32>
        %parallel_loop3A_581 = tpu.unpack_subelements %parallel_loop3A_579, 1 {pack_format = #tpu.pack_format<interleaved>} : vector<32xbf16> -> vector<16xf32>
        %parallel_loop3A_582 = arith.mulf %parallel_loop3A_580, %parallel_loop3A_563 : vector<16xf32>
        %parallel_loop3A_583 = arith.index_cast %parallel_loop3A_557 : i32 to index
        %parallel_loop3A_584 = arith.constant 32 : index
        %parallel_loop3A_585 = tpu.vector_load %arg20[%parallel_loop3A_583, %parallel_loop3A_584] {strides = array<i32>} : memref<80x128xf32, #tpu.memory_space<vmem>>, vector<16xf32>,
        tpu.vector_store %arg20[%parallel_loop3A_583, %parallel_loop3A_584], %parallel_loop3A_582 {strides = array<i32>} : memref<80x128xf32, #tpu.memory_space<vmem>>, vector<16xf32>,
        %parallel_loop3A_586 = arith.mulf %parallel_loop3A_581, %parallel_loop3A_563 : vector<16xf32>
        %parallel_loop3A_587 = arith.index_cast %parallel_loop3A_557 : i32 to index
        %parallel_loop3A_588 = arith.constant 48 : index
        %parallel_loop3A_589 = tpu.vector_load %arg20[%parallel_loop3A_587, %parallel_loop3A_588] {strides = array<i32>} : memref<80x128xf32, #tpu.memory_space<vmem>>, vector<16xf32>,
        tpu.vector_store %arg20[%parallel_loop3A_587, %parallel_loop3A_588], %parallel_loop3A_586 {strides = array<i32>} : memref<80x128xf32, #tpu.memory_space<vmem>>, vector<16xf32>,
        %parallel_loop3A_590 = arith.index_cast %parallel_loop3A_557 : i32 to index
        %parallel_loop3A_591 = arith.constant 64 : index
        %parallel_loop3A_592 = tpu.vector_load %arg18[%parallel_loop3A_590, %parallel_loop3A_591] {strides = array<i32>} : memref<80x128xbf16, #tpu.memory_space<vmem>>, vector<32xbf16>,
        %parallel_loop3A_593 = tpu.unpack_subelements %parallel_loop3A_592, 0 {pack_format = #tpu.pack_format<interleaved>} : vector<32xbf16> -> vector<16xf32>
        %parallel_loop3A_594 = tpu.unpack_subelements %parallel_loop3A_592, 1 {pack_format = #tpu.pack_format<interleaved>} : vector<32xbf16> -> vector<16xf32>
        %parallel_loop3A_595 = arith.mulf %parallel_loop3A_593, %parallel_loop3A_563 : vector<16xf32>
        %parallel_loop3A_596 = arith.index_cast %parallel_loop3A_557 : i32 to index
        %parallel_loop3A_597 = arith.constant 64 : index
        %parallel_loop3A_598 = tpu.vector_load %arg20[%parallel_loop3A_596, %parallel_loop3A_597] {strides = array<i32>} : memref<80x128xf32, #tpu.memory_space<vmem>>, vector<16xf32>,
        tpu.vector_store %arg20[%parallel_loop3A_596, %parallel_loop3A_597], %parallel_loop3A_595 {strides = array<i32>} : memref<80x128xf32, #tpu.memory_space<vmem>>, vector<16xf32>,
        %parallel_loop3A_599 = arith.mulf %parallel_loop3A_594, %parallel_loop3A_563 : vector<16xf32>
        %parallel_loop3A_600 = arith.index_cast %parallel_loop3A_557 : i32 to index
        %parallel_loop3A_601 = arith.constant 80 : index
        %parallel_loop3A_602 = tpu.vector_load %arg20[%parallel_loop3A_600, %parallel_loop3A_601] {strides = array<i32>} : memref<80x128xf32, #tpu.memory_space<vmem>>, vector<16xf32>,
        tpu.vector_store %arg20[%parallel_loop3A_600, %parallel_loop3A_601], %parallel_loop3A_599 {strides = array<i32>} : memref<80x128xf32, #tpu.memory_space<vmem>>, vector<16xf32>,
        %parallel_loop3A_603 = arith.index_cast %parallel_loop3A_557 : i32 to index
        %parallel_loop3A_604 = arith.constant 96 : index
        %parallel_loop3A_605 = tpu.vector_load %arg18[%parallel_loop3A_603, %parallel_loop3A_604] {strides = array<i32>} : memref<80x128xbf16, #tpu.memory_space<vmem>>, vector<32xbf16>,
        %parallel_loop3A_606 = tpu.unpack_subelements %parallel_loop3A_605, 0 {pack_format = #tpu.pack_format<interleaved>} : vector<32xbf16> -> vector<16xf32>
        %parallel_loop3A_607 = tpu.unpack_subelements %parallel_loop3A_605, 1 {pack_format = #tpu.pack_format<interleaved>} : vector<32xbf16> -> vector<16xf32>
        %parallel_loop3A_608 = arith.mulf %parallel_loop3A_606, %parallel_loop3A_563 : vector<16xf32>
        %parallel_loop3A_609 = arith.index_cast %parallel_loop3A_557 : i32 to index
        %parallel_loop3A_610 = arith.constant 96 : index
        %parallel_loop3A_611 = tpu.vector_load %arg20[%parallel_loop3A_609, %parallel_loop3A_610] {strides = array<i32>} : memref<80x128xf32, #tpu.memory_space<vmem>>, vector<16xf32>,
        tpu.vector_store %arg20[%parallel_loop3A_609, %parallel_loop3A_610], %parallel_loop3A_608 {strides = array<i32>} : memref<80x128xf32, #tpu.memory_space<vmem>>, vector<16xf32>,
        %parallel_loop3A_612 = arith.mulf %parallel_loop3A_607, %parallel_loop3A_563 : vector<16xf32>
        %parallel_loop3A_613 = arith.index_cast %parallel_loop3A_557 : i32 to index
        %parallel_loop3A_614 = arith.constant 112 : index
        %parallel_loop3A_615 = tpu.vector_load %arg20[%parallel_loop3A_613, %parallel_loop3A_614] {strides = array<i32>} : memref<80x128xf32, #tpu.memory_space<vmem>>, vector<16xf32>,
        tpu.vector_store %arg20[%parallel_loop3A_613, %parallel_loop3A_614], %parallel_loop3A_612 {strides = array<i32>} : memref<80x128xf32, #tpu.memory_space<vmem>>, vector<16xf32>,
      } {sc.loop_unroll_factor = 1 : i64, sc.parallel_access}
      %dma_start3A_473 = arith.constant 0 : i32
      %dma_start3A_474 = arith.constant 0 : i32
      %dma_start3A_475 = tpu.memref_slice %arg14[%dma_start3A_473, %dma_start3A_474] : memref<1x80xi32, #tpu.memory_space<vmem>> -> memref<1x80xi32, #tpu.memory_space<vmem>>
      %dma_start3A_476 = tpu.memref_squeeze %dma_start3A_475 : memref<1x80xi32, #tpu.memory_space<vmem>> -> memref<80xi32, #tpu.memory_space<vmem>>
      %dma_start3A_477 = arith.constant 0 : i32
      %dma_start3A_478 = arith.constant 0 : i32
      %dma_start3A_479 = tpu.memref_slice %arg8[%dma_start3A_477, %dma_start3A_478] : memref<10000x128xf32, #tpu.memory_space<vmem_shared>> -> memref<10000x128xf32, #tpu.memory_space<vmem_shared>>
      tpu.enqueue_indirect_dma source(%arg20 : memref<80x128xf32, #tpu.memory_space<vmem>>) target(%dma_start3A_479 : memref<10000x128xf32, #tpu.memory_space<vmem_shared>>) offsets(%dma_start3A_476 : memref<80xi32, #tpu.memory_space<vmem>>) semaphore(%arg32 : memref<!tpu.dma_semaphore, #tpu.memory_space<semaphore_mem>>) {add = true}
      %add3A_480 = arith.constant 2 : i32
      %add3A_481 = arith.addi %add3A_444, %add3A_480 : i32
      %dma_start3A_482 = arith.constant 0 : i32
      %dma_start3A_483 = tpu.memref_slice %arg9[%add3A_481, %dma_start3A_482] : memref<125x80xi32, #tpu.memory_space<vmem>> -> memref<1x80xi32, #tpu.memory_space<vmem>>
      %dma_start3A_484 = tpu.memref_squeeze %dma_start3A_483 : memref<1x80xi32, #tpu.memory_space<vmem>> -> memref<80xi32, #tpu.memory_space<vmem>>
      %dma_start3A_485 = arith.constant 0 : i32
      %dma_start3A_486 = arith.constant 0 : i32
      %dma_start3A_487 = tpu.memref_slice %arg2[%dma_start3A_485, %dma_start3A_486] : memref<10000x128xbf16, #tpu.memory_space<hbm>> -> memref<10000x128xbf16, #tpu.memory_space<hbm>>
      tpu.enqueue_indirect_dma source(%dma_start3A_487 : memref<10000x128xbf16, #tpu.memory_space<hbm>>) target(%arg18 : memref<80x128xbf16, #tpu.memory_space<vmem>>) offsets(%dma_start3A_484 : memref<80xi32, #tpu.memory_space<vmem>>) semaphore(%arg22 : memref<!tpu.dma_semaphore, #tpu.memory_space<semaphore_mem>>)
      %dma_start3A_488 = arith.constant 0 : i32
      %dma_start3A_489 = tpu.memref_slice %arg4[%add3A, %add3A_481, %dma_start3A_488] : memref<32x125x80xi32, #tpu.memory_space<hbm>> -> memref<1x1x80xi32, #tpu.memory_space<hbm>>
      %dma_start3A_490 = tpu.memref_squeeze %dma_start3A_489 : memref<1x1x80xi32, #tpu.memory_space<hbm>> -> memref<1x80xi32, #tpu.memory_space<hbm>>
      %dma_start3A_491 = arith.constant 0 : i32
      %dma_start3A_492 = tpu.memref_slice %arg4[%add3A, %add3A_481, %dma_start3A_491] : memref<32x125x80xi32, #tpu.memory_space<hbm>> -> memref<1x1x80xi32, #tpu.memory_space<hbm>>
      %dma_start3A_493 = tpu.memref_squeeze %dma_start3A_492 : memref<1x1x80xi32, #tpu.memory_space<hbm>> -> memref<1x80xi32, #tpu.memory_space<hbm>>
      tpu.enqueue_dma source(%dma_start3A_493 : memref<1x80xi32, #tpu.memory_space<hbm>>) target(%arg16 : memref<1x80xi32, #tpu.memory_space<vmem>>) target_semaphore(%arg26 : memref<!tpu.dma_semaphore, #tpu.memory_space<semaphore_mem>>)
      %dma_start3A_494 = arith.constant 0 : i32
      %dma_start3A_495 = tpu.memref_slice %arg5[%add3A, %add3A_481, %dma_start3A_494] : memref<32x125x1280xf32, #tpu.memory_space<hbm>> -> memref<1x1x1280xf32, #tpu.memory_space<hbm>>
      %dma_start3A_496 = tpu.memref_squeeze %dma_start3A_495 : memref<1x1x1280xf32, #tpu.memory_space<hbm>> -> memref<1x1280xf32, #tpu.memory_space<hbm>>
      %dma_start3A_497 = arith.constant 0 : i32
      %dma_start3A_498 = tpu.memref_slice %arg5[%add3A, %add3A_481, %dma_start3A_497] : memref<32x125x1280xf32, #tpu.memory_space<hbm>> -> memref<1x1x1280xf32, #tpu.memory_space<hbm>>
      %dma_start3A_499 = tpu.memref_squeeze %dma_start3A_498 : memref<1x1x1280xf32, #tpu.memory_space<hbm>> -> memref<1x1280xf32, #tpu.memory_space<hbm>>
      tpu.enqueue_dma source(%dma_start3A_499 : memref<1x1280xf32, #tpu.memory_space<hbm>>) target(%arg12 : memref<1x1280xf32, #tpu.memory_space<vmem>>) target_semaphore(%arg30 : memref<!tpu.dma_semaphore, #tpu.memory_space<semaphore_mem>>)
      %add3A_500 = arith.constant 3 : i32
      %add3A_501 = arith.addi %add3A_328, %add3A_500 : i32
      %dma_wait3A_502 = arith.constant 0 : i32
      %dma_wait3A_503 = tpu.memref_slice %arg9[%add3A_501, %dma_wait3A_502] : memref<125x80xi32, #tpu.memory_space<vmem>> -> memref<1x80xi32, #tpu.memory_space<vmem>>
      %dma_wait3A_504 = tpu.memref_squeeze %dma_wait3A_503 : memref<1x80xi32, #tpu.memory_space<vmem>> -> memref<80xi32, #tpu.memory_space<vmem>>
      %dma_wait3A_505 = arith.constant 0 : i32
      %dma_wait3A_506 = arith.constant 0 : i32
      %dma_wait3A_507 = tpu.memref_slice %arg2[%dma_wait3A_505, %dma_wait3A_506] : memref<10000x128xbf16, #tpu.memory_space<hbm>> -> memref<10000x128xbf16, #tpu.memory_space<hbm>>
      tpu.wait_indirect_dma semaphore(%arg23 : memref<!tpu.dma_semaphore, #tpu.memory_space<semaphore_mem>>) src(%dma_wait3A_507 : memref<10000x128xbf16, #tpu.memory_space<hbm>>) dst(%arg19 : memref<80x128xbf16, #tpu.memory_space<vmem>>)
      %dma_wait3A_508 = arith.constant 0 : i32
      %dma_wait3A_509 = tpu.memref_slice %arg4[%add3A, %add3A_501, %dma_wait3A_508] : memref<32x125x80xi32, #tpu.memory_space<hbm>> -> memref<1x1x80xi32, #tpu.memory_space<hbm>>
      %dma_wait3A_510 = tpu.memref_squeeze %dma_wait3A_509 : memref<1x1x80xi32, #tpu.memory_space<hbm>> -> memref<1x80xi32, #tpu.memory_space<hbm>>
      %dma_wait3A_511 = arith.constant 0 : i32
      %dma_wait3A_512 = tpu.memref_slice %arg4[%add3A, %add3A_501, %dma_wait3A_511] : memref<32x125x80xi32, #tpu.memory_space<hbm>> -> memref<1x1x80xi32, #tpu.memory_space<hbm>>
      %dma_wait3A_513 = tpu.memref_squeeze %dma_wait3A_512 : memref<1x1x80xi32, #tpu.memory_space<hbm>> -> memref<1x80xi32, #tpu.memory_space<hbm>>
      tpu.wait_dma2 semaphore(%arg25 : memref<!tpu.dma_semaphore, #tpu.memory_space<semaphore_mem>>) src(%dma_wait3A_513 : memref<1x80xi32, #tpu.memory_space<hbm>>) dst(%arg15 : memref<1x80xi32, #tpu.memory_space<vmem>>)
      %dma_wait3A_514 = arith.constant 0 : i32
      %dma_wait3A_515 = tpu.memref_slice %arg5[%add3A, %add3A_501, %dma_wait3A_514] : memref<32x125x1280xf32, #tpu.memory_space<hbm>> -> memref<1x1x1280xf32, #tpu.memory_space<hbm>>
      %dma_wait3A_516 = tpu.memref_squeeze %dma_wait3A_515 : memref<1x1x1280xf32, #tpu.memory_space<hbm>> -> memref<1x1280xf32, #tpu.memory_space<hbm>>
      %dma_wait3A_517 = arith.constant 0 : i32
      %dma_wait3A_518 = tpu.memref_slice %arg5[%add3A, %add3A_501, %dma_wait3A_517] : memref<32x125x1280xf32, #tpu.memory_space<hbm>> -> memref<1x1x1280xf32, #tpu.memory_space<hbm>>
      %dma_wait3A_519 = tpu.memref_squeeze %dma_wait3A_518 : memref<1x1x1280xf32, #tpu.memory_space<hbm>> -> memref<1x1280xf32, #tpu.memory_space<hbm>>
      tpu.wait_dma2 semaphore(%arg29 : memref<!tpu.dma_semaphore, #tpu.memory_space<semaphore_mem>>) src(%dma_wait3A_519 : memref<1x1280xf32, #tpu.memory_space<hbm>>) dst(%arg11 : memref<1x1280xf32, #tpu.memory_space<vmem>>)
      %dma_wait3A_520 = arith.constant 0 : i32
      %dma_wait3A_521 = arith.constant 0 : i32
      %dma_wait3A_522 = tpu.memref_slice %arg17[%dma_wait3A_520, %dma_wait3A_521] : memref<1x80xi32, #tpu.memory_space<vmem>> -> memref<1x80xi32, #tpu.memory_space<vmem>>
      %dma_wait3A_523 = tpu.memref_squeeze %dma_wait3A_522 : memref<1x80xi32, #tpu.memory_space<vmem>> -> memref<80xi32, #tpu.memory_space<vmem>>
      %dma_wait3A_524 = arith.constant 0 : i32
      %dma_wait3A_525 = arith.constant 0 : i32
      %dma_wait3A_526 = tpu.memref_slice %arg8[%dma_wait3A_524, %dma_wait3A_525] : memref<10000x128xf32, #tpu.memory_space<vmem_shared>> -> memref<10000x128xf32, #tpu.memory_space<vmem_shared>>
      tpu.wait_indirect_dma semaphore(%arg33 : memref<!tpu.dma_semaphore, #tpu.memory_space<semaphore_mem>>) src(%arg21 : memref<80x128xf32, #tpu.memory_space<vmem>>) dst(%dma_wait3A_526 : memref<10000x128xf32, #tpu.memory_space<vmem_shared>>)
      %parallel_loop3A_527 = arith.constant 0 : i32
      %parallel_loop3A_528 = arith.constant 80 : i32
      %parallel_loop3A_529 = arith.constant 1 : i32
      scf.for %parallel_loop3A_557 = %parallel_loop3A_527 to %parallel_loop3A_528 step %parallel_loop3A_529  : i32 {
        %parallel_loop3A_558 = arith.constant 16 : i32
        %parallel_loop3A_559 = arith.muli %parallel_loop3A_557, %parallel_loop3A_558 : i32
        %parallel_loop3A_560 = arith.constant 0 : i32
        %parallel_loop3A_561 = arith.index_cast %parallel_loop3A_560 : i32 to index
        %parallel_loop3A_562 = arith.index_cast %parallel_loop3A_559 : i32 to index
        %parallel_loop3A_563 = tpu.vector_load %arg11[%parallel_loop3A_561, %parallel_loop3A_562] {strides = array<i32>} : memref<1x1280xf32, #tpu.memory_space<vmem>>, vector<16xf32>,
        %parallel_loop3A_564 = arith.index_cast %parallel_loop3A_557 : i32 to index
        %parallel_loop3A_565 = arith.constant 0 : index
        %parallel_loop3A_566 = tpu.vector_load %arg19[%parallel_loop3A_564, %parallel_loop3A_565] {strides = array<i32>} : memref<80x128xbf16, #tpu.memory_space<vmem>>, vector<32xbf16>,
        %parallel_loop3A_567 = tpu.unpack_subelements %parallel_loop3A_566, 0 {pack_format = #tpu.pack_format<interleaved>} : vector<32xbf16> -> vector<16xf32>
        %parallel_loop3A_568 = tpu.unpack_subelements %parallel_loop3A_566, 1 {pack_format = #tpu.pack_format<interleaved>} : vector<32xbf16> -> vector<16xf32>
        %parallel_loop3A_569 = arith.mulf %parallel_loop3A_567, %parallel_loop3A_563 : vector<16xf32>
        %parallel_loop3A_570 = arith.index_cast %parallel_loop3A_557 : i32 to index
        %parallel_loop3A_571 = arith.constant 0 : index
        %parallel_loop3A_572 = tpu.vector_load %arg21[%parallel_loop3A_570, %parallel_loop3A_571] {strides = array<i32>} : memref<80x128xf32, #tpu.memory_space<vmem>>, vector<16xf32>,
        tpu.vector_store %arg21[%parallel_loop3A_570, %parallel_loop3A_571], %parallel_loop3A_569 {strides = array<i32>} : memref<80x128xf32, #tpu.memory_space<vmem>>, vector<16xf32>,
        %parallel_loop3A_573 = arith.mulf %parallel_loop3A_568, %parallel_loop3A_563 : vector<16xf32>
        %parallel_loop3A_574 = arith.index_cast %parallel_loop3A_557 : i32 to index
        %parallel_loop3A_575 = arith.constant 16 : index
        %parallel_loop3A_576 = tpu.vector_load %arg21[%parallel_loop3A_574, %parallel_loop3A_575] {strides = array<i32>} : memref<80x128xf32, #tpu.memory_space<vmem>>, vector<16xf32>,
        tpu.vector_store %arg21[%parallel_loop3A_574, %parallel_loop3A_575], %parallel_loop3A_573 {strides = array<i32>} : memref<80x128xf32, #tpu.memory_space<vmem>>, vector<16xf32>,
        %parallel_loop3A_577 = arith.index_cast %parallel_loop3A_557 : i32 to index
        %parallel_loop3A_578 = arith.constant 32 : index
        %parallel_loop3A_579 = tpu.vector_load %arg19[%parallel_loop3A_577, %parallel_loop3A_578] {strides = array<i32>} : memref<80x128xbf16, #tpu.memory_space<vmem>>, vector<32xbf16>,
        %parallel_loop3A_580 = tpu.unpack_subelements %parallel_loop3A_579, 0 {pack_format = #tpu.pack_format<interleaved>} : vector<32xbf16> -> vector<16xf32>
        %parallel_loop3A_581 = tpu.unpack_subelements %parallel_loop3A_579, 1 {pack_format = #tpu.pack_format<interleaved>} : vector<32xbf16> -> vector<16xf32>
        %parallel_loop3A_582 = arith.mulf %parallel_loop3A_580, %parallel_loop3A_563 : vector<16xf32>
        %parallel_loop3A_583 = arith.index_cast %parallel_loop3A_557 : i32 to index
        %parallel_loop3A_584 = arith.constant 32 : index
        %parallel_loop3A_585 = tpu.vector_load %arg21[%parallel_loop3A_583, %parallel_loop3A_584] {strides = array<i32>} : memref<80x128xf32, #tpu.memory_space<vmem>>, vector<16xf32>,
        tpu.vector_store %arg21[%parallel_loop3A_583, %parallel_loop3A_584], %parallel_loop3A_582 {strides = array<i32>} : memref<80x128xf32, #tpu.memory_space<vmem>>, vector<16xf32>,
        %parallel_loop3A_586 = arith.mulf %parallel_loop3A_581, %parallel_loop3A_563 : vector<16xf32>
        %parallel_loop3A_587 = arith.index_cast %parallel_loop3A_557 : i32 to index
        %parallel_loop3A_588 = arith.constant 48 : index
        %parallel_loop3A_589 = tpu.vector_load %arg21[%parallel_loop3A_587, %parallel_loop3A_588] {strides = array<i32>} : memref<80x128xf32, #tpu.memory_space<vmem>>, vector<16xf32>,
        tpu.vector_store %arg21[%parallel_loop3A_587, %parallel_loop3A_588], %parallel_loop3A_586 {strides = array<i32>} : memref<80x128xf32, #tpu.memory_space<vmem>>, vector<16xf32>,
        %parallel_loop3A_590 = arith.index_cast %parallel_loop3A_557 : i32 to index
        %parallel_loop3A_591 = arith.constant 64 : index
        %parallel_loop3A_592 = tpu.vector_load %arg19[%parallel_loop3A_590, %parallel_loop3A_591] {strides = array<i32>} : memref<80x128xbf16, #tpu.memory_space<vmem>>, vector<32xbf16>,
        %parallel_loop3A_593 = tpu.unpack_subelements %parallel_loop3A_592, 0 {pack_format = #tpu.pack_format<interleaved>} : vector<32xbf16> -> vector<16xf32>
        %parallel_loop3A_594 = tpu.unpack_subelements %parallel_loop3A_592, 1 {pack_format = #tpu.pack_format<interleaved>} : vector<32xbf16> -> vector<16xf32>
        %parallel_loop3A_595 = arith.mulf %parallel_loop3A_593, %parallel_loop3A_563 : vector<16xf32>
        %parallel_loop3A_596 = arith.index_cast %parallel_loop3A_557 : i32 to index
        %parallel_loop3A_597 = arith.constant 64 : index
        %parallel_loop3A_598 = tpu.vector_load %arg21[%parallel_loop3A_596, %parallel_loop3A_597] {strides = array<i32>} : memref<80x128xf32, #tpu.memory_space<vmem>>, vector<16xf32>,
        tpu.vector_store %arg21[%parallel_loop3A_596, %parallel_loop3A_597], %parallel_loop3A_595 {strides = array<i32>} : memref<80x128xf32, #tpu.memory_space<vmem>>, vector<16xf32>,
        %parallel_loop3A_599 = arith.mulf %parallel_loop3A_594, %parallel_loop3A_563 : vector<16xf32>
        %parallel_loop3A_600 = arith.index_cast %parallel_loop3A_557 : i32 to index
        %parallel_loop3A_601 = arith.constant 80 : index
        %parallel_loop3A_602 = tpu.vector_load %arg21[%parallel_loop3A_600, %parallel_loop3A_601] {strides = array<i32>} : memref<80x128xf32, #tpu.memory_space<vmem>>, vector<16xf32>,
        tpu.vector_store %arg21[%parallel_loop3A_600, %parallel_loop3A_601], %parallel_loop3A_599 {strides = array<i32>} : memref<80x128xf32, #tpu.memory_space<vmem>>, vector<16xf32>,
        %parallel_loop3A_603 = arith.index_cast %parallel_loop3A_557 : i32 to index
        %parallel_loop3A_604 = arith.constant 96 : index
        %parallel_loop3A_605 = tpu.vector_load %arg19[%parallel_loop3A_603, %parallel_loop3A_604] {strides = array<i32>} : memref<80x128xbf16, #tpu.memory_space<vmem>>, vector<32xbf16>,
        %parallel_loop3A_606 = tpu.unpack_subelements %parallel_loop3A_605, 0 {pack_format = #tpu.pack_format<interleaved>} : vector<32xbf16> -> vector<16xf32>
        %parallel_loop3A_607 = tpu.unpack_subelements %parallel_loop3A_605, 1 {pack_format = #tpu.pack_format<interleaved>} : vector<32xbf16> -> vector<16xf32>
        %parallel_loop3A_608 = arith.mulf %parallel_loop3A_606, %parallel_loop3A_563 : vector<16xf32>
        %parallel_loop3A_609 = arith.index_cast %parallel_loop3A_557 : i32 to index
        %parallel_loop3A_610 = arith.constant 96 : index
        %parallel_loop3A_611 = tpu.vector_load %arg21[%parallel_loop3A_609, %parallel_loop3A_610] {strides = array<i32>} : memref<80x128xf32, #tpu.memory_space<vmem>>, vector<16xf32>,
        tpu.vector_store %arg21[%parallel_loop3A_609, %parallel_loop3A_610], %parallel_loop3A_608 {strides = array<i32>} : memref<80x128xf32, #tpu.memory_space<vmem>>, vector<16xf32>,
        %parallel_loop3A_612 = arith.mulf %parallel_loop3A_607, %parallel_loop3A_563 : vector<16xf32>
        %parallel_loop3A_613 = arith.index_cast %parallel_loop3A_557 : i32 to index
        %parallel_loop3A_614 = arith.constant 112 : index
        %parallel_loop3A_615 = tpu.vector_load %arg21[%parallel_loop3A_613, %parallel_loop3A_614] {strides = array<i32>} : memref<80x128xf32, #tpu.memory_space<vmem>>, vector<16xf32>,
        tpu.vector_store %arg21[%parallel_loop3A_613, %parallel_loop3A_614], %parallel_loop3A_612 {strides = array<i32>} : memref<80x128xf32, #tpu.memory_space<vmem>>, vector<16xf32>,
      } {sc.loop_unroll_factor = 1 : i64, sc.parallel_access}
      %dma_start3A_530 = arith.constant 0 : i32
      %dma_start3A_531 = arith.constant 0 : i32
      %dma_start3A_532 = tpu.memref_slice %arg15[%dma_start3A_530, %dma_start3A_531] : memref<1x80xi32, #tpu.memory_space<vmem>> -> memref<1x80xi32, #tpu.memory_space<vmem>>
      %dma_start3A_533 = tpu.memref_squeeze %dma_start3A_532 : memref<1x80xi32, #tpu.memory_space<vmem>> -> memref<80xi32, #tpu.memory_space<vmem>>
      %dma_start3A_534 = arith.constant 0 : i32
      %dma_start3A_535 = arith.constant 0 : i32
      %dma_start3A_536 = tpu.memref_slice %arg8[%dma_start3A_534, %dma_start3A_535] : memref<10000x128xf32, #tpu.memory_space<vmem_shared>> -> memref<10000x128xf32, #tpu.memory_space<vmem_shared>>
      tpu.enqueue_indirect_dma source(%arg21 : memref<80x128xf32, #tpu.memory_space<vmem>>) target(%dma_start3A_536 : memref<10000x128xf32, #tpu.memory_space<vmem_shared>>) offsets(%dma_start3A_533 : memref<80xi32, #tpu.memory_space<vmem>>) semaphore(%arg33 : memref<!tpu.dma_semaphore, #tpu.memory_space<semaphore_mem>>) {add = true}
      %add3A_537 = arith.constant 2 : i32
      %add3A_538 = arith.addi %add3A_501, %add3A_537 : i32
      %dma_start3A_539 = arith.constant 0 : i32
      %dma_start3A_540 = tpu.memref_slice %arg9[%add3A_538, %dma_start3A_539] : memref<125x80xi32, #tpu.memory_space<vmem>> -> memref<1x80xi32, #tpu.memory_space<vmem>>
      %dma_start3A_541 = tpu.memref_squeeze %dma_start3A_540 : memref<1x80xi32, #tpu.memory_space<vmem>> -> memref<80xi32, #tpu.memory_space<vmem>>
      %dma_start3A_542 = arith.constant 0 : i32
      %dma_start3A_543 = arith.constant 0 : i32
      %dma_start3A_544 = tpu.memref_slice %arg2[%dma_start3A_542, %dma_start3A_543] : memref<10000x128xbf16, #tpu.memory_space<hbm>> -> memref<10000x128xbf16, #tpu.memory_space<hbm>>
      tpu.enqueue_indirect_dma source(%dma_start3A_544 : memref<10000x128xbf16, #tpu.memory_space<hbm>>) target(%arg19 : memref<80x128xbf16, #tpu.memory_space<vmem>>) offsets(%dma_start3A_541 : memref<80xi32, #tpu.memory_space<vmem>>) semaphore(%arg23 : memref<!tpu.dma_semaphore, #tpu.memory_space<semaphore_mem>>)
      %dma_start3A_545 = arith.constant 0 : i32
      %dma_start3A_546 = tpu.memref_slice %arg4[%add3A, %add3A_538, %dma_start3A_545] : memref<32x125x80xi32, #tpu.memory_space<hbm>> -> memref<1x1x80xi32, #tpu.memory_space<hbm>>
      %dma_start3A_547 = tpu.memref_squeeze %dma_start3A_546 : memref<1x1x80xi32, #tpu.memory_space<hbm>> -> memref<1x80xi32, #tpu.memory_space<hbm>>
      %dma_start3A_548 = arith.constant 0 : i32
      %dma_start3A_549 = tpu.memref_slice %arg4[%add3A, %add3A_538, %dma_start3A_548] : memref<32x125x80xi32, #tpu.memory_space<hbm>> -> memref<1x1x80xi32, #tpu.memory_space<hbm>>
      %dma_start3A_550 = tpu.memref_squeeze %dma_start3A_549 : memref<1x1x80xi32, #tpu.memory_space<hbm>> -> memref<1x80xi32, #tpu.memory_space<hbm>>
      tpu.enqueue_dma source(%dma_start3A_550 : memref<1x80xi32, #tpu.memory_space<hbm>>) target(%arg17 : memref<1x80xi32, #tpu.memory_space<vmem>>) target_semaphore(%arg27 : memref<!tpu.dma_semaphore, #tpu.memory_space<semaphore_mem>>)
      %dma_start3A_551 = arith.constant 0 : i32
      %dma_start3A_552 = tpu.memref_slice %arg5[%add3A, %add3A_538, %dma_start3A_551] : memref<32x125x1280xf32, #tpu.memory_space<hbm>> -> memref<1x1x1280xf32, #tpu.memory_space<hbm>>
      %dma_start3A_553 = tpu.memref_squeeze %dma_start3A_552 : memref<1x1x1280xf32, #tpu.memory_space<hbm>> -> memref<1x1280xf32, #tpu.memory_space<hbm>>
      %dma_start3A_554 = arith.constant 0 : i32
      %dma_start3A_555 = tpu.memref_slice %arg5[%add3A, %add3A_538, %dma_start3A_554] : memref<32x125x1280xf32, #tpu.memory_space<hbm>> -> memref<1x1x1280xf32, #tpu.memory_space<hbm>>
      %dma_start3A_556 = tpu.memref_squeeze %dma_start3A_555 : memref<1x1x1280xf32, #tpu.memory_space<hbm>> -> memref<1x1280xf32, #tpu.memory_space<hbm>>
      tpu.enqueue_dma source(%dma_start3A_556 : memref<1x1280xf32, #tpu.memory_space<hbm>>) target(%arg13 : memref<1x1280xf32, #tpu.memory_space<vmem>>) target_semaphore(%arg31 : memref<!tpu.dma_semaphore, #tpu.memory_space<semaphore_mem>>)
    }
    %scan3A_161 = arith.constant 30 : i32
    %dma_wait3A_162 = arith.constant 122 : i32
    %dma_wait3A_163 = arith.constant 0 : i32
    %dma_wait3A_164 = tpu.memref_slice %arg9[%dma_wait3A_162, %dma_wait3A_163] : memref<125x80xi32, #tpu.memory_space<vmem>> -> memref<1x80xi32, #tpu.memory_space<vmem>>
    %dma_wait3A_165 = tpu.memref_squeeze %dma_wait3A_164 : memref<1x80xi32, #tpu.memory_space<vmem>> -> memref<80xi32, #tpu.memory_space<vmem>>
    %dma_wait3A_166 = arith.constant 0 : i32
    %dma_wait3A_167 = arith.constant 0 : i32
    %dma_wait3A_168 = tpu.memref_slice %arg2[%dma_wait3A_166, %dma_wait3A_167] : memref<10000x128xbf16, #tpu.memory_space<hbm>> -> memref<10000x128xbf16, #tpu.memory_space<hbm>>
    tpu.wait_indirect_dma semaphore(%arg22 : memref<!tpu.dma_semaphore, #tpu.memory_space<semaphore_mem>>) src(%dma_wait3A_168 : memref<10000x128xbf16, #tpu.memory_space<hbm>>) dst(%arg18 : memref<80x128xbf16, #tpu.memory_space<vmem>>)
    %dma_wait3A_169 = arith.constant 122 : i32
    %dma_wait3A_170 = arith.constant 0 : i32
    %dma_wait3A_171 = tpu.memref_slice %arg4[%add3A, %dma_wait3A_169, %dma_wait3A_170] : memref<32x125x80xi32, #tpu.memory_space<hbm>> -> memref<1x1x80xi32, #tpu.memory_space<hbm>>
    %dma_wait3A_172 = tpu.memref_squeeze %dma_wait3A_171 : memref<1x1x80xi32, #tpu.memory_space<hbm>> -> memref<1x80xi32, #tpu.memory_space<hbm>>
    %dma_wait3A_173 = arith.constant 122 : i32
    %dma_wait3A_174 = arith.constant 0 : i32
    %dma_wait3A_175 = tpu.memref_slice %arg4[%add3A, %dma_wait3A_173, %dma_wait3A_174] : memref<32x125x80xi32, #tpu.memory_space<hbm>> -> memref<1x1x80xi32, #tpu.memory_space<hbm>>
    %dma_wait3A_176 = tpu.memref_squeeze %dma_wait3A_175 : memref<1x1x80xi32, #tpu.memory_space<hbm>> -> memref<1x80xi32, #tpu.memory_space<hbm>>
    tpu.wait_dma2 semaphore(%arg26 : memref<!tpu.dma_semaphore, #tpu.memory_space<semaphore_mem>>) src(%dma_wait3A_176 : memref<1x80xi32, #tpu.memory_space<hbm>>) dst(%arg16 : memref<1x80xi32, #tpu.memory_space<vmem>>)
    %dma_wait3A_177 = arith.constant 122 : i32
    %dma_wait3A_178 = arith.constant 0 : i32
    %dma_wait3A_179 = tpu.memref_slice %arg5[%add3A, %dma_wait3A_177, %dma_wait3A_178] : memref<32x125x1280xf32, #tpu.memory_space<hbm>> -> memref<1x1x1280xf32, #tpu.memory_space<hbm>>
    %dma_wait3A_180 = tpu.memref_squeeze %dma_wait3A_179 : memref<1x1x1280xf32, #tpu.memory_space<hbm>> -> memref<1x1280xf32, #tpu.memory_space<hbm>>
    %dma_wait3A_181 = arith.constant 122 : i32
    %dma_wait3A_182 = arith.constant 0 : i32
    %dma_wait3A_183 = tpu.memref_slice %arg5[%add3A, %dma_wait3A_181, %dma_wait3A_182] : memref<32x125x1280xf32, #tpu.memory_space<hbm>> -> memref<1x1x1280xf32, #tpu.memory_space<hbm>>
    %dma_wait3A_184 = tpu.memref_squeeze %dma_wait3A_183 : memref<1x1x1280xf32, #tpu.memory_space<hbm>> -> memref<1x1280xf32, #tpu.memory_space<hbm>>
    tpu.wait_dma2 semaphore(%arg30 : memref<!tpu.dma_semaphore, #tpu.memory_space<semaphore_mem>>) src(%dma_wait3A_184 : memref<1x1280xf32, #tpu.memory_space<hbm>>) dst(%arg12 : memref<1x1280xf32, #tpu.memory_space<vmem>>)
    %dma_wait3A_185 = arith.constant 0 : i32
    %dma_wait3A_186 = arith.constant 0 : i32
    %dma_wait3A_187 = tpu.memref_slice %arg14[%dma_wait3A_185, %dma_wait3A_186] : memref<1x80xi32, #tpu.memory_space<vmem>> -> memref<1x80xi32, #tpu.memory_space<vmem>>
    %dma_wait3A_188 = tpu.memref_squeeze %dma_wait3A_187 : memref<1x80xi32, #tpu.memory_space<vmem>> -> memref<80xi32, #tpu.memory_space<vmem>>
    %dma_wait3A_189 = arith.constant 0 : i32
    %dma_wait3A_190 = arith.constant 0 : i32
    %dma_wait3A_191 = tpu.memref_slice %arg8[%dma_wait3A_189, %dma_wait3A_190] : memref<10000x128xf32, #tpu.memory_space<vmem_shared>> -> memref<10000x128xf32, #tpu.memory_space<vmem_shared>>
    tpu.wait_indirect_dma semaphore(%arg32 : memref<!tpu.dma_semaphore, #tpu.memory_space<semaphore_mem>>) src(%arg20 : memref<80x128xf32, #tpu.memory_space<vmem>>) dst(%dma_wait3A_191 : memref<10000x128xf32, #tpu.memory_space<vmem_shared>>)
    %parallel_loop3A_192 = arith.constant 0 : i32
    %parallel_loop3A_193 = arith.constant 80 : i32
    %parallel_loop3A_194 = arith.constant 1 : i32
    scf.for %parallel_loop3A_324 = %parallel_loop3A_192 to %parallel_loop3A_193 step %parallel_loop3A_194  : i32 {
      %parallel_loop3A_325 = arith.constant 16 : i32
      %parallel_loop3A_326 = arith.muli %parallel_loop3A_324, %parallel_loop3A_325 : i32
      %parallel_loop3A_327 = arith.constant 0 : i32
      %parallel_loop3A_328 = arith.index_cast %parallel_loop3A_327 : i32 to index
      %parallel_loop3A_329 = arith.index_cast %parallel_loop3A_326 : i32 to index
      %parallel_loop3A_330 = tpu.vector_load %arg12[%parallel_loop3A_328, %parallel_loop3A_329] {strides = array<i32>} : memref<1x1280xf32, #tpu.memory_space<vmem>>, vector<16xf32>,
      %parallel_loop3A_331 = arith.index_cast %parallel_loop3A_324 : i32 to index
      %parallel_loop3A_332 = arith.constant 0 : index
      %parallel_loop3A_333 = tpu.vector_load %arg18[%parallel_loop3A_331, %parallel_loop3A_332] {strides = array<i32>} : memref<80x128xbf16, #tpu.memory_space<vmem>>, vector<32xbf16>,
      %parallel_loop3A_334 = tpu.unpack_subelements %parallel_loop3A_333, 0 {pack_format = #tpu.pack_format<interleaved>} : vector<32xbf16> -> vector<16xf32>
      %parallel_loop3A_335 = tpu.unpack_subelements %parallel_loop3A_333, 1 {pack_format = #tpu.pack_format<interleaved>} : vector<32xbf16> -> vector<16xf32>
      %parallel_loop3A_336 = arith.mulf %parallel_loop3A_334, %parallel_loop3A_330 : vector<16xf32>
      %parallel_loop3A_337 = arith.index_cast %parallel_loop3A_324 : i32 to index
      %parallel_loop3A_338 = arith.constant 0 : index
      %parallel_loop3A_339 = tpu.vector_load %arg20[%parallel_loop3A_337, %parallel_loop3A_338] {strides = array<i32>} : memref<80x128xf32, #tpu.memory_space<vmem>>, vector<16xf32>,
      tpu.vector_store %arg20[%parallel_loop3A_337, %parallel_loop3A_338], %parallel_loop3A_336 {strides = array<i32>} : memref<80x128xf32, #tpu.memory_space<vmem>>, vector<16xf32>,
      %parallel_loop3A_340 = arith.mulf %parallel_loop3A_335, %parallel_loop3A_330 : vector<16xf32>
      %parallel_loop3A_341 = arith.index_cast %parallel_loop3A_324 : i32 to index
      %parallel_loop3A_342 = arith.constant 16 : index
      %parallel_loop3A_343 = tpu.vector_load %arg20[%parallel_loop3A_341, %parallel_loop3A_342] {strides = array<i32>} : memref<80x128xf32, #tpu.memory_space<vmem>>, vector<16xf32>,
      tpu.vector_store %arg20[%parallel_loop3A_341, %parallel_loop3A_342], %parallel_loop3A_340 {strides = array<i32>} : memref<80x128xf32, #tpu.memory_space<vmem>>, vector<16xf32>,
      %parallel_loop3A_344 = arith.index_cast %parallel_loop3A_324 : i32 to index
      %parallel_loop3A_345 = arith.constant 32 : index
      %parallel_loop3A_346 = tpu.vector_load %arg18[%parallel_loop3A_344, %parallel_loop3A_345] {strides = array<i32>} : memref<80x128xbf16, #tpu.memory_space<vmem>>, vector<32xbf16>,
      %parallel_loop3A_347 = tpu.unpack_subelements %parallel_loop3A_346, 0 {pack_format = #tpu.pack_format<interleaved>} : vector<32xbf16> -> vector<16xf32>
      %parallel_loop3A_348 = tpu.unpack_subelements %parallel_loop3A_346, 1 {pack_format = #tpu.pack_format<interleaved>} : vector<32xbf16> -> vector<16xf32>
      %parallel_loop3A_349 = arith.mulf %parallel_loop3A_347, %parallel_loop3A_330 : vector<16xf32>
      %parallel_loop3A_350 = arith.index_cast %parallel_loop3A_324 : i32 to index
      %parallel_loop3A_351 = arith.constant 32 : index
      %parallel_loop3A_352 = tpu.vector_load %arg20[%parallel_loop3A_350, %parallel_loop3A_351] {strides = array<i32>} : memref<80x128xf32, #tpu.memory_space<vmem>>, vector<16xf32>,
      tpu.vector_store %arg20[%parallel_loop3A_350, %parallel_loop3A_351], %parallel_loop3A_349 {strides = array<i32>} : memref<80x128xf32, #tpu.memory_space<vmem>>, vector<16xf32>,
      %parallel_loop3A_353 = arith.mulf %parallel_loop3A_348, %parallel_loop3A_330 : vector<16xf32>
      %parallel_loop3A_354 = arith.index_cast %parallel_loop3A_324 : i32 to index
      %parallel_loop3A_355 = arith.constant 48 : index
      %parallel_loop3A_356 = tpu.vector_load %arg20[%parallel_loop3A_354, %parallel_loop3A_355] {strides = array<i32>} : memref<80x128xf32, #tpu.memory_space<vmem>>, vector<16xf32>,
      tpu.vector_store %arg20[%parallel_loop3A_354, %parallel_loop3A_355], %parallel_loop3A_353 {strides = array<i32>} : memref<80x128xf32, #tpu.memory_space<vmem>>, vector<16xf32>,
      %parallel_loop3A_357 = arith.index_cast %parallel_loop3A_324 : i32 to index
      %parallel_loop3A_358 = arith.constant 64 : index
      %parallel_loop3A_359 = tpu.vector_load %arg18[%parallel_loop3A_357, %parallel_loop3A_358] {strides = array<i32>} : memref<80x128xbf16, #tpu.memory_space<vmem>>, vector<32xbf16>,
      %parallel_loop3A_360 = tpu.unpack_subelements %parallel_loop3A_359, 0 {pack_format = #tpu.pack_format<interleaved>} : vector<32xbf16> -> vector<16xf32>
      %parallel_loop3A_361 = tpu.unpack_subelements %parallel_loop3A_359, 1 {pack_format = #tpu.pack_format<interleaved>} : vector<32xbf16> -> vector<16xf32>
      %parallel_loop3A_362 = arith.mulf %parallel_loop3A_360, %parallel_loop3A_330 : vector<16xf32>
      %parallel_loop3A_363 = arith.index_cast %parallel_loop3A_324 : i32 to index
      %parallel_loop3A_364 = arith.constant 64 : index
      %parallel_loop3A_365 = tpu.vector_load %arg20[%parallel_loop3A_363, %parallel_loop3A_364] {strides = array<i32>} : memref<80x128xf32, #tpu.memory_space<vmem>>, vector<16xf32>,
      tpu.vector_store %arg20[%parallel_loop3A_363, %parallel_loop3A_364], %parallel_loop3A_362 {strides = array<i32>} : memref<80x128xf32, #tpu.memory_space<vmem>>, vector<16xf32>,
      %parallel_loop3A_366 = arith.mulf %parallel_loop3A_361, %parallel_loop3A_330 : vector<16xf32>
      %parallel_loop3A_367 = arith.index_cast %parallel_loop3A_324 : i32 to index
      %parallel_loop3A_368 = arith.constant 80 : index
      %parallel_loop3A_369 = tpu.vector_load %arg20[%parallel_loop3A_367, %parallel_loop3A_368] {strides = array<i32>} : memref<80x128xf32, #tpu.memory_space<vmem>>, vector<16xf32>,
      tpu.vector_store %arg20[%parallel_loop3A_367, %parallel_loop3A_368], %parallel_loop3A_366 {strides = array<i32>} : memref<80x128xf32, #tpu.memory_space<vmem>>, vector<16xf32>,
      %parallel_loop3A_370 = arith.index_cast %parallel_loop3A_324 : i32 to index
      %parallel_loop3A_371 = arith.constant 96 : index
      %parallel_loop3A_372 = tpu.vector_load %arg18[%parallel_loop3A_370, %parallel_loop3A_371] {strides = array<i32>} : memref<80x128xbf16, #tpu.memory_space<vmem>>, vector<32xbf16>,
      %parallel_loop3A_373 = tpu.unpack_subelements %parallel_loop3A_372, 0 {pack_format = #tpu.pack_format<interleaved>} : vector<32xbf16> -> vector<16xf32>
      %parallel_loop3A_374 = tpu.unpack_subelements %parallel_loop3A_372, 1 {pack_format = #tpu.pack_format<interleaved>} : vector<32xbf16> -> vector<16xf32>
      %parallel_loop3A_375 = arith.mulf %parallel_loop3A_373, %parallel_loop3A_330 : vector<16xf32>
      %parallel_loop3A_376 = arith.index_cast %parallel_loop3A_324 : i32 to index
      %parallel_loop3A_377 = arith.constant 96 : index
      %parallel_loop3A_378 = tpu.vector_load %arg20[%parallel_loop3A_376, %parallel_loop3A_377] {strides = array<i32>} : memref<80x128xf32, #tpu.memory_space<vmem>>, vector<16xf32>,
      tpu.vector_store %arg20[%parallel_loop3A_376, %parallel_loop3A_377], %parallel_loop3A_375 {strides = array<i32>} : memref<80x128xf32, #tpu.memory_space<vmem>>, vector<16xf32>,
      %parallel_loop3A_379 = arith.mulf %parallel_loop3A_374, %parallel_loop3A_330 : vector<16xf32>
      %parallel_loop3A_380 = arith.index_cast %parallel_loop3A_324 : i32 to index
      %parallel_loop3A_381 = arith.constant 112 : index
      %parallel_loop3A_382 = tpu.vector_load %arg20[%parallel_loop3A_380, %parallel_loop3A_381] {strides = array<i32>} : memref<80x128xf32, #tpu.memory_space<vmem>>, vector<16xf32>,
      tpu.vector_store %arg20[%parallel_loop3A_380, %parallel_loop3A_381], %parallel_loop3A_379 {strides = array<i32>} : memref<80x128xf32, #tpu.memory_space<vmem>>, vector<16xf32>,
    } {sc.loop_unroll_factor = 1 : i64, sc.parallel_access}
    %dma_start3A_195 = arith.constant 0 : i32
    %dma_start3A_196 = arith.constant 0 : i32
    %dma_start3A_197 = tpu.memref_slice %arg16[%dma_start3A_195, %dma_start3A_196] : memref<1x80xi32, #tpu.memory_space<vmem>> -> memref<1x80xi32, #tpu.memory_space<vmem>>
    %dma_start3A_198 = tpu.memref_squeeze %dma_start3A_197 : memref<1x80xi32, #tpu.memory_space<vmem>> -> memref<80xi32, #tpu.memory_space<vmem>>
    %dma_start3A_199 = arith.constant 0 : i32
    %dma_start3A_200 = arith.constant 0 : i32
    %dma_start3A_201 = tpu.memref_slice %arg8[%dma_start3A_199, %dma_start3A_200] : memref<10000x128xf32, #tpu.memory_space<vmem_shared>> -> memref<10000x128xf32, #tpu.memory_space<vmem_shared>>
    tpu.enqueue_indirect_dma source(%arg20 : memref<80x128xf32, #tpu.memory_space<vmem>>) target(%dma_start3A_201 : memref<10000x128xf32, #tpu.memory_space<vmem_shared>>) offsets(%dma_start3A_198 : memref<80xi32, #tpu.memory_space<vmem>>) semaphore(%arg32 : memref<!tpu.dma_semaphore, #tpu.memory_space<semaphore_mem>>) {add = true}
    %dma_start3A_202 = arith.constant 124 : i32
    %dma_start3A_203 = arith.constant 0 : i32
    %dma_start3A_204 = tpu.memref_slice %arg9[%dma_start3A_202, %dma_start3A_203] : memref<125x80xi32, #tpu.memory_space<vmem>> -> memref<1x80xi32, #tpu.memory_space<vmem>>
    %dma_start3A_205 = tpu.memref_squeeze %dma_start3A_204 : memref<1x80xi32, #tpu.memory_space<vmem>> -> memref<80xi32, #tpu.memory_space<vmem>>
    %dma_start3A_206 = arith.constant 0 : i32
    %dma_start3A_207 = arith.constant 0 : i32
    %dma_start3A_208 = tpu.memref_slice %arg2[%dma_start3A_206, %dma_start3A_207] : memref<10000x128xbf16, #tpu.memory_space<hbm>> -> memref<10000x128xbf16, #tpu.memory_space<hbm>>
    tpu.enqueue_indirect_dma source(%dma_start3A_208 : memref<10000x128xbf16, #tpu.memory_space<hbm>>) target(%arg18 : memref<80x128xbf16, #tpu.memory_space<vmem>>) offsets(%dma_start3A_205 : memref<80xi32, #tpu.memory_space<vmem>>) semaphore(%arg22 : memref<!tpu.dma_semaphore, #tpu.memory_space<semaphore_mem>>)
    %dma_start3A_209 = arith.constant 124 : i32
    %dma_start3A_210 = arith.constant 0 : i32
    %dma_start3A_211 = tpu.memref_slice %arg4[%add3A, %dma_start3A_209, %dma_start3A_210] : memref<32x125x80xi32, #tpu.memory_space<hbm>> -> memref<1x1x80xi32, #tpu.memory_space<hbm>>
    %dma_start3A_212 = tpu.memref_squeeze %dma_start3A_211 : memref<1x1x80xi32, #tpu.memory_space<hbm>> -> memref<1x80xi32, #tpu.memory_space<hbm>>
    %dma_start3A_213 = arith.constant 124 : i32
    %dma_start3A_214 = arith.constant 0 : i32
    %dma_start3A_215 = tpu.memref_slice %arg4[%add3A, %dma_start3A_213, %dma_start3A_214] : memref<32x125x80xi32, #tpu.memory_space<hbm>> -> memref<1x1x80xi32, #tpu.memory_space<hbm>>
    %dma_start3A_216 = tpu.memref_squeeze %dma_start3A_215 : memref<1x1x80xi32, #tpu.memory_space<hbm>> -> memref<1x80xi32, #tpu.memory_space<hbm>>
    tpu.enqueue_dma source(%dma_start3A_216 : memref<1x80xi32, #tpu.memory_space<hbm>>) target(%arg14 : memref<1x80xi32, #tpu.memory_space<vmem>>) target_semaphore(%arg24 : memref<!tpu.dma_semaphore, #tpu.memory_space<semaphore_mem>>)
    %dma_start3A_217 = arith.constant 124 : i32
    %dma_start3A_218 = arith.constant 0 : i32
    %dma_start3A_219 = tpu.memref_slice %arg5[%add3A, %dma_start3A_217, %dma_start3A_218] : memref<32x125x1280xf32, #tpu.memory_space<hbm>> -> memref<1x1x1280xf32, #tpu.memory_space<hbm>>
    %dma_start3A_220 = tpu.memref_squeeze %dma_start3A_219 : memref<1x1x1280xf32, #tpu.memory_space<hbm>> -> memref<1x1280xf32, #tpu.memory_space<hbm>>
    %dma_start3A_221 = arith.constant 124 : i32
    %dma_start3A_222 = arith.constant 0 : i32
    %dma_start3A_223 = tpu.memref_slice %arg5[%add3A, %dma_start3A_221, %dma_start3A_222] : memref<32x125x1280xf32, #tpu.memory_space<hbm>> -> memref<1x1x1280xf32, #tpu.memory_space<hbm>>
    %dma_start3A_224 = tpu.memref_squeeze %dma_start3A_223 : memref<1x1x1280xf32, #tpu.memory_space<hbm>> -> memref<1x1280xf32, #tpu.memory_space<hbm>>
    tpu.enqueue_dma source(%dma_start3A_224 : memref<1x1280xf32, #tpu.memory_space<hbm>>) target(%arg10 : memref<1x1280xf32, #tpu.memory_space<vmem>>) target_semaphore(%arg28 : memref<!tpu.dma_semaphore, #tpu.memory_space<semaphore_mem>>)
    %dma_wait3A_225 = arith.constant 123 : i32
    %dma_wait3A_226 = arith.constant 0 : i32
    %dma_wait3A_227 = tpu.memref_slice %arg9[%dma_wait3A_225, %dma_wait3A_226] : memref<125x80xi32, #tpu.memory_space<vmem>> -> memref<1x80xi32, #tpu.memory_space<vmem>>
    %dma_wait3A_228 = tpu.memref_squeeze %dma_wait3A_227 : memref<1x80xi32, #tpu.memory_space<vmem>> -> memref<80xi32, #tpu.memory_space<vmem>>
    %dma_wait3A_229 = arith.constant 0 : i32
    %dma_wait3A_230 = arith.constant 0 : i32
    %dma_wait3A_231 = tpu.memref_slice %arg2[%dma_wait3A_229, %dma_wait3A_230] : memref<10000x128xbf16, #tpu.memory_space<hbm>> -> memref<10000x128xbf16, #tpu.memory_space<hbm>>
    tpu.wait_indirect_dma semaphore(%arg23 : memref<!tpu.dma_semaphore, #tpu.memory_space<semaphore_mem>>) src(%dma_wait3A_231 : memref<10000x128xbf16, #tpu.memory_space<hbm>>) dst(%arg19 : memref<80x128xbf16, #tpu.memory_space<vmem>>)
    %dma_wait3A_232 = arith.constant 123 : i32
    %dma_wait3A_233 = arith.constant 0 : i32
    %dma_wait3A_234 = tpu.memref_slice %arg4[%add3A, %dma_wait3A_232, %dma_wait3A_233] : memref<32x125x80xi32, #tpu.memory_space<hbm>> -> memref<1x1x80xi32, #tpu.memory_space<hbm>>
    %dma_wait3A_235 = tpu.memref_squeeze %dma_wait3A_234 : memref<1x1x80xi32, #tpu.memory_space<hbm>> -> memref<1x80xi32, #tpu.memory_space<hbm>>
    %dma_wait3A_236 = arith.constant 123 : i32
    %dma_wait3A_237 = arith.constant 0 : i32
    %dma_wait3A_238 = tpu.memref_slice %arg4[%add3A, %dma_wait3A_236, %dma_wait3A_237] : memref<32x125x80xi32, #tpu.memory_space<hbm>> -> memref<1x1x80xi32, #tpu.memory_space<hbm>>
    %dma_wait3A_239 = tpu.memref_squeeze %dma_wait3A_238 : memref<1x1x80xi32, #tpu.memory_space<hbm>> -> memref<1x80xi32, #tpu.memory_space<hbm>>
    tpu.wait_dma2 semaphore(%arg27 : memref<!tpu.dma_semaphore, #tpu.memory_space<semaphore_mem>>) src(%dma_wait3A_239 : memref<1x80xi32, #tpu.memory_space<hbm>>) dst(%arg17 : memref<1x80xi32, #tpu.memory_space<vmem>>)
    %dma_wait3A_240 = arith.constant 123 : i32
    %dma_wait3A_241 = arith.constant 0 : i32
    %dma_wait3A_242 = tpu.memref_slice %arg5[%add3A, %dma_wait3A_240, %dma_wait3A_241] : memref<32x125x1280xf32, #tpu.memory_space<hbm>> -> memref<1x1x1280xf32, #tpu.memory_space<hbm>>
    %dma_wait3A_243 = tpu.memref_squeeze %dma_wait3A_242 : memref<1x1x1280xf32, #tpu.memory_space<hbm>> -> memref<1x1280xf32, #tpu.memory_space<hbm>>
    %dma_wait3A_244 = arith.constant 123 : i32
    %dma_wait3A_245 = arith.constant 0 : i32
    %dma_wait3A_246 = tpu.memref_slice %arg5[%add3A, %dma_wait3A_244, %dma_wait3A_245] : memref<32x125x1280xf32, #tpu.memory_space<hbm>> -> memref<1x1x1280xf32, #tpu.memory_space<hbm>>
    %dma_wait3A_247 = tpu.memref_squeeze %dma_wait3A_246 : memref<1x1x1280xf32, #tpu.memory_space<hbm>> -> memref<1x1280xf32, #tpu.memory_space<hbm>>
    tpu.wait_dma2 semaphore(%arg31 : memref<!tpu.dma_semaphore, #tpu.memory_space<semaphore_mem>>) src(%dma_wait3A_247 : memref<1x1280xf32, #tpu.memory_space<hbm>>) dst(%arg13 : memref<1x1280xf32, #tpu.memory_space<vmem>>)
    %dma_wait3A_248 = arith.constant 0 : i32
    %dma_wait3A_249 = arith.constant 0 : i32
    %dma_wait3A_250 = tpu.memref_slice %arg15[%dma_wait3A_248, %dma_wait3A_249] : memref<1x80xi32, #tpu.memory_space<vmem>> -> memref<1x80xi32, #tpu.memory_space<vmem>>
    %dma_wait3A_251 = tpu.memref_squeeze %dma_wait3A_250 : memref<1x80xi32, #tpu.memory_space<vmem>> -> memref<80xi32, #tpu.memory_space<vmem>>
    %dma_wait3A_252 = arith.constant 0 : i32
    %dma_wait3A_253 = arith.constant 0 : i32
    %dma_wait3A_254 = tpu.memref_slice %arg8[%dma_wait3A_252, %dma_wait3A_253] : memref<10000x128xf32, #tpu.memory_space<vmem_shared>> -> memref<10000x128xf32, #tpu.memory_space<vmem_shared>>
    tpu.wait_indirect_dma semaphore(%arg33 : memref<!tpu.dma_semaphore, #tpu.memory_space<semaphore_mem>>) src(%arg21 : memref<80x128xf32, #tpu.memory_space<vmem>>) dst(%dma_wait3A_254 : memref<10000x128xf32, #tpu.memory_space<vmem_shared>>)
    %parallel_loop3A_255 = arith.constant 0 : i32
    %parallel_loop3A_256 = arith.constant 80 : i32
    %parallel_loop3A_257 = arith.constant 1 : i32
    scf.for %parallel_loop3A_324 = %parallel_loop3A_255 to %parallel_loop3A_256 step %parallel_loop3A_257  : i32 {
      %parallel_loop3A_325 = arith.constant 16 : i32
      %parallel_loop3A_326 = arith.muli %parallel_loop3A_324, %parallel_loop3A_325 : i32
      %parallel_loop3A_327 = arith.constant 0 : i32
      %parallel_loop3A_328 = arith.index_cast %parallel_loop3A_327 : i32 to index
      %parallel_loop3A_329 = arith.index_cast %parallel_loop3A_326 : i32 to index
      %parallel_loop3A_330 = tpu.vector_load %arg13[%parallel_loop3A_328, %parallel_loop3A_329] {strides = array<i32>} : memref<1x1280xf32, #tpu.memory_space<vmem>>, vector<16xf32>,
      %parallel_loop3A_331 = arith.index_cast %parallel_loop3A_324 : i32 to index
      %parallel_loop3A_332 = arith.constant 0 : index
      %parallel_loop3A_333 = tpu.vector_load %arg19[%parallel_loop3A_331, %parallel_loop3A_332] {strides = array<i32>} : memref<80x128xbf16, #tpu.memory_space<vmem>>, vector<32xbf16>,
      %parallel_loop3A_334 = tpu.unpack_subelements %parallel_loop3A_333, 0 {pack_format = #tpu.pack_format<interleaved>} : vector<32xbf16> -> vector<16xf32>
      %parallel_loop3A_335 = tpu.unpack_subelements %parallel_loop3A_333, 1 {pack_format = #tpu.pack_format<interleaved>} : vector<32xbf16> -> vector<16xf32>
      %parallel_loop3A_336 = arith.mulf %parallel_loop3A_334, %parallel_loop3A_330 : vector<16xf32>
      %parallel_loop3A_337 = arith.index_cast %parallel_loop3A_324 : i32 to index
      %parallel_loop3A_338 = arith.constant 0 : index
      %parallel_loop3A_339 = tpu.vector_load %arg21[%parallel_loop3A_337, %parallel_loop3A_338] {strides = array<i32>} : memref<80x128xf32, #tpu.memory_space<vmem>>, vector<16xf32>,
      tpu.vector_store %arg21[%parallel_loop3A_337, %parallel_loop3A_338], %parallel_loop3A_336 {strides = array<i32>} : memref<80x128xf32, #tpu.memory_space<vmem>>, vector<16xf32>,
      %parallel_loop3A_340 = arith.mulf %parallel_loop3A_335, %parallel_loop3A_330 : vector<16xf32>
      %parallel_loop3A_341 = arith.index_cast %parallel_loop3A_324 : i32 to index
      %parallel_loop3A_342 = arith.constant 16 : index
      %parallel_loop3A_343 = tpu.vector_load %arg21[%parallel_loop3A_341, %parallel_loop3A_342] {strides = array<i32>} : memref<80x128xf32, #tpu.memory_space<vmem>>, vector<16xf32>,
      tpu.vector_store %arg21[%parallel_loop3A_341, %parallel_loop3A_342], %parallel_loop3A_340 {strides = array<i32>} : memref<80x128xf32, #tpu.memory_space<vmem>>, vector<16xf32>,
      %parallel_loop3A_344 = arith.index_cast %parallel_loop3A_324 : i32 to index
      %parallel_loop3A_345 = arith.constant 32 : index
      %parallel_loop3A_346 = tpu.vector_load %arg19[%parallel_loop3A_344, %parallel_loop3A_345] {strides = array<i32>} : memref<80x128xbf16, #tpu.memory_space<vmem>>, vector<32xbf16>,
      %parallel_loop3A_347 = tpu.unpack_subelements %parallel_loop3A_346, 0 {pack_format = #tpu.pack_format<interleaved>} : vector<32xbf16> -> vector<16xf32>
      %parallel_loop3A_348 = tpu.unpack_subelements %parallel_loop3A_346, 1 {pack_format = #tpu.pack_format<interleaved>} : vector<32xbf16> -> vector<16xf32>
      %parallel_loop3A_349 = arith.mulf %parallel_loop3A_347, %parallel_loop3A_330 : vector<16xf32>
      %parallel_loop3A_350 = arith.index_cast %parallel_loop3A_324 : i32 to index
      %parallel_loop3A_351 = arith.constant 32 : index
      %parallel_loop3A_352 = tpu.vector_load %arg21[%parallel_loop3A_350, %parallel_loop3A_351] {strides = array<i32>} : memref<80x128xf32, #tpu.memory_space<vmem>>, vector<16xf32>,
      tpu.vector_store %arg21[%parallel_loop3A_350, %parallel_loop3A_351], %parallel_loop3A_349 {strides = array<i32>} : memref<80x128xf32, #tpu.memory_space<vmem>>, vector<16xf32>,
      %parallel_loop3A_353 = arith.mulf %parallel_loop3A_348, %parallel_loop3A_330 : vector<16xf32>
      %parallel_loop3A_354 = arith.index_cast %parallel_loop3A_324 : i32 to index
      %parallel_loop3A_355 = arith.constant 48 : index
      %parallel_loop3A_356 = tpu.vector_load %arg21[%parallel_loop3A_354, %parallel_loop3A_355] {strides = array<i32>} : memref<80x128xf32, #tpu.memory_space<vmem>>, vector<16xf32>,
      tpu.vector_store %arg21[%parallel_loop3A_354, %parallel_loop3A_355], %parallel_loop3A_353 {strides = array<i32>} : memref<80x128xf32, #tpu.memory_space<vmem>>, vector<16xf32>,
      %parallel_loop3A_357 = arith.index_cast %parallel_loop3A_324 : i32 to index
      %parallel_loop3A_358 = arith.constant 64 : index
      %parallel_loop3A_359 = tpu.vector_load %arg19[%parallel_loop3A_357, %parallel_loop3A_358] {strides = array<i32>} : memref<80x128xbf16, #tpu.memory_space<vmem>>, vector<32xbf16>,
      %parallel_loop3A_360 = tpu.unpack_subelements %parallel_loop3A_359, 0 {pack_format = #tpu.pack_format<interleaved>} : vector<32xbf16> -> vector<16xf32>
      %parallel_loop3A_361 = tpu.unpack_subelements %parallel_loop3A_359, 1 {pack_format = #tpu.pack_format<interleaved>} : vector<32xbf16> -> vector<16xf32>
      %parallel_loop3A_362 = arith.mulf %parallel_loop3A_360, %parallel_loop3A_330 : vector<16xf32>
      %parallel_loop3A_363 = arith.index_cast %parallel_loop3A_324 : i32 to index
      %parallel_loop3A_364 = arith.constant 64 : index
      %parallel_loop3A_365 = tpu.vector_load %arg21[%parallel_loop3A_363, %parallel_loop3A_364] {strides = array<i32>} : memref<80x128xf32, #tpu.memory_space<vmem>>, vector<16xf32>,
      tpu.vector_store %arg21[%parallel_loop3A_363, %parallel_loop3A_364], %parallel_loop3A_362 {strides = array<i32>} : memref<80x128xf32, #tpu.memory_space<vmem>>, vector<16xf32>,
      %parallel_loop3A_366 = arith.mulf %parallel_loop3A_361, %parallel_loop3A_330 : vector<16xf32>
      %parallel_loop3A_367 = arith.index_cast %parallel_loop3A_324 : i32 to index
      %parallel_loop3A_368 = arith.constant 80 : index
      %parallel_loop3A_369 = tpu.vector_load %arg21[%parallel_loop3A_367, %parallel_loop3A_368] {strides = array<i32>} : memref<80x128xf32, #tpu.memory_space<vmem>>, vector<16xf32>,
      tpu.vector_store %arg21[%parallel_loop3A_367, %parallel_loop3A_368], %parallel_loop3A_366 {strides = array<i32>} : memref<80x128xf32, #tpu.memory_space<vmem>>, vector<16xf32>,
      %parallel_loop3A_370 = arith.index_cast %parallel_loop3A_324 : i32 to index
      %parallel_loop3A_371 = arith.constant 96 : index
      %parallel_loop3A_372 = tpu.vector_load %arg19[%parallel_loop3A_370, %parallel_loop3A_371] {strides = array<i32>} : memref<80x128xbf16, #tpu.memory_space<vmem>>, vector<32xbf16>,
      %parallel_loop3A_373 = tpu.unpack_subelements %parallel_loop3A_372, 0 {pack_format = #tpu.pack_format<interleaved>} : vector<32xbf16> -> vector<16xf32>
      %parallel_loop3A_374 = tpu.unpack_subelements %parallel_loop3A_372, 1 {pack_format = #tpu.pack_format<interleaved>} : vector<32xbf16> -> vector<16xf32>
      %parallel_loop3A_375 = arith.mulf %parallel_loop3A_373, %parallel_loop3A_330 : vector<16xf32>
      %parallel_loop3A_376 = arith.index_cast %parallel_loop3A_324 : i32 to index
      %parallel_loop3A_377 = arith.constant 96 : index
      %parallel_loop3A_378 = tpu.vector_load %arg21[%parallel_loop3A_376, %parallel_loop3A_377] {strides = array<i32>} : memref<80x128xf32, #tpu.memory_space<vmem>>, vector<16xf32>,
      tpu.vector_store %arg21[%parallel_loop3A_376, %parallel_loop3A_377], %parallel_loop3A_375 {strides = array<i32>} : memref<80x128xf32, #tpu.memory_space<vmem>>, vector<16xf32>,
      %parallel_loop3A_379 = arith.mulf %parallel_loop3A_374, %parallel_loop3A_330 : vector<16xf32>
      %parallel_loop3A_380 = arith.index_cast %parallel_loop3A_324 : i32 to index
      %parallel_loop3A_381 = arith.constant 112 : index
      %parallel_loop3A_382 = tpu.vector_load %arg21[%parallel_loop3A_380, %parallel_loop3A_381] {strides = array<i32>} : memref<80x128xf32, #tpu.memory_space<vmem>>, vector<16xf32>,
      tpu.vector_store %arg21[%parallel_loop3A_380, %parallel_loop3A_381], %parallel_loop3A_379 {strides = array<i32>} : memref<80x128xf32, #tpu.memory_space<vmem>>, vector<16xf32>,
    } {sc.loop_unroll_factor = 1 : i64, sc.parallel_access}
    %dma_start3A_258 = arith.constant 0 : i32
    %dma_start3A_259 = arith.constant 0 : i32
    %dma_start3A_260 = tpu.memref_slice %arg17[%dma_start3A_258, %dma_start3A_259] : memref<1x80xi32, #tpu.memory_space<vmem>> -> memref<1x80xi32, #tpu.memory_space<vmem>>
    %dma_start3A_261 = tpu.memref_squeeze %dma_start3A_260 : memref<1x80xi32, #tpu.memory_space<vmem>> -> memref<80xi32, #tpu.memory_space<vmem>>
    %dma_start3A_262 = arith.constant 0 : i32
    %dma_start3A_263 = arith.constant 0 : i32
    %dma_start3A_264 = tpu.memref_slice %arg8[%dma_start3A_262, %dma_start3A_263] : memref<10000x128xf32, #tpu.memory_space<vmem_shared>> -> memref<10000x128xf32, #tpu.memory_space<vmem_shared>>
    tpu.enqueue_indirect_dma source(%arg21 : memref<80x128xf32, #tpu.memory_space<vmem>>) target(%dma_start3A_264 : memref<10000x128xf32, #tpu.memory_space<vmem_shared>>) offsets(%dma_start3A_261 : memref<80xi32, #tpu.memory_space<vmem>>) semaphore(%arg33 : memref<!tpu.dma_semaphore, #tpu.memory_space<semaphore_mem>>) {add = true}
    %dma_wait3A_265 = arith.constant 124 : i32
    %dma_wait3A_266 = arith.constant 0 : i32
    %dma_wait3A_267 = tpu.memref_slice %arg9[%dma_wait3A_265, %dma_wait3A_266] : memref<125x80xi32, #tpu.memory_space<vmem>> -> memref<1x80xi32, #tpu.memory_space<vmem>>
    %dma_wait3A_268 = tpu.memref_squeeze %dma_wait3A_267 : memref<1x80xi32, #tpu.memory_space<vmem>> -> memref<80xi32, #tpu.memory_space<vmem>>
    %dma_wait3A_269 = arith.constant 0 : i32
    %dma_wait3A_270 = arith.constant 0 : i32
    %dma_wait3A_271 = tpu.memref_slice %arg2[%dma_wait3A_269, %dma_wait3A_270] : memref<10000x128xbf16, #tpu.memory_space<hbm>> -> memref<10000x128xbf16, #tpu.memory_space<hbm>>
    tpu.wait_indirect_dma semaphore(%arg22 : memref<!tpu.dma_semaphore, #tpu.memory_space<semaphore_mem>>) src(%dma_wait3A_271 : memref<10000x128xbf16, #tpu.memory_space<hbm>>) dst(%arg18 : memref<80x128xbf16, #tpu.memory_space<vmem>>)
    %dma_wait3A_272 = arith.constant 124 : i32
    %dma_wait3A_273 = arith.constant 0 : i32
    %dma_wait3A_274 = tpu.memref_slice %arg4[%add3A, %dma_wait3A_272, %dma_wait3A_273] : memref<32x125x80xi32, #tpu.memory_space<hbm>> -> memref<1x1x80xi32, #tpu.memory_space<hbm>>
    %dma_wait3A_275 = tpu.memref_squeeze %dma_wait3A_274 : memref<1x1x80xi32, #tpu.memory_space<hbm>> -> memref<1x80xi32, #tpu.memory_space<hbm>>
    %dma_wait3A_276 = arith.constant 124 : i32
    %dma_wait3A_277 = arith.constant 0 : i32
    %dma_wait3A_278 = tpu.memref_slice %arg4[%add3A, %dma_wait3A_276, %dma_wait3A_277] : memref<32x125x80xi32, #tpu.memory_space<hbm>> -> memref<1x1x80xi32, #tpu.memory_space<hbm>>
    %dma_wait3A_279 = tpu.memref_squeeze %dma_wait3A_278 : memref<1x1x80xi32, #tpu.memory_space<hbm>> -> memref<1x80xi32, #tpu.memory_space<hbm>>
    tpu.wait_dma2 semaphore(%arg24 : memref<!tpu.dma_semaphore, #tpu.memory_space<semaphore_mem>>) src(%dma_wait3A_279 : memref<1x80xi32, #tpu.memory_space<hbm>>) dst(%arg14 : memref<1x80xi32, #tpu.memory_space<vmem>>)
    %dma_wait3A_280 = arith.constant 124 : i32
    %dma_wait3A_281 = arith.constant 0 : i32
    %dma_wait3A_282 = tpu.memref_slice %arg5[%add3A, %dma_wait3A_280, %dma_wait3A_281] : memref<32x125x1280xf32, #tpu.memory_space<hbm>> -> memref<1x1x1280xf32, #tpu.memory_space<hbm>>
    %dma_wait3A_283 = tpu.memref_squeeze %dma_wait3A_282 : memref<1x1x1280xf32, #tpu.memory_space<hbm>> -> memref<1x1280xf32, #tpu.memory_space<hbm>>
    %dma_wait3A_284 = arith.constant 124 : i32
    %dma_wait3A_285 = arith.constant 0 : i32
    %dma_wait3A_286 = tpu.memref_slice %arg5[%add3A, %dma_wait3A_284, %dma_wait3A_285] : memref<32x125x1280xf32, #tpu.memory_space<hbm>> -> memref<1x1x1280xf32, #tpu.memory_space<hbm>>
    %dma_wait3A_287 = tpu.memref_squeeze %dma_wait3A_286 : memref<1x1x1280xf32, #tpu.memory_space<hbm>> -> memref<1x1280xf32, #tpu.memory_space<hbm>>
    tpu.wait_dma2 semaphore(%arg28 : memref<!tpu.dma_semaphore, #tpu.memory_space<semaphore_mem>>) src(%dma_wait3A_287 : memref<1x1280xf32, #tpu.memory_space<hbm>>) dst(%arg10 : memref<1x1280xf32, #tpu.memory_space<vmem>>)
    %dma_wait3A_288 = arith.constant 0 : i32
    %dma_wait3A_289 = arith.constant 0 : i32
    %dma_wait3A_290 = tpu.memref_slice %arg16[%dma_wait3A_288, %dma_wait3A_289] : memref<1x80xi32, #tpu.memory_space<vmem>> -> memref<1x80xi32, #tpu.memory_space<vmem>>
    %dma_wait3A_291 = tpu.memref_squeeze %dma_wait3A_290 : memref<1x80xi32, #tpu.memory_space<vmem>> -> memref<80xi32, #tpu.memory_space<vmem>>
    %dma_wait3A_292 = arith.constant 0 : i32
    %dma_wait3A_293 = arith.constant 0 : i32
    %dma_wait3A_294 = tpu.memref_slice %arg8[%dma_wait3A_292, %dma_wait3A_293] : memref<10000x128xf32, #tpu.memory_space<vmem_shared>> -> memref<10000x128xf32, #tpu.memory_space<vmem_shared>>
    tpu.wait_indirect_dma semaphore(%arg32 : memref<!tpu.dma_semaphore, #tpu.memory_space<semaphore_mem>>) src(%arg20 : memref<80x128xf32, #tpu.memory_space<vmem>>) dst(%dma_wait3A_294 : memref<10000x128xf32, #tpu.memory_space<vmem_shared>>)
    %parallel_loop3A_295 = arith.constant 0 : i32
    %parallel_loop3A_296 = arith.constant 80 : i32
    %parallel_loop3A_297 = arith.constant 1 : i32
    scf.for %parallel_loop3A_324 = %parallel_loop3A_295 to %parallel_loop3A_296 step %parallel_loop3A_297  : i32 {
      %parallel_loop3A_325 = arith.constant 16 : i32
      %parallel_loop3A_326 = arith.muli %parallel_loop3A_324, %parallel_loop3A_325 : i32
      %parallel_loop3A_327 = arith.constant 0 : i32
      %parallel_loop3A_328 = arith.index_cast %parallel_loop3A_327 : i32 to index
      %parallel_loop3A_329 = arith.index_cast %parallel_loop3A_326 : i32 to index
      %parallel_loop3A_330 = tpu.vector_load %arg10[%parallel_loop3A_328, %parallel_loop3A_329] {strides = array<i32>} : memref<1x1280xf32, #tpu.memory_space<vmem>>, vector<16xf32>,
      %parallel_loop3A_331 = arith.index_cast %parallel_loop3A_324 : i32 to index
      %parallel_loop3A_332 = arith.constant 0 : index
      %parallel_loop3A_333 = tpu.vector_load %arg18[%parallel_loop3A_331, %parallel_loop3A_332] {strides = array<i32>} : memref<80x128xbf16, #tpu.memory_space<vmem>>, vector<32xbf16>,
      %parallel_loop3A_334 = tpu.unpack_subelements %parallel_loop3A_333, 0 {pack_format = #tpu.pack_format<interleaved>} : vector<32xbf16> -> vector<16xf32>
      %parallel_loop3A_335 = tpu.unpack_subelements %parallel_loop3A_333, 1 {pack_format = #tpu.pack_format<interleaved>} : vector<32xbf16> -> vector<16xf32>
      %parallel_loop3A_336 = arith.mulf %parallel_loop3A_334, %parallel_loop3A_330 : vector<16xf32>
      %parallel_loop3A_337 = arith.index_cast %parallel_loop3A_324 : i32 to index
      %parallel_loop3A_338 = arith.constant 0 : index
      %parallel_loop3A_339 = tpu.vector_load %arg20[%parallel_loop3A_337, %parallel_loop3A_338] {strides = array<i32>} : memref<80x128xf32, #tpu.memory_space<vmem>>, vector<16xf32>,
      tpu.vector_store %arg20[%parallel_loop3A_337, %parallel_loop3A_338], %parallel_loop3A_336 {strides = array<i32>} : memref<80x128xf32, #tpu.memory_space<vmem>>, vector<16xf32>,
      %parallel_loop3A_340 = arith.mulf %parallel_loop3A_335, %parallel_loop3A_330 : vector<16xf32>
      %parallel_loop3A_341 = arith.index_cast %parallel_loop3A_324 : i32 to index
      %parallel_loop3A_342 = arith.constant 16 : index
      %parallel_loop3A_343 = tpu.vector_load %arg20[%parallel_loop3A_341, %parallel_loop3A_342] {strides = array<i32>} : memref<80x128xf32, #tpu.memory_space<vmem>>, vector<16xf32>,
      tpu.vector_store %arg20[%parallel_loop3A_341, %parallel_loop3A_342], %parallel_loop3A_340 {strides = array<i32>} : memref<80x128xf32, #tpu.memory_space<vmem>>, vector<16xf32>,
      %parallel_loop3A_344 = arith.index_cast %parallel_loop3A_324 : i32 to index
      %parallel_loop3A_345 = arith.constant 32 : index
      %parallel_loop3A_346 = tpu.vector_load %arg18[%parallel_loop3A_344, %parallel_loop3A_345] {strides = array<i32>} : memref<80x128xbf16, #tpu.memory_space<vmem>>, vector<32xbf16>,
      %parallel_loop3A_347 = tpu.unpack_subelements %parallel_loop3A_346, 0 {pack_format = #tpu.pack_format<interleaved>} : vector<32xbf16> -> vector<16xf32>
      %parallel_loop3A_348 = tpu.unpack_subelements %parallel_loop3A_346, 1 {pack_format = #tpu.pack_format<interleaved>} : vector<32xbf16> -> vector<16xf32>
      %parallel_loop3A_349 = arith.mulf %parallel_loop3A_347, %parallel_loop3A_330 : vector<16xf32>
      %parallel_loop3A_350 = arith.index_cast %parallel_loop3A_324 : i32 to index
      %parallel_loop3A_351 = arith.constant 32 : index
      %parallel_loop3A_352 = tpu.vector_load %arg20[%parallel_loop3A_350, %parallel_loop3A_351] {strides = array<i32>} : memref<80x128xf32, #tpu.memory_space<vmem>>, vector<16xf32>,
      tpu.vector_store %arg20[%parallel_loop3A_350, %parallel_loop3A_351], %parallel_loop3A_349 {strides = array<i32>} : memref<80x128xf32, #tpu.memory_space<vmem>>, vector<16xf32>,
      %parallel_loop3A_353 = arith.mulf %parallel_loop3A_348, %parallel_loop3A_330 : vector<16xf32>
      %parallel_loop3A_354 = arith.index_cast %parallel_loop3A_324 : i32 to index
      %parallel_loop3A_355 = arith.constant 48 : index
      %parallel_loop3A_356 = tpu.vector_load %arg20[%parallel_loop3A_354, %parallel_loop3A_355] {strides = array<i32>} : memref<80x128xf32, #tpu.memory_space<vmem>>, vector<16xf32>,
      tpu.vector_store %arg20[%parallel_loop3A_354, %parallel_loop3A_355], %parallel_loop3A_353 {strides = array<i32>} : memref<80x128xf32, #tpu.memory_space<vmem>>, vector<16xf32>,
      %parallel_loop3A_357 = arith.index_cast %parallel_loop3A_324 : i32 to index
      %parallel_loop3A_358 = arith.constant 64 : index
      %parallel_loop3A_359 = tpu.vector_load %arg18[%parallel_loop3A_357, %parallel_loop3A_358] {strides = array<i32>} : memref<80x128xbf16, #tpu.memory_space<vmem>>, vector<32xbf16>,
      %parallel_loop3A_360 = tpu.unpack_subelements %parallel_loop3A_359, 0 {pack_format = #tpu.pack_format<interleaved>} : vector<32xbf16> -> vector<16xf32>
      %parallel_loop3A_361 = tpu.unpack_subelements %parallel_loop3A_359, 1 {pack_format = #tpu.pack_format<interleaved>} : vector<32xbf16> -> vector<16xf32>
      %parallel_loop3A_362 = arith.mulf %parallel_loop3A_360, %parallel_loop3A_330 : vector<16xf32>
      %parallel_loop3A_363 = arith.index_cast %parallel_loop3A_324 : i32 to index
      %parallel_loop3A_364 = arith.constant 64 : index
      %parallel_loop3A_365 = tpu.vector_load %arg20[%parallel_loop3A_363, %parallel_loop3A_364] {strides = array<i32>} : memref<80x128xf32, #tpu.memory_space<vmem>>, vector<16xf32>,
      tpu.vector_store %arg20[%parallel_loop3A_363, %parallel_loop3A_364], %parallel_loop3A_362 {strides = array<i32>} : memref<80x128xf32, #tpu.memory_space<vmem>>, vector<16xf32>,
      %parallel_loop3A_366 = arith.mulf %parallel_loop3A_361, %parallel_loop3A_330 : vector<16xf32>
      %parallel_loop3A_367 = arith.index_cast %parallel_loop3A_324 : i32 to index
      %parallel_loop3A_368 = arith.constant 80 : index
      %parallel_loop3A_369 = tpu.vector_load %arg20[%parallel_loop3A_367, %parallel_loop3A_368] {strides = array<i32>} : memref<80x128xf32, #tpu.memory_space<vmem>>, vector<16xf32>,
      tpu.vector_store %arg20[%parallel_loop3A_367, %parallel_loop3A_368], %parallel_loop3A_366 {strides = array<i32>} : memref<80x128xf32, #tpu.memory_space<vmem>>, vector<16xf32>,
      %parallel_loop3A_370 = arith.index_cast %parallel_loop3A_324 : i32 to index
      %parallel_loop3A_371 = arith.constant 96 : index
      %parallel_loop3A_372 = tpu.vector_load %arg18[%parallel_loop3A_370, %parallel_loop3A_371] {strides = array<i32>} : memref<80x128xbf16, #tpu.memory_space<vmem>>, vector<32xbf16>,
      %parallel_loop3A_373 = tpu.unpack_subelements %parallel_loop3A_372, 0 {pack_format = #tpu.pack_format<interleaved>} : vector<32xbf16> -> vector<16xf32>
      %parallel_loop3A_374 = tpu.unpack_subelements %parallel_loop3A_372, 1 {pack_format = #tpu.pack_format<interleaved>} : vector<32xbf16> -> vector<16xf32>
      %parallel_loop3A_375 = arith.mulf %parallel_loop3A_373, %parallel_loop3A_330 : vector<16xf32>
      %parallel_loop3A_376 = arith.index_cast %parallel_loop3A_324 : i32 to index
      %parallel_loop3A_377 = arith.constant 96 : index
      %parallel_loop3A_378 = tpu.vector_load %arg20[%parallel_loop3A_376, %parallel_loop3A_377] {strides = array<i32>} : memref<80x128xf32, #tpu.memory_space<vmem>>, vector<16xf32>,
      tpu.vector_store %arg20[%parallel_loop3A_376, %parallel_loop3A_377], %parallel_loop3A_375 {strides = array<i32>} : memref<80x128xf32, #tpu.memory_space<vmem>>, vector<16xf32>,
      %parallel_loop3A_379 = arith.mulf %parallel_loop3A_374, %parallel_loop3A_330 : vector<16xf32>
      %parallel_loop3A_380 = arith.index_cast %parallel_loop3A_324 : i32 to index
      %parallel_loop3A_381 = arith.constant 112 : index
      %parallel_loop3A_382 = tpu.vector_load %arg20[%parallel_loop3A_380, %parallel_loop3A_381] {strides = array<i32>} : memref<80x128xf32, #tpu.memory_space<vmem>>, vector<16xf32>,
      tpu.vector_store %arg20[%parallel_loop3A_380, %parallel_loop3A_381], %parallel_loop3A_379 {strides = array<i32>} : memref<80x128xf32, #tpu.memory_space<vmem>>, vector<16xf32>,
    } {sc.loop_unroll_factor = 1 : i64, sc.parallel_access}
    %dma_start3A_298 = arith.constant 0 : i32
    %dma_start3A_299 = arith.constant 0 : i32
    %dma_start3A_300 = tpu.memref_slice %arg14[%dma_start3A_298, %dma_start3A_299] : memref<1x80xi32, #tpu.memory_space<vmem>> -> memref<1x80xi32, #tpu.memory_space<vmem>>
    %dma_start3A_301 = tpu.memref_squeeze %dma_start3A_300 : memref<1x80xi32, #tpu.memory_space<vmem>> -> memref<80xi32, #tpu.memory_space<vmem>>
    %dma_start3A_302 = arith.constant 0 : i32
    %dma_start3A_303 = arith.constant 0 : i32
    %dma_start3A_304 = tpu.memref_slice %arg8[%dma_start3A_302, %dma_start3A_303] : memref<10000x128xf32, #tpu.memory_space<vmem_shared>> -> memref<10000x128xf32, #tpu.memory_space<vmem_shared>>
    tpu.enqueue_indirect_dma source(%arg20 : memref<80x128xf32, #tpu.memory_space<vmem>>) target(%dma_start3A_304 : memref<10000x128xf32, #tpu.memory_space<vmem_shared>>) offsets(%dma_start3A_301 : memref<80xi32, #tpu.memory_space<vmem>>) semaphore(%arg32 : memref<!tpu.dma_semaphore, #tpu.memory_space<semaphore_mem>>) {add = true}
    %dma_wait3A_305 = arith.constant 0 : i32
    %dma_wait3A_306 = arith.constant 0 : i32
    %dma_wait3A_307 = tpu.memref_slice %arg17[%dma_wait3A_305, %dma_wait3A_306] : memref<1x80xi32, #tpu.memory_space<vmem>> -> memref<1x80xi32, #tpu.memory_space<vmem>>
    %dma_wait3A_308 = tpu.memref_squeeze %dma_wait3A_307 : memref<1x80xi32, #tpu.memory_space<vmem>> -> memref<80xi32, #tpu.memory_space<vmem>>
    %dma_wait3A_309 = arith.constant 0 : i32
    %dma_wait3A_310 = arith.constant 0 : i32
    %dma_wait3A_311 = tpu.memref_slice %arg8[%dma_wait3A_309, %dma_wait3A_310] : memref<10000x128xf32, #tpu.memory_space<vmem_shared>> -> memref<10000x128xf32, #tpu.memory_space<vmem_shared>>
    tpu.wait_indirect_dma semaphore(%arg33 : memref<!tpu.dma_semaphore, #tpu.memory_space<semaphore_mem>>) src(%arg21 : memref<80x128xf32, #tpu.memory_space<vmem>>) dst(%dma_wait3A_311 : memref<10000x128xf32, #tpu.memory_space<vmem_shared>>)
    %dma_wait3A_312 = arith.constant 0 : i32
    %dma_wait3A_313 = arith.constant 0 : i32
    %dma_wait3A_314 = tpu.memref_slice %arg14[%dma_wait3A_312, %dma_wait3A_313] : memref<1x80xi32, #tpu.memory_space<vmem>> -> memref<1x80xi32, #tpu.memory_space<vmem>>
    %dma_wait3A_315 = tpu.memref_squeeze %dma_wait3A_314 : memref<1x80xi32, #tpu.memory_space<vmem>> -> memref<80xi32, #tpu.memory_space<vmem>>
    %dma_wait3A_316 = arith.constant 0 : i32
    %dma_wait3A_317 = arith.constant 0 : i32
    %dma_wait3A_318 = tpu.memref_slice %arg8[%dma_wait3A_316, %dma_wait3A_317] : memref<10000x128xf32, #tpu.memory_space<vmem_shared>> -> memref<10000x128xf32, #tpu.memory_space<vmem_shared>>
    tpu.wait_indirect_dma semaphore(%arg32 : memref<!tpu.dma_semaphore, #tpu.memory_space<semaphore_mem>>) src(%arg20 : memref<80x128xf32, #tpu.memory_space<vmem>>) dst(%dma_wait3A_318 : memref<10000x128xf32, #tpu.memory_space<vmem_shared>>)
    %barrier3A_319 = arith.constant 0 : index
    tpu.barrier barrier_id(%barrier3A_319)
    %mul3A_320 = arith.constant 625 : i32
    %mul3A_321 = arith.muli %arg1, %mul3A_320 : i32
    %mul3A_322 = arith.constant 625 : i32
    %mul3A_323 = arith.muli %arg1, %mul3A_322 : i32
    "tpu.region"() ({
      %run_scoped3A = tpu.sem_alloc : memref<!tpu.dma_semaphore, #tpu.memory_space<semaphore_mem>>
      %dma_start3A_324 = arith.constant 0 : i32
      %dma_start3A_325 = tpu.memref_slice %arg7[%arg0, %mul3A_323, %dma_start3A_324] : memref<2x10000x128xf32, #tpu.memory_space<hbm>> -> memref<1x625x128xf32, #tpu.memory_space<hbm>>
      %dma_start3A_326 = tpu.memref_squeeze %dma_start3A_325 : memref<1x625x128xf32, #tpu.memory_space<hbm>> -> memref<625x128xf32, #tpu.memory_space<hbm>>
      %dma_start3A_327 = arith.constant 0 : i32
      %dma_start3A_328 = tpu.memref_slice %arg8[%mul3A_321, %dma_start3A_327] : memref<10000x128xf32, #tpu.memory_space<vmem_shared>> -> memref<625x128xf32, #tpu.memory_space<vmem_shared>>
      tpu.enqueue_dma source(%dma_start3A_328 : memref<625x128xf32, #tpu.memory_space<vmem_shared>>) target(%dma_start3A_326 : memref<625x128xf32, #tpu.memory_space<hbm>>) target_semaphore(%run_scoped3A : memref<!tpu.dma_semaphore, #tpu.memory_space<semaphore_mem>>)
      %dma_wait3A_329 = arith.constant 0 : i32
      %dma_wait3A_330 = tpu.memref_slice %arg7[%arg0, %mul3A_323, %dma_wait3A_329] : memref<2x10000x128xf32, #tpu.memory_space<hbm>> -> memref<1x625x128xf32, #tpu.memory_space<hbm>>
      %dma_wait3A_331 = tpu.memref_squeeze %dma_wait3A_330 : memref<1x625x128xf32, #tpu.memory_space<hbm>> -> memref<625x128xf32, #tpu.memory_space<hbm>>
      %dma_wait3A_332 = arith.constant 0 : i32
      %dma_wait3A_333 = tpu.memref_slice %arg8[%mul3A_321, %dma_wait3A_332] : memref<10000x128xf32, #tpu.memory_space<vmem_shared>> -> memref<625x128xf32, #tpu.memory_space<vmem_shared>>
      tpu.wait_dma2 semaphore(%run_scoped3A : memref<!tpu.dma_semaphore, #tpu.memory_space<semaphore_mem>>) src(%dma_wait3A_333 : memref<625x128xf32, #tpu.memory_space<vmem_shared>>) dst(%dma_wait3A_331 : memref<625x128xf32, #tpu.memory_space<hbm>>)
      tpu.yield
    }) : () -> ()
    return
  }
}

module attributes {stable_mosaic.version = 14 : i64} {
  func.func @_finish_body(%arg0: memref<2x10000x128xf32, #tpu.memory_space<vmem>>, %arg1: memref<10000x128xf32, #tpu.memory_space<vmem>>) attributes {dimension_semantics = [], scalar_prefetch = 0 : i64, scratch_operands = 0 : i64, tpu.core_type = #tpu.core_type<tc>} {
    %get3A = arith.constant 0 : index
    %get3A_0 = arith.constant 0 : index
    %get3A_1 = arith.constant 0 : index
    %get3A_2 = vector.load %arg0[%get3A, %get3A_0, %get3A_1] : memref<2x10000x128xf32, #tpu.memory_space<vmem>>, vector<1x10000x128xf32>
    %get3A_3 = vector.shape_cast %get3A_2 : vector<1x10000x128xf32> to vector<10000x128xf32>
    %get3A_4 = arith.constant 1 : index
    %get3A_5 = arith.constant 0 : index
    %get3A_6 = arith.constant 0 : index
    %get3A_7 = vector.load %arg0[%get3A_4, %get3A_5, %get3A_6] : memref<2x10000x128xf32, #tpu.memory_space<vmem>>, vector<1x10000x128xf32>
    %get3A_8 = vector.shape_cast %get3A_7 : vector<1x10000x128xf32> to vector<10000x128xf32>
    %add3A = arith.addf %get3A_3, %get3A_8 : vector<10000x128xf32>
    %mul3A = arith.mulf %add3A, %add3A : vector<10000x128xf32>
    %reduce_sum3A = arith.constant dense<0.000000e+00> : vector<10000xf32>
    %reduce_sum3A_9 = vector.multi_reduction <add>, %mul3A, %reduce_sum3A [1] : vector<10000x128xf32> to vector<10000xf32>
    %broadcast_in_dim3A = vector.shape_cast %reduce_sum3A_9 : vector<10000xf32> to vector<10000x1xf32>
    %sqrt3A = math.sqrt %broadcast_in_dim3A : vector<10000x1xf32>
    %max3A = arith.constant 9.99999996E-13 : f32
    %max3A_10 = vector.broadcast %max3A : f32 to vector<10000x1xf32>
    %max3A_11 = arith.maximumf %sqrt3A, %max3A_10 : vector<10000x1xf32>
    %div3A = vector.broadcast %max3A_11 : vector<10000x1xf32> to vector<10000x128xf32>
    %div3A_12 = arith.divf %add3A, %div3A : vector<10000x128xf32>
    %swap3A = arith.constant 0 : index
    %swap3A_13 = arith.constant 0 : index
    %swap3A_14 = vector.load %arg1[%swap3A, %swap3A_13] : memref<10000x128xf32, #tpu.memory_space<vmem>>, vector<10000x128xf32>
    tpu.vector_store %arg1[%swap3A, %swap3A_13], %div3A_12 {strides = array<i32>} : memref<10000x128xf32, #tpu.memory_space<vmem>>, vector<10000x128xf32>,
    return
  }
}

</mosaic_0001>

<sc_bundles>
// kernel: kernel.4.cloned.1.call-start
scs
__scs_entry_jumppad:
0x0: {  	(pc) =	sbr.rel $0x88, $3  }
0x1: {  	(tag) =	ssettag $0x0;
	lr =	simm.s32 $0x1  }
0x2: {  	[smem:$0x3F9E] =	sst lr;
	_ =	strace $0xD0000000  }
0x3: {  	_ = 	snop  }
0x4: {  	_ = 	snop  }
0x5: {  	_ = 	snop  }
0x6: {  	_ = 	snop  }
0x7: {  	_ = 	snop  }
__scs_overlays_trampoline_lowered:
0x8: {  	[smem:$0x3FAD] =	sst s0  }
0x9: {  	[smem:$0x3FAE] =	sst s1  }
0xa: {  	[smem:$0x3FAF] =	sst s2  }
0xb: {  	[smem:$0x3FB0] =	sst s3  }
0xc: {  	[smem:$0x3FB1] =	sst s4  }
0xd: {  	[smem:$0x3FB2] =	sst s5  }
0xe: {  	[smem:$0x3FB3] =	sst s6  }
0xf: {  	[smem:$0x3FB4] =	sst s7  }
0x10: {  	[smem:$0x3FB5] =	sst s8  }
0x11: {  	[smem:$0x3FB6] =	sst s9;
	s0 =	simm.s32 @!p0 $0x0  }
0x12: {  	s1 =	sld [smem:$0x3F9C];
	s0 =	simm.s32 @p0 $0x1  }
0x13: {  	[smem:$0x3FB7] =	sst s0;
	s0 =	simm.s32 @!p1 $0x0  }
0x14: {  	s2 =	sld [smem:$0x3F9B];
	s0 =	simm.s32 @p1 $0x1  }
0x15: {  	[smem:$0x3FB8] =	sst s0;
	s0 =	simm.s32 @!p2 $0x0  }
0x16: {  	s3 =	sld [smem:$0x3FDB];
	s0 =	simm.s32 @p2 $0x1  }
0x17: {  	s4 =	simm.s32 $0x1BF5;
	[smem:$0x3FBA] =	sst s0  }
0x18: {  	s0 =	sld [smem:$0x3F9D];
	_ =	swait.ge [sflag:s4], $0x0  }
0x19: {  	s7 =	sld [smem:$0x3F9E]  }
0x1a: {  	s8 =	sadd.s32 $0xFFFFE003, lr  }
0x1b: {  	s9 =	sadd.s32 $0xFFFFFEF7, lr;
	s5 =	simm.s32 $0xFFFFFFFF;
	p2 =	slt.u32 s8, $0xFFFFF086  }
0x1c: {  	p1 =	slt.u32 s9, $0xF7A;
	s5 =	simm.s32 @!p2 $0x0  }
0x1d: {  	s5 =	simm.s32 @p1 $0x1;
	p0 =	seq.s32 s7, s2  }
0x1e: {  	s7 =	smul.u32 @!p0 $0xF7A, s2;
	p2 =	seq.s32 @!p0 s5, $0x0  }
0x1f: {  	s9 =	smul.u32 $0xF7A, s1;
	s8 =	simm.s32 @!p0 $0x1BF5;
	p2 =	por !p2, p0  }
0x20: {  	[sflag:s8] =	ssyncset.s32 @!p0 $0xFFFFF086;
	s6 =	sadd.s32 @!p0 s3, s7;
	s7 =	simm.s32 @!p0 $0x108  }
0x21: {  	s3 =	sadd.s32 s3, s9;
	s6 =	sadd.s32 @!p0 $0x88, s6;
	s7 =	simm.s32 @p2 $0x1082  }
0x22: {  	[simem:s7], [sflag:s8] =	dma.local @!p0 [hbm:s6], $0xF7A  }
0x23: {  	s9 =	sor.u32 $0xD0000000, s2;
	s6 =	simm.s32 $0x108;
	_ =	swait.ge @!p0 [sflag:s8], $0x0  }
0x24: {  	s3 =	sadd.s32 $0x88, s3;
	s6 =	simm.s32 @!p1 $0x1082;
	[sflag:s4] =	ssyncset.s32 $0xFFFFF086  }
0x25: {  	[simem:s6], [sflag:s4] =	dma.local [hbm:s3], $0xF7A  }
0x26: {  	[smem:$0x3F9E] =	sst s1;
	(tag) =	ssettag s2;
	_ =	strace s9  }
0x27: {  	s1 =	sld [smem:$0x3FAE]  }
0x28: {  	s2 =	sld [smem:$0x3FAF]  }
0x29: {  	s4 =	sld [smem:$0x3FB1]  }
0x2a: {  	p0 =	seq.s32 s5, $0x0;
	s5 =	sld [smem:$0x3FB2]  }
0x2b: {  	s6 =	sld [smem:$0x3FB3]  }
0x2c: {  	s7 =	sld [smem:$0x3FB4]  }
0x2d: {  	s3 =	simm.s32 $0x108;
	s8 =	sld [smem:$0x3FB5]  }
0x2e: {  	s3 =	simm.s32 @!p0 $0x1082;
	s9 =	sld [smem:$0x3FB6]  }
0x2f: {  	lr =	sadd.s32 s0, s3;
	s0 =	sld [smem:$0x3FAD]  }
0x30: {  	s3 =	sld [smem:$0x3FB0]  }
0x31: {  	[smem:$0x3FB9] =	sst s10  }
0x32: {  	s10 =	sld [smem:$0x3FB7];
	_ =	sdelay $0x3  }
0x33: {  	p0 =	seq.s32 s10, $0x1;
	s10 =	sld [smem:$0x3FB9];
	_ =	sdelay $0x3  }
0x34: {  	[smem:$0x3FB9] =	sst s10  }
0x35: {  	s10 =	sld [smem:$0x3FB8];
	_ =	sdelay $0x3  }
0x36: {  	p1 =	seq.s32 s10, $0x1;
	s10 =	sld [smem:$0x3FB9];
	_ =	sdelay $0x3  }
0x37: {  	[smem:$0x3FB9] =	sst s10  }
0x38: {  	s10 =	sld [smem:$0x3FBA]  }
0x39: {  	_ = 	snop;
	(pc) =	sbr.ind lr, $3  }
0x3a: {  	_ = 	snop  }
0x3b: {  	_ = 	snop  }
0x3c: {  	p2 =	seq.s32 s10, $0x1;
	s10 =	sld [smem:$0x3FB9]  }
0x3d: {  	_ =	shalt  }
0x3e: {  	_ =	shalt  }
0x3f: {  	_ =	shalt  }
0x40: {  	_ =	shalt  }
0x41: {  	_ =	shalt  }
0x42: {  	_ =	shalt  }
0x43: {  	_ =	shalt  }
0x44: {  	_ =	shalt  }
0x45: {  	_ =	shalt  }
0x46: {  	_ =	shalt  }
0x47: {  	_ =	shalt  }
0x48: {  	_ =	shalt  }
0x49: {  	_ =	shalt  }
0x4a: {  	_ =	shalt  }
0x4b: {  	_ =	shalt  }
0x4c: {  	_ =	shalt  }
0x4d: {  	_ =	shalt  }
0x4e: {  	_ =	shalt  }
0x4f: {  	_ =	shalt  }
0x50: {  	_ =	shalt  }
0x51: {  	_ =	shalt  }
0x52: {  	_ =	shalt  }
0x53: {  	_ =	shalt  }
0x54: {  	_ =	shalt  }
0x55: {  	_ =	shalt  }
0x56: {  	_ =	shalt  }
0x57: {  	_ =	shalt  }
0x58: {  	_ =	shalt  }
0x59: {  	_ =	shalt  }
0x5a: {  	_ =	shalt  }
0x5b: {  	_ =	shalt  }
0x5c: {  	_ =	shalt  }
0x5d: {  	_ =	shalt  }
0x5e: {  	_ =	shalt  }
0x5f: {  	_ =	shalt  }
0x60: {  	_ =	shalt  }
0x61: {  	_ =	shalt  }
0x62: {  	_ =	shalt  }
0x63: {  	_ =	shalt  }
0x64: {  	_ =	shalt  }
0x65: {  	_ =	shalt  }
0x66: {  	_ =	shalt  }
0x67: {  	_ =	shalt  }
0x68: {  	_ =	shalt  }
0x69: {  	_ =	shalt  }
0x6a: {  	_ =	shalt  }
0x6b: {  	_ =	shalt  }
0x6c: {  	_ =	shalt  }
0x6d: {  	_ =	shalt  }
0x6e: {  	_ =	shalt  }
0x6f: {  	_ =	shalt  }
0x70: {  	_ =	shalt  }
0x71: {  	_ =	shalt  }
0x72: {  	_ =	shalt  }
0x73: {  	_ =	shalt  }
0x74: {  	_ =	shalt  }
0x75: {  	_ =	shalt  }
0x76: {  	_ =	shalt  }
0x77: {  	_ =	shalt  }
0x78: {  	_ =	shalt  }
0x79: {  	_ =	shalt  }
0x7a: {  	_ =	shalt  }
0x7b: {  	_ =	shalt  }
0x7c: {  	_ =	shalt  }
0x7d: {  	_ =	shalt  }
0x7e: {  	_ =	shalt  }
0x7f: {  	_ =	shalt  }
0x80: {  	_ =	shalt  }
0x81: {  	_ =	shalt  }
0x82: {  	_ =	shalt  }
0x83: {  	_ =	shalt  }
0x84: {  	_ =	shalt  }
0x85: {  	_ =	shalt  }
0x86: {  	_ =	shalt  }
0x87: {  	_ =	shalt  }
.Lfunc_end0:
.L_simem_size_0:
called_computation_lowered:
.L_overlay_start_0:
0x88: {  	s2 =	sld [smem:$0x3FD9]  }
0x89: {  	s3 =	sld [smem:$0x3FFE];
	_ =	sdelay $0x1  }
0x8a: {  	s1 =	srdreg.scid  }
0x8b: {  	s0 =	sand.u32 $0x1, s1  }
0x8c: {  	s17 =	sshll.u32 s0, $0xA;
	s2 =	sadd.s32 s3, s2  }
0x8d: {  	s2 =	sadd.s32 s2, s17  }
0x8e: {  	[smem:$0x3FC5] =	sst s2  }
0x8f: {  	_ = 	snop  }
0x90: {  	s2 =	sld [smem:$0x3FD0];
	(tm) =	ssettm $0x1  }
0x91: {  	s18 =	sld [smem:$0x3FFB];
	_ =	sdelay $0x3  }
0x92: {  	_ =	strace s18  }
0x93: {  	s3 =	sld [smem:$0x3FFC];
	_ =	sdelay $0x3  }
0x94: {  	_ =	strace s3  }
0x95: {  	s3 =	sld [smem:$0x3FFD];
	_ =	sdelay $0x3  }
0x96: {  	_ =	strace s3  }
0x97: {  	_ =	strace $0x8FFFFFFF  }
0x98: {  	s19 =	sld [smem:$0x3FDB];
	_ =	sdelay $0x1  }
0x99: {  	s4 =	simm.s32 $_scs_section_size  }
0x9a: {  	s5 =	simm.s32 $_size__tile_overlayer_lowered;
	s6 =	simm.s32 $_tile_overlayer_lowered  }
0x9b: {  	s22 =	simm.s32 $0x1BFF;
	s21 =	sshll.u32 s6, $0x1;
	s3 =	sadd.s32 s4, s19  }
0x9c: {  	s7 =	simm.s32 $0x0;
	s20 =	sshll.u32 s5, $0x1;
	s5 =	sadd.s32 s21, s3  }
0x9d: {  	[timem:s7], [sflag:s22] =	dma.local [hbm:s5], s20  }
0x9e: {  	_ =	swait.ge [sflag:s22], s20  }
0x9f: {  	s4 =	ssub.s32 $0x0, s20;
	[sflag:s22] =	ssyncset.done $0x0  }
0xa0: {  	[sflag:s22] =	ssyncadd.s32 s4;
	_ =	sdelay $0x1  }
0xa1: {  	s23 =	simm.s32 $0x1B8B  }
0xa2: {  	_ =	swait.ge [sflag:s23], $0x1  }
0xa3: {  	[sflag:s23] =	ssyncset.done $0x0  }
0xa4: {  	s25 =	simm.s32 $0x1B8E;
	s24 =	sld [smem:$0x3FFE];
	[sflag:s23] =	ssyncadd.s32 $0xFFFFFFFF  }
0xa5: {  	s26 =	simm.s32 $execute0_lowered;
	[smem:$0x3FD2] =	sst s25  }
0xa6: {  	s5 =	sshll.u32 s26, $0x1;
	_ =	strace $0x80000046;
	[dreg:$0x1] =	wrdreg $0xFFFFFFFF  }
0xa7: {  	s28 =	simm.s32 $_size_execute0_lowered;
	s3 =	sadd.s32 s3, s5;
	[dreg:$0x0] =	wrdreg $0x0  }
0xa8: {  	s5 =	sshll.u32 s28, $0x1;
	[dreg:$0x2] =	wrdreg s3  }
0xa9: {  	[dreg:$0x3] =	wrdreg s5  }
0xaa: {  	[dreg:$0x4] =	wrdreg $0xC0  }
0xab: {  	_ =	task [dreg:s7], $0x5FFFF  }
0xac: {  	[dreg:$0x1] =	wrdreg $0xFFFFFFFF  }
0xad: {  	[dreg:$0x0] =	wrdreg $0x60  }
0xae: {  	[dreg:$0x2] =	wrdreg s2  }
0xaf: {  	[dreg:$0x3] =	wrdreg s24  }
0xb0: {  	[dreg:$0x4] =	wrdreg $0x0  }
0xb1: {  	[dreg:$0x5] =	wrdreg $0x9  }
0xb2: {  	_ =	task.clear_ibuf [dreg:s7], $0x6FFFF;
	_ =	strace $0x90000046  }
0xb3: {  	s29 =	simm.s32 $0x9;
	_ =	strace $0x80000048  }
0xb4: {  	_ =	swait.ge [sflag:s29], $0x1  }
0xb5: {  	[sflag:s29] =	ssyncadd.s32 $0xFFFFFFFF  }
0xb6: {  	_ =	strace $0x90000048  }
0xb7: {  	_ =	sfence  }
0xb8: {  	s30 =	sld [smem:$0x0];
	_ =	sdelay $0x2  }
0xb9: {  	s31 =	sshll.u32 s1, $0xD;
	s1 =	sshrl.u32 s1, $0x2  }
0xba: {  	s3 =	sand.u32 $0x4000, s31;
	s1 =	sadd.s32 s1, s30  }
0xbb: {  	s0 =	sor.u32 s3, s0;
	s1 =	sshll.u32 s1, $0x11  }
0xbc: {  	s0 =	sor.u32 s1, s0  }
0xbd: {  	s0 =	sadd.s32 $0x8F2B, s0  }
0xbe: {  	[sflag:s0] =	ssyncadd.remote.s32 $0x1  }
0xbf: {  	_ =	sfence.sel $0xFFFF  }
0xc0: {  	[dreg:$0x0] =	wrdreg $0xFFFFFFFF;
	(pc) =	sbr.abs _section_cstart, $3  }
0xc1: {  	[dreg:$0x1] =	wrdreg $0xFFFFFFFF  }
0xc2: {  	_ =	task.clear_ibuf [dreg:s7], $0x2FFFF;
	_ =	strace $0x9FFFFFFF  }
0xc3: {  	(tm) =	ssettm $0x7FFFFFFF  }
tec
execute0_lowered:
.L_overlay_start_1:
0x0: {  	(tag) =	ssettag $0x1  }
0x1: {  	s1 =	rddreg [dreg:$0x0]  }
0x2: {  	s0 =	srdreg.scid;
	s5 =	rddreg [dreg:$0x1]  }
0x3: {  	s6 =	stileid.u32;
	s3 =	rddreg [dreg:$0x2]  }
0x4: {  	s7 =	simm.s32 $0x0;
	s14 =	simm.s32 $0xD;
	s31 =	simm.s32 $0x17390  }
0x5: {  	s16 =	simm.s32 $0x2;
	s13 =	simm.s32 $0x6;
	s18 =	simm.s32 $0x17390  }
0x6: {  	s0 =	sand.u32 $0x1, s0;
	s9 =	smul.u32 $0x13880, s6;
	[smem:$0x7FF] =	sst s7  }
0x7: {  	s19 =	sadd.s32 $0x14600, s5;
	s2 =	sshll.u32 s0, $0x4;
	s8 =	smul.u32 $0x138800, s0  }
0x8: {  	_ =	strace $0x80000047;
	s0 =	ssub.s32 $0x2, s0;
	[dreg:$0x4] =	wrdreg s19  }
0x9: {  	s2 =	sor.u32 s6, s2;
	s6 =	sadd.s32 $0xA00, s5;
	s21 =	sshrl.u32 s0, $0x1  }
0xa: {  	s4 =	smul.u32 $0x2710, s2;
	s8 =	sadd.s32 s9, s8;
	s0 =	ssub.s32 s0, s21  }
0xb: {  	s9 =	sadd.s32 s9, s3;
	s12 =	sshrl.u32 s8, $0x3;
	s8 =	smul.u32 $0x27100, s2  }
0xc: {  	[dreg:$0x6] =	wrdreg s9;
	s0 =	smax.u32 s0, $0x1;
	s10 =	sshrl.u32 s4, $0x3  }
0xd: {  	s20 =	sadd.s32 s12, s5;
	[dreg:$0x12] =	wrdreg s0;
	s24 =	sadd.s32 s6, s10  }
0xe: {  	s11 =	sadd.s32 s10, s5;
	s2 =	sadd.s32 $0x16E00, s20;
	[dreg:$0x7] =	wrdreg s24  }
0xf: {  	s7 =	sadd.s32 $0xB4600, s5;
	s22 =	sadd.s32 $0xA800, s11;
	[dreg:$0x11] =	wrdreg s2  }
0x10: {  	s12 =	simm.s32 $0xB;
	s10 =	sadd.s32 $0xA, s24;
	[dreg:$0x5] =	wrdreg s22  }
0x11: {  	s0 =	simm.s32 $0xC;
	s26 =	sadd.s32 $0x14, s24;
	[dreg:$0x9] =	wrdreg s10  }
0x12: {  	s23 =	sshrl.u32 s8, $0x3;
	s29 =	sadd.s32 $0x1E, s24;
	[dreg:$0xb] =	wrdreg s26  }
0x13: {  	s5 =	sadd.s32 s7, s23;
	s9 =	sadd.s32 $0x4D8, s24;
	[dreg:$0xd] =	wrdreg s29  }
0x14: {  	s24 =	simm.s32 $0x1;
	s23 =	simm.s32 $0x9;
	[dreg:$0xf] =	wrdreg s9  }
0x15: {  	s25 =	sadd.s32 $0xA0, s5;
	s28 =	sadd.s32 $0x140, s5;
	[dreg:$0x8] =	wrdreg s5  }
0x16: {  	s30 =	sadd.s32 $0x1E0, s5;
	s5 =	sadd.s32 $0x4D80, s5;
	[dreg:$0xa] =	wrdreg s25  }
0x17: {  	s26 =	simm.s32 $0x50;
	s9 =	simm.s32 $0x3;
	[dreg:$0xc] =	wrdreg s28  }
0x18: {  	s10 =	simm.s32 $0x7;
	s22 =	simm.s32 $0x5;
	[dreg:$0xe] =	wrdreg s30  }
0x19: {  	[dreg:$0x10] =	wrdreg s5;
	s25 =	simm.s32 $0xA;
	s5 =	simm.s32 $0x0  }
.LBB2_1:
0x1a: {  	[dreg:$0x13] =	wrdreg s5  }
0x1b: {  	s5 =	simm.s32 $0x0;
	s2 =	rddreg [dreg:$0x5];
	s11 =	simm.s32 $0x13880  }
0x1c: {  	[tilespmem:s11], [sflag:$0xD] =	stream.linear.gather [hbm4b:s2+s5], $0x2710, $0x38;
	[tilespmem:$0x1ECD0] =	vst v63  }
0x1d: {  	s20 =	stileid.u32;
	_ =	swait.ge [sflag:s14], $0x2710  }
0x1e: {  	s2 =	sshll.u32 s20, $0x6;
	s21 =	rddreg [dreg:$0x6]  }
0x1f: {  	s15 =	sor.u32 $0x1C0D, s2;
	s29 =	rddreg [dreg:$0x4]  }
0x20: {  	[sflag:s14] =	ssyncset.done $0x0;
	[dreg:$0x14] =	wrdreg s15;
	s17 =	sshrl.u32 s21, $0x3  }
0x21: {  	[sflag:s14] =	ssyncadd.s32 $0xFFFFD8F0;
	[dreg:$0x15] =	wrdreg s17  }
0x22: {  	[spmem:s17], [sflag:s15] =	dma.local [hbm:s29], $0x2710  }
0x23: {  	_ =	swait.ge [sflag:s14], $0x2710  }
0x24: {  	[sflag:s14] =	ssyncset.done $0x0  }
0x25: {  	[sflag:s14] =	ssyncadd.s32 $0xFFFFD8F0  }
0x26: {  	s19 =	simm.s32 $0x174D0;
	[bflag:$0x0] =	sbarrier.arrive $0xFFFF  }
0x27: {  	[tilespmem:s19], [sflag:$0x1] =	stream.indirect.gather [hbm4b:s1+s26], $0x40, s11, s26, $0xb8;
	[tilespmem:$0x1ECD0] =	vst v63  }
0x28: {  	s20 =	rddreg [dreg:$0x7]  }
0x29: {  	[tilespmem:s31], [sflag:$0x3] =	stream.linear.gather [hbm4b:s20+s5], $0x50, $0x38;
	[tilespmem:$0x1ECD0] =	vst v63  }
0x2a: {  	s29 =	simm.s32 $0x15F90;
	s21 =	rddreg [dreg:$0x8]  }
0x2b: {  	[tilespmem:s29], [sflag:$0x7] =	stream.linear.gather [hbm4b:s21+s5], $0x500, $0x38;
	[tilespmem:$0x1ECD0] =	vst v63  }
0x2c: {  	s15 =	simm.s32 $0x188D0;
	s14 =	simm.s32 $0x138D0  }
0x2d: {  	[tilespmem:s15], [sflag:$0x2] =	stream.indirect.gather [hbm4b:s1+s26], $0x40, s14, s26, $0xb8;
	[tilespmem:$0x1ECD0] =	vst v63  }
0x2e: {  	s17 =	rddreg [dreg:$0x9];
	s19 =	simm.s32 $0x173E0  }
0x2f: {  	[tilespmem:s19], [sflag:$0x4] =	stream.linear.gather [hbm4b:s17+s5], $0x50, $0x38;
	[tilespmem:$0x1ECD0] =	vst v63  }
0x30: {  	s20 =	rddreg [dreg:$0xa];
	s21 =	simm.s32 $0x16490  }
0x31: {  	[tilespmem:s21], [sflag:$0x8] =	stream.linear.gather [hbm4b:s20+s5], $0x500, $0x38;
	[tilespmem:$0x1ECD0] =	vst v63  }
0x32: {  	_ =	swait.ge [sflag:s24], $0x1400  }
0x33: {  	[sflag:s24] =	ssyncset.done $0x0  }
0x34: {  	[sflag:s24] =	ssyncadd.s32 $0xFFFFEC00  }
0x35: {  	_ =	swait.ge [sflag:s9], $0x50  }
0x36: {  	[sflag:s9] =	ssyncset.done $0x0  }
0x37: {  	[sflag:s9] =	ssyncadd.s32 $0xFFFFFFB0  }
0x38: {  	_ =	swait.ge [sflag:s10], $0x500  }
0x39: {  	[sflag:s10] =	ssyncset.done $0x0  }
0x3a: {  	s29 =	simm.s32 $0x174F0;
	[sflag:s10] =	ssyncadd.s32 $0xFFFFFB00  }
0x3b: {  	s15 =	simm.s32 $0x0;
	v1 =	vld [tilespmem:s29+$0xFFFFFFE0]  }
0x3c: {  	v0 =	vld [tilespmem:s15+$0x15F90];
	_ =	sdelay $0x3  }
0x3d: {  	v2 =	vunpack.i.l.bf16.f32 v1  }
0x3e: {  	v1 =	vunpack.i.u.bf16.f32 v1;
	v2 =	vmul.f32 v2, v0  }
0x3f: {  	s2 =	simm.s32 $0x17530;
	s15 =	simm.s32 $0x19D10;
	v3 =	vmul.f32 v1, v0  }
0x40: {  	s17 =	simm.s32 $0x10;
	v4 =	vld [tilespmem:s2+$0xFFFFFFE0];
	[tilespmem:s15+$0xFFFFFFC0] =	vst v2  }
0x41: {  	v1 =	vld [tilespmem:s17+$0x15F90];
	[tilespmem:s15+$0xFFFFFFD0] =	vst v3  }
0x42: {  	v2 =	vld [tilespmem:s29+$0xFFFFFFF0];
	_ =	sdelay $0x2  }
0x43: {  	v3 =	vunpack.i.l.bf16.f32 v4  }
0x44: {  	v4 =	vunpack.i.u.bf16.f32 v4;
	v3 =	vmul.f32 v3, v1  }
0x45: {  	s14 =	simm.s32 $0x17570;
	s21 =	simm.s32 $0x19D90;
	v4 =	vmul.f32 v4, v1;
	v5 =	vunpack.i.l.bf16.f32 v2  }
0x46: {  	s19 =	simm.s32 $0x20;
	v6 =	vld [tilespmem:s14+$0xFFFFFFE0];
	[tilespmem:s21+$0xFFFFFFC0] =	vst v3;
	v3 =	vunpack.i.u.bf16.f32 v2;
	v5 =	vmul.f32 v5, v0  }
0x47: {  	[tilespmem:s21+$0xFFFFFFD0] =	vst v4;
	v2 =	vld [tilespmem:s19+$0x15F90];
	v3 =	vmul.f32 v3, v0  }
0x48: {  	v4 =	vld [tilespmem:s2+$0xFFFFFFF0];
	[tilespmem:s15+$0xFFFFFFE0] =	vst v5  }
0x49: {  	[tilespmem:s15+$0xFFFFFFF0] =	vst v3  }
0x4a: {  	v5 =	vld [tilespmem:s29+$0x0]  }
0x4b: {  	v3 =	vunpack.i.l.bf16.f32 v6  }
0x4c: {  	v6 =	vunpack.i.u.bf16.f32 v6;
	v3 =	vmul.f32 v3, v2  }
0x4d: {  	s30 =	simm.s32 $0x19E10;
	s19 =	simm.s32 $0x175B0;
	v6 =	vmul.f32 v6, v2;
	v7 =	vunpack.i.l.bf16.f32 v4  }
0x4e: {  	s20 =	simm.s32 $0x30;
	v8 =	vld [tilespmem:s19+$0xFFFFFFE0];
	v4 =	vunpack.i.u.bf16.f32 v4;
	v7 =	vmul.f32 v7, v1;
	[tilespmem:s30+$0xFFFFFFC0] =	vst v3  }
0x4f: {  	v4 =	vmul.f32 v4, v1;
	v3 =	vld [tilespmem:s20+$0x15F90];
	[tilespmem:s30+$0xFFFFFFD0] =	vst v6;
	v6 =	vunpack.i.l.bf16.f32 v5  }
0x50: {  	v9 =	vld [tilespmem:s14+$0xFFFFFFF0];
	[tilespmem:s21+$0xFFFFFFE0] =	vst v7;
	v5 =	vunpack.i.u.bf16.f32 v5;
	v6 =	vmul.f32 v6, v0  }
0x51: {  	[tilespmem:s21+$0xFFFFFFF0] =	vst v4;
	v4 =	vmul.f32 v5, v0  }
0x52: {  	v5 =	vld [tilespmem:s2+$0x0];
	[tilespmem:s15+$0x0] =	vst v6  }
0x53: {  	v6 =	vunpack.i.l.bf16.f32 v8;
	[tilespmem:s15+$0x10] =	vst v4  }
0x54: {  	v4 =	vunpack.i.u.bf16.f32 v8;
	v6 =	vmul.f32 v6, v3;
	v11 =	vld [tilespmem:s29+$0x10]  }
0x55: {  	s11 =	simm.s32 $0x19E90;
	s20 =	simm.s32 $0x175F0;
	v4 =	vmul.f32 v4, v3;
	v7 =	vunpack.i.l.bf16.f32 v9  }
0x56: {  	v8 =	vld [tilespmem:s20+$0xFFFFFFE0];
	s29 =	simm.s32 $0x40;
	v7 =	vmul.f32 v7, v2;
	[tilespmem:s11+$0xFFFFFFC0] =	vst v6;
	v6 =	vunpack.i.u.bf16.f32 v9  }
0x57: {  	[tilespmem:s11+$0xFFFFFFD0] =	vst v4;
	v9 =	vunpack.i.l.bf16.f32 v5;
	v4 =	vld [tilespmem:s29+$0x15F90];
	v6 =	vmul.f32 v6, v2  }
0x58: {  	[tilespmem:s30+$0xFFFFFFE0] =	vst v7;
	v7 =	vunpack.i.u.bf16.f32 v5;
	v10 =	vmul.f32 v9, v1;
	v5 =	vld [tilespmem:s19+$0xFFFFFFF0]  }
0x59: {  	s28 =	simm.s32 $0x19E90;
	s5 =	simm.s32 $0x140;
	v9 =	vmul.f32 v7, v1;
	[tilespmem:s30+$0xFFFFFFF0] =	vst v6;
	v7 =	vunpack.i.u.bf16.f32 v11;
	v6 =	vunpack.i.l.bf16.f32 v11  }
.LBB2_2:
0x5a: {  	p0 =	sne.s32 s5, $0x13C0;
	v11 =	vld [tilespmem:s14+$0x0];
	[tilespmem:s21+$0x0] =	vst v10;
	v6 =	vmul.f32 v6, v0;
	v7 =	vmul.f32 v7, v0;
	v0 =	vmovc v1;
	v1 =	vmov v2  }
0x5b: {  	v2 =	vmov v3;
	v10 =	vunpack.i.l.bf16.f32 v8;
	[tilespmem:s21+$0x10] =	vst v9  }
0x5c: {  	v8 =	vunpack.i.u.bf16.f32 v8;
	v9 =	vmul.f32 v10, v4;
	v12 =	vld [tilespmem:s2+$0x10];
	[tilespmem:s15+$0x30] =	vst v7;
	v3 =	vmov v4;
	s2 =	smov.u32 s14;
	s14 =	smov.u32 s19;
	s19 =	smov.u32 s20  }
.Ltmp0:
0x5d: {  	s11 =	sadd.s32 $0x80, s11;
	s20 =	sadd.s32 $0x40, s20;
	v7 =	vmul.f32 v8, v3;
	v4 =	vunpack.i.l.bf16.f32 v5;
	[tilespmem:s15+$0x20] =	vst v6;
	(pc) =	sbr.rel @p0 .LBB2_2-.Ltmp0, $4  }
0x5e: {  	s29 =	sshra.s32 s5, $0x2;
	v5 =	vunpack.i.u.bf16.f32 v5;
	s15 =	smov.u32 s21;
	s21 =	smov.u32 s30;
	v8 =	vld [tilespmem:s20+$0xFFFFFFE0];
	[tilespmem:s11+$0xFFFFFFC0] =	vst v9;
	v6 =	vmul.f32 v4, v2  }
0x5f: {  	s30 =	smov.u32 s28;
	s28 =	smov.u32 s11;
	v4 =	vld [tilespmem:s29+$0x15F90];
	[tilespmem:s11+$0xFFFFFFD0] =	vst v7;
	v7 =	vmul.f32 v5, v2;
	v9 =	vunpack.i.l.bf16.f32 v11  }
0x60: {  	v5 =	vld [tilespmem:s19+$0xFFFFFFF0];
	[tilespmem:s30+$0xFFFFFFE0] =	vst v6;
	v6 =	vunpack.i.u.bf16.f32 v11;
	v10 =	vmul.f32 v9, v1  }
0x61: {  	s5 =	sadd.s32 $0x40, s5;
	[tilespmem:s30+$0xFFFFFFF0] =	vst v7;
	v9 =	vmul.f32 v6, v1;
	v7 =	vunpack.i.u.bf16.f32 v12;
	v6 =	vunpack.i.l.bf16.f32 v12  }
0x62: {  	_ = 	snop  }
0x63: {  	v11 =	vunpack.i.l.bf16.f32 v8  }
0x64: {  	v8 =	vunpack.i.u.bf16.f32 v8;
	v11 =	vmul.f32 v11, v4  }
0x65: {  	s5 =	sadd.s32 $0x80, s11;
	v8 =	vmul.f32 v8, v4  }
0x66: {  	[tilespmem:s5+$0xFFFFFFC0] =	vst v11  }
0x67: {  	[tilespmem:s5+$0xFFFFFFD0] =	vst v8  }
0x68: {  	v8 =	vld [tilespmem:s20+$0xFFFFFFF0];
	_ =	sdelay $0x2  }
0x69: {  	v11 =	vunpack.i.l.bf16.f32 v5  }
0x6a: {  	v5 =	vunpack.i.u.bf16.f32 v5;
	v11 =	vmul.f32 v11, v3  }
0x6b: {  	v5 =	vmul.f32 v5, v3;
	v12 =	vunpack.i.l.bf16.f32 v8  }
0x6c: {  	[tilespmem:s28+$0xFFFFFFE0] =	vst v11;
	v11 =	vld [tilespmem:s14+$0x0];
	v8 =	vunpack.i.u.bf16.f32 v8;
	v12 =	vmul.f32 v12, v4  }
0x6d: {  	[tilespmem:s28+$0xFFFFFFF0] =	vst v5;
	v5 =	vmul.f32 v8, v4  }
0x6e: {  	v8 =	vld [tilespmem:s19+$0x0];
	[tilespmem:s5+$0xFFFFFFE0] =	vst v12  }
0x6f: {  	[tilespmem:s5+$0xFFFFFFF0] =	vst v5  }
0x70: {  	v5 =	vld [tilespmem:s20+$0x0]  }
0x71: {  	v63 =	vunpack.i.l.bf16.f32 v11  }
0x72: {  	[tilespmem:s21+$0x0] =	vst v10;
	v10 =	vunpack.i.u.bf16.f32 v11;
	v11 =	vmul.f32 v63, v2  }
0x73: {  	[tilespmem:s21+$0x10] =	vst v9;
	v9 =	vmul.f32 v10, v2;
	v10 =	vunpack.i.l.bf16.f32 v8  }
0x74: {  	[tilespmem:s30+$0x0] =	vst v11;
	v11 =	vld [tilespmem:s2+$0x10];
	v8 =	vunpack.i.u.bf16.f32 v8;
	v10 =	vmul.f32 v10, v3  }
0x75: {  	[tilespmem:s30+$0x10] =	vst v9;
	v8 =	vmul.f32 v8, v3;
	v9 =	vunpack.i.l.bf16.f32 v5  }
0x76: {  	[tilespmem:s28+$0x0] =	vst v10;
	v10 =	vld [tilespmem:s14+$0x10];
	v5 =	vunpack.i.u.bf16.f32 v5;
	v9 =	vmul.f32 v9, v4  }
0x77: {  	[tilespmem:s28+$0x10] =	vst v8;
	v5 =	vmul.f32 v5, v4  }
0x78: {  	v7 =	vmul.f32 v7, v0;
	v8 =	vld [tilespmem:s19+$0x10];
	[tilespmem:s5+$0x0] =	vst v9  }
0x79: {  	v0 =	vmul.f32 v6, v0;
	v6 =	vunpack.i.u.bf16.f32 v11;
	[tilespmem:s5+$0x10] =	vst v5  }
0x7a: {  	[tilespmem:s15+$0x30] =	vst v7;
	v6 =	vmul.f32 v6, v1;
	v5 =	vunpack.i.l.bf16.f32 v11;
	v7 =	vld [tilespmem:s20+$0x10]  }
0x7b: {  	[tilespmem:s15+$0x20] =	vst v0;
	v0 =	vmul.f32 v5, v1;
	v1 =	vunpack.i.u.bf16.f32 v10  }
0x7c: {  	[tilespmem:s21+$0x30] =	vst v6;
	v5 =	vunpack.i.l.bf16.f32 v10;
	v1 =	vmul.f32 v1, v2  }
0x7d: {  	[tilespmem:s21+$0x20] =	vst v0;
	v0 =	vmul.f32 v5, v2;
	v2 =	vunpack.i.u.bf16.f32 v8  }
0x7e: {  	v2 =	vmul.f32 v2, v3;
	[tilespmem:s30+$0x30] =	vst v1;
	v1 =	vunpack.i.l.bf16.f32 v8  }
0x7f: {  	[tilespmem:s30+$0x20] =	vst v0;
	v0 =	vmul.f32 v1, v3;
	v1 =	vunpack.i.u.bf16.f32 v7  }
0x80: {  	[tilespmem:s28+$0x30] =	vst v2;
	v2 =	vunpack.i.l.bf16.f32 v7;
	v1 =	vmul.f32 v1, v4  }
0x81: {  	[tilespmem:s28+$0x20] =	vst v0;
	v0 =	vmul.f32 v2, v4  }
0x82: {  	[tilespmem:s5+$0x30] =	vst v1  }
0x83: {  	s29 =	simm.s32 $0x19CD0;
	[tilespmem:s5+$0x20] =	vst v0  }
0x84: {  	[spmem:s3] =	stream.indirect.scatter.add.f32 [tilespmem:s29], [sflag:$0xB], $0x80, s31, s26, $0xb8;
	[tilespmem:$0x1ECD0] =	vst v63  }
0x85: {  	s11 =	simm.s32 $0x13920;
	s5 =	simm.s32 $0x174D0  }
0x86: {  	[tilespmem:s5], [sflag:$0x1] =	stream.indirect.gather [hbm4b:s1+s26], $0x40, s11, s26, $0xb8;
	[tilespmem:$0x1ECD0] =	vst v63  }
0x87: {  	s17 =	simm.s32 $0x17430;
	s14 =	simm.s32 $0x0;
	s15 =	rddreg [dreg:$0xb]  }
0x88: {  	[tilespmem:s17], [sflag:$0x5] =	stream.linear.gather [hbm4b:s15+s14], $0x50, $0x38;
	[tilespmem:$0x1ECD0] =	vst v63  }
0x89: {  	s20 =	simm.s32 $0x16990;
	s19 =	rddreg [dreg:$0xc]  }
0x8a: {  	[tilespmem:s20], [sflag:$0x9] =	stream.linear.gather [hbm4b:s19+s14], $0x500, $0x38;
	[tilespmem:$0x1ECD0] =	vst v63  }
0x8b: {  	_ =	swait.ge [sflag:s16], $0x1400  }
0x8c: {  	[sflag:s16] =	ssyncset.done $0x0  }
0x8d: {  	s21 =	simm.s32 $0x4;
	[sflag:s16] =	ssyncadd.s32 $0xFFFFEC00  }
0x8e: {  	_ =	swait.ge [sflag:s21], $0x50  }
0x8f: {  	[sflag:s21] =	ssyncset.done $0x0  }
0x90: {  	s29 =	simm.s32 $0x8;
	[sflag:s21] =	ssyncadd.s32 $0xFFFFFFB0  }
0x91: {  	_ =	swait.ge [sflag:s29], $0x500  }
0x92: {  	[sflag:s29] =	ssyncset.done $0x0  }
0x93: {  	s31 =	simm.s32 $0x188F0;
	[sflag:s29] =	ssyncadd.s32 $0xFFFFFB00  }
0x94: {  	s17 =	simm.s32 $0x0;
	v1 =	vld [tilespmem:s31+$0xFFFFFFE0]  }
0x95: {  	v0 =	vld [tilespmem:s17+$0x16490];
	_ =	sdelay $0x3  }
0x96: {  	v2 =	vunpack.i.l.bf16.f32 v1  }
0x97: {  	v1 =	vunpack.i.u.bf16.f32 v1;
	v2 =	vmul.f32 v2, v0  }
0x98: {  	s2 =	simm.s32 $0x18930;
	s15 =	simm.s32 $0x1C510;
	v3 =	vmul.f32 v1, v0  }
0x99: {  	s19 =	simm.s32 $0x10;
	v4 =	vld [tilespmem:s2+$0xFFFFFFE0];
	[tilespmem:s15+$0xFFFFFFC0] =	vst v2  }
0x9a: {  	v1 =	vld [tilespmem:s19+$0x16490];
	[tilespmem:s15+$0xFFFFFFD0] =	vst v3  }
0x9b: {  	v2 =	vld [tilespmem:s31+$0xFFFFFFF0];
	_ =	sdelay $0x2  }
0x9c: {  	v3 =	vunpack.i.l.bf16.f32 v4  }
0x9d: {  	v4 =	vunpack.i.u.bf16.f32 v4;
	v3 =	vmul.f32 v3, v1  }
0x9e: {  	s14 =	simm.s32 $0x18970;
	s21 =	simm.s32 $0x1C590;
	v4 =	vmul.f32 v4, v1;
	v5 =	vunpack.i.l.bf16.f32 v2  }
0x9f: {  	s20 =	simm.s32 $0x20;
	v6 =	vld [tilespmem:s14+$0xFFFFFFE0];
	[tilespmem:s21+$0xFFFFFFC0] =	vst v3;
	v3 =	vunpack.i.u.bf16.f32 v2;
	v5 =	vmul.f32 v5, v0  }
0xa0: {  	[tilespmem:s21+$0xFFFFFFD0] =	vst v4;
	v2 =	vld [tilespmem:s20+$0x16490];
	v3 =	vmul.f32 v3, v0  }
0xa1: {  	v4 =	vld [tilespmem:s2+$0xFFFFFFF0];
	[tilespmem:s15+$0xFFFFFFE0] =	vst v5  }
0xa2: {  	[tilespmem:s15+$0xFFFFFFF0] =	vst v3  }
0xa3: {  	v5 =	vld [tilespmem:s31+$0x0]  }
0xa4: {  	v3 =	vunpack.i.l.bf16.f32 v6  }
0xa5: {  	v6 =	vunpack.i.u.bf16.f32 v6;
	v3 =	vmul.f32 v3, v2  }
0xa6: {  	s30 =	simm.s32 $0x1C610;
	s19 =	simm.s32 $0x189B0;
	v6 =	vmul.f32 v6, v2;
	v7 =	vunpack.i.l.bf16.f32 v4  }
0xa7: {  	s29 =	simm.s32 $0x30;
	v8 =	vld [tilespmem:s19+$0xFFFFFFE0];
	v4 =	vunpack.i.u.bf16.f32 v4;
	v7 =	vmul.f32 v7, v1;
	[tilespmem:s30+$0xFFFFFFC0] =	vst v3  }
0xa8: {  	v4 =	vmul.f32 v4, v1;
	v3 =	vld [tilespmem:s29+$0x16490];
	[tilespmem:s30+$0xFFFFFFD0] =	vst v6;
	v6 =	vunpack.i.l.bf16.f32 v5  }
0xa9: {  	v9 =	vld [tilespmem:s14+$0xFFFFFFF0];
	[tilespmem:s21+$0xFFFFFFE0] =	vst v7;
	v5 =	vunpack.i.u.bf16.f32 v5;
	v6 =	vmul.f32 v6, v0  }
0xaa: {  	[tilespmem:s21+$0xFFFFFFF0] =	vst v4;
	v4 =	vmul.f32 v5, v0  }
0xab: {  	v5 =	vld [tilespmem:s2+$0x0];
	[tilespmem:s15+$0x0] =	vst v6  }
0xac: {  	v6 =	vunpack.i.l.bf16.f32 v8;
	[tilespmem:s15+$0x10] =	vst v4  }
0xad: {  	v4 =	vunpack.i.u.bf16.f32 v8;
	v6 =	vmul.f32 v6, v3;
	v11 =	vld [tilespmem:s31+$0x10]  }
0xae: {  	s11 =	simm.s32 $0x1C690;
	s20 =	simm.s32 $0x189F0;
	v4 =	vmul.f32 v4, v3;
	v7 =	vunpack.i.l.bf16.f32 v9  }
0xaf: {  	v8 =	vld [tilespmem:s20+$0xFFFFFFE0];
	s31 =	simm.s32 $0x40;
	v7 =	vmul.f32 v7, v2;
	[tilespmem:s11+$0xFFFFFFC0] =	vst v6;
	v6 =	vunpack.i.u.bf16.f32 v9  }
0xb0: {  	[tilespmem:s11+$0xFFFFFFD0] =	vst v4;
	v9 =	vunpack.i.l.bf16.f32 v5;
	v4 =	vld [tilespmem:s31+$0x16490];
	v6 =	vmul.f32 v6, v2  }
0xb1: {  	[tilespmem:s30+$0xFFFFFFE0] =	vst v7;
	v7 =	vunpack.i.u.bf16.f32 v5;
	v10 =	vmul.f32 v9, v1;
	v5 =	vld [tilespmem:s19+$0xFFFFFFF0]  }
0xb2: {  	s28 =	simm.s32 $0x1C690;
	s5 =	simm.s32 $0x140;
	v9 =	vmul.f32 v7, v1;
	[tilespmem:s30+$0xFFFFFFF0] =	vst v6;
	v7 =	vunpack.i.u.bf16.f32 v11;
	v6 =	vunpack.i.l.bf16.f32 v11  }
.LBB2_4:
0xb3: {  	p0 =	sne.s32 s5, $0x13C0;
	v11 =	vld [tilespmem:s14+$0x0];
	[tilespmem:s21+$0x0] =	vst v10;
	v6 =	vmul.f32 v6, v0;
	v7 =	vmul.f32 v7, v0;
	v0 =	vmovc v1;
	v1 =	vmov v2  }
0xb4: {  	v2 =	vmov v3;
	v10 =	vunpack.i.l.bf16.f32 v8;
	[tilespmem:s21+$0x10] =	vst v9  }
0xb5: {  	v8 =	vunpack.i.u.bf16.f32 v8;
	v9 =	vmul.f32 v10, v4;
	v12 =	vld [tilespmem:s2+$0x10];
	[tilespmem:s15+$0x30] =	vst v7;
	v3 =	vmov v4;
	s2 =	smov.u32 s14;
	s14 =	smov.u32 s19;
	s19 =	smov.u32 s20  }
.Ltmp1:
0xb6: {  	s11 =	sadd.s32 $0x80, s11;
	s20 =	sadd.s32 $0x40, s20;
	v7 =	vmul.f32 v8, v3;
	v4 =	vunpack.i.l.bf16.f32 v5;
	[tilespmem:s15+$0x20] =	vst v6;
	(pc) =	sbr.rel @p0 .LBB2_4-.Ltmp1, $4  }
0xb7: {  	s29 =	sshra.s32 s5, $0x2;
	v5 =	vunpack.i.u.bf16.f32 v5;
	s15 =	smov.u32 s21;
	s21 =	smov.u32 s30;
	v8 =	vld [tilespmem:s20+$0xFFFFFFE0];
	[tilespmem:s11+$0xFFFFFFC0] =	vst v9;
	v6 =	vmul.f32 v4, v2  }
0xb8: {  	s30 =	smov.u32 s28;
	s28 =	smov.u32 s11;
	v4 =	vld [tilespmem:s29+$0x16490];
	[tilespmem:s11+$0xFFFFFFD0] =	vst v7;
	v7 =	vmul.f32 v5, v2;
	v9 =	vunpack.i.l.bf16.f32 v11  }
0xb9: {  	v5 =	vld [tilespmem:s19+$0xFFFFFFF0];
	[tilespmem:s30+$0xFFFFFFE0] =	vst v6;
	v6 =	vunpack.i.u.bf16.f32 v11;
	v10 =	vmul.f32 v9, v1  }
0xba: {  	s5 =	sadd.s32 $0x40, s5;
	[tilespmem:s30+$0xFFFFFFF0] =	vst v7;
	v9 =	vmul.f32 v6, v1;
	v7 =	vunpack.i.u.bf16.f32 v12;
	v6 =	vunpack.i.l.bf16.f32 v12  }
0xbb: {  	_ = 	snop  }
0xbc: {  	v11 =	vunpack.i.l.bf16.f32 v8  }
0xbd: {  	v36 =	vunpack.i.u.bf16.f32 v8;
	v11 =	vmul.f32 v11, v4  }
0xbe: {  	s5 =	sadd.s32 $0x80, s11;
	v8 =	vmul.f32 v36, v4  }
0xbf: {  	[tilespmem:s5+$0xFFFFFFC0] =	vst v11  }
0xc0: {  	[tilespmem:s5+$0xFFFFFFD0] =	vst v8  }
0xc1: {  	v8 =	vld [tilespmem:s20+$0xFFFFFFF0];
	_ =	sdelay $0x2  }
0xc2: {  	v37 =	vunpack.i.l.bf16.f32 v5  }
0xc3: {  	v38 =	vunpack.i.u.bf16.f32 v5;
	v11 =	vmul.f32 v37, v3  }
0xc4: {  	v5 =	vmul.f32 v38, v3;
	v12 =	vunpack.i.l.bf16.f32 v8  }
0xc5: {  	v39 =	vld [tilespmem:s14+$0x0];
	[tilespmem:s28+$0xFFFFFFE0] =	vst v11;
	v8 =	vunpack.i.u.bf16.f32 v8;
	v12 =	vmul.f32 v12, v4  }
0xc6: {  	[tilespmem:s28+$0xFFFFFFF0] =	vst v5;
	v40 =	vmul.f32 v8, v4  }
0xc7: {  	v41 =	vld [tilespmem:s19+$0x0];
	[tilespmem:s5+$0xFFFFFFE0] =	vst v12  }
0xc8: {  	[tilespmem:s5+$0xFFFFFFF0] =	vst v40  }
0xc9: {  	v5 =	vld [tilespmem:s20+$0x0]  }
0xca: {  	v42 =	vunpack.i.l.bf16.f32 v39  }
0xcb: {  	[tilespmem:s21+$0x0] =	vst v10;
	v43 =	vunpack.i.u.bf16.f32 v39;
	v44 =	vmul.f32 v42, v2  }
0xcc: {  	[tilespmem:s21+$0x10] =	vst v9;
	v45 =	vmul.f32 v43, v2;
	v46 =	vunpack.i.l.bf16.f32 v41  }
0xcd: {  	v47 =	vld [tilespmem:s2+$0x10];
	[tilespmem:s30+$0x0] =	vst v44;
	v8 =	vunpack.i.u.bf16.f32 v41;
	v10 =	vmul.f32 v46, v3  }
0xce: {  	[tilespmem:s30+$0x10] =	vst v45;
	v8 =	vmul.f32 v8, v3;
	v48 =	vunpack.i.l.bf16.f32 v5  }
0xcf: {  	v49 =	vld [tilespmem:s14+$0x10];
	[tilespmem:s28+$0x0] =	vst v10;
	v5 =	vunpack.i.u.bf16.f32 v5;
	v9 =	vmul.f32 v48, v4  }
0xd0: {  	[tilespmem:s28+$0x10] =	vst v8;
	v5 =	vmul.f32 v5, v4  }
0xd1: {  	v7 =	vmul.f32 v7, v0;
	v8 =	vld [tilespmem:s19+$0x10];
	[tilespmem:s5+$0x0] =	vst v9  }
0xd2: {  	v50 =	vmul.f32 v6, v0;
	v51 =	vunpack.i.u.bf16.f32 v47;
	[tilespmem:s5+$0x10] =	vst v5  }
0xd3: {  	[tilespmem:s15+$0x30] =	vst v7;
	v52 =	vunpack.i.l.bf16.f32 v47;
	v6 =	vmul.f32 v51, v1;
	v53 =	vld [tilespmem:s20+$0x10]  }
0xd4: {  	[tilespmem:s15+$0x20] =	vst v50;
	v54 =	vmul.f32 v52, v1;
	v55 =	vunpack.i.u.bf16.f32 v49  }
0xd5: {  	[tilespmem:s21+$0x30] =	vst v6;
	v56 =	vunpack.i.l.bf16.f32 v49;
	v1 =	vmul.f32 v55, v2  }
0xd6: {  	[tilespmem:s21+$0x20] =	vst v54;
	v57 =	vmul.f32 v56, v2;
	v58 =	vunpack.i.u.bf16.f32 v8  }
0xd7: {  	[tilespmem:s30+$0x30] =	vst v1;
	v59 =	vunpack.i.l.bf16.f32 v8;
	v2 =	vmul.f32 v58, v3  }
0xd8: {  	[tilespmem:s30+$0x20] =	vst v57;
	v60 =	vmul.f32 v59, v3;
	v61 =	vunpack.i.u.bf16.f32 v53  }
0xd9: {  	[tilespmem:s28+$0x30] =	vst v2;
	v62 =	vunpack.i.l.bf16.f32 v53;
	v1 =	vmul.f32 v61, v4  }
0xda: {  	[tilespmem:s28+$0x20] =	vst v60;
	v63 =	vmul.f32 v62, v4  }
0xdb: {  	[tilespmem:s5+$0x30] =	vst v1  }
0xdc: {  	s17 =	simm.s32 $0x173E0;
	s19 =	simm.s32 $0x1C4D0;
	[tilespmem:s5+$0x20] =	vst v63  }
0xdd: {  	[spmem:s3] =	stream.indirect.scatter.add.f32 [tilespmem:s19], [sflag:$0xC], $0x80, s17, s26, $0xb8;
	[tilespmem:$0x1ECD0] =	vst v63  }
0xde: {  	s21 =	simm.s32 $0x13970;
	s20 =	simm.s32 $0x188D0  }
0xdf: {  	[tilespmem:s20], [sflag:$0x2] =	stream.indirect.gather [hbm4b:s1+s26], $0x40, s21, s26, $0xb8;
	[tilespmem:$0x1ECD0] =	vst v63  }
0xe0: {  	s29 =	simm.s32 $0x17480;
	s15 =	simm.s32 $0x0;
	s28 =	rddreg [dreg:$0xd]  }
0xe1: {  	[tilespmem:s29], [sflag:$0x6] =	stream.linear.gather [hbm4b:s28+s15], $0x50, $0x38;
	[tilespmem:$0x1ECD0] =	vst v63  }
0xe2: {  	s31 =	simm.s32 $0x16E90;
	s30 =	rddreg [dreg:$0xe]  }
0xe3: {  	[tilespmem:s31], [sflag:$0xA] =	stream.linear.gather [hbm4b:s30+s15], $0x500, $0x38;
	[tilespmem:$0x1ECD0] =	vst v63  }
.LBB2_6:
0xe4: {  	_ =	swait.ge [sflag:s24], $0x1400  }
0xe5: {  	[sflag:s24] =	ssyncset.done $0x0  }
0xe6: {  	[sflag:s24] =	ssyncadd.s32 $0xFFFFEC00  }
0xe7: {  	_ =	swait.ge [sflag:s22], $0x50  }
0xe8: {  	[sflag:s22] =	ssyncset.done $0x0  }
0xe9: {  	[sflag:s22] =	ssyncadd.s32 $0xFFFFFFB0  }
0xea: {  	_ =	swait.ge [sflag:s23], $0x500  }
0xeb: {  	[sflag:s23] =	ssyncset.done $0x0  }
0xec: {  	[sflag:s23] =	ssyncadd.s32 $0xFFFFFB00  }
0xed: {  	_ =	swait.ge [sflag:s12], $0x2800  }
0xee: {  	[sflag:s12] =	ssyncset.done $0x0  }
0xef: {  	s5 =	simm.s32 $0x174F0;
	[sflag:s12] =	ssyncadd.s32 $0xFFFFD800  }
0xf0: {  	s2 =	simm.s32 $0x0;
	v1 =	vld [tilespmem:s5+$0xFFFFFFE0]  }
0xf1: {  	v0 =	vld [tilespmem:s2+$0x16990];
	_ =	sdelay $0x3  }
0xf2: {  	v2 =	vunpack.i.l.bf16.f32 v1  }
0xf3: {  	v1 =	vunpack.i.u.bf16.f32 v1;
	v2 =	vmul.f32 v2, v0  }
0xf4: {  	s21 =	simm.s32 $0x19D10;
	s2 =	simm.s32 $0x17530;
	v3 =	vmul.f32 v1, v0  }
0xf5: {  	s11 =	simm.s32 $0x10;
	v4 =	vld [tilespmem:s2+$0xFFFFFFE0];
	[tilespmem:s21+$0xFFFFFFC0] =	vst v2  }
0xf6: {  	v1 =	vld [tilespmem:s11+$0x16990];
	[tilespmem:s21+$0xFFFFFFD0] =	vst v3  }
0xf7: {  	v2 =	vld [tilespmem:s5+$0xFFFFFFF0];
	_ =	sdelay $0x2  }
0xf8: {  	v3 =	vunpack.i.l.bf16.f32 v4  }
0xf9: {  	v4 =	vunpack.i.u.bf16.f32 v4;
	v3 =	vmul.f32 v3, v1  }
0xfa: {  	s14 =	simm.s32 $0x17570;
	s30 =	simm.s32 $0x19D90;
	v4 =	vmul.f32 v4, v1;
	v5 =	vunpack.i.l.bf16.f32 v2  }
0xfb: {  	s19 =	simm.s32 $0x20;
	v6 =	vld [tilespmem:s14+$0xFFFFFFE0];
	[tilespmem:s30+$0xFFFFFFC0] =	vst v3;
	v3 =	vunpack.i.u.bf16.f32 v2;
	v5 =	vmul.f32 v5, v0  }
0xfc: {  	[tilespmem:s30+$0xFFFFFFD0] =	vst v4;
	v2 =	vld [tilespmem:s19+$0x16990];
	v3 =	vmul.f32 v3, v0  }
0xfd: {  	v4 =	vld [tilespmem:s2+$0xFFFFFFF0];
	[tilespmem:s21+$0xFFFFFFE0] =	vst v5  }
0xfe: {  	[tilespmem:s21+$0xFFFFFFF0] =	vst v3  }
0xff: {  	v5 =	vld [tilespmem:s5+$0x0]  }
0x100: {  	v3 =	vunpack.i.l.bf16.f32 v6  }
0x101: {  	v6 =	vunpack.i.u.bf16.f32 v6;
	v3 =	vmul.f32 v3, v2  }
0x102: {  	s31 =	simm.s32 $0x19E10;
	s19 =	simm.s32 $0x175B0;
	v6 =	vmul.f32 v6, v2;
	v7 =	vunpack.i.l.bf16.f32 v4  }
0x103: {  	s20 =	simm.s32 $0x30;
	v8 =	vld [tilespmem:s19+$0xFFFFFFE0];
	v4 =	vunpack.i.u.bf16.f32 v4;
	v7 =	vmul.f32 v7, v1;
	[tilespmem:s31+$0xFFFFFFC0] =	vst v3  }
0x104: {  	v4 =	vmul.f32 v4, v1;
	v3 =	vld [tilespmem:s20+$0x16990];
	[tilespmem:s31+$0xFFFFFFD0] =	vst v6;
	v6 =	vunpack.i.l.bf16.f32 v5  }
0x105: {  	v9 =	vld [tilespmem:s14+$0xFFFFFFF0];
	[tilespmem:s30+$0xFFFFFFE0] =	vst v7;
	v5 =	vunpack.i.u.bf16.f32 v5;
	v6 =	vmul.f32 v6, v0  }
0x106: {  	[tilespmem:s30+$0xFFFFFFF0] =	vst v4;
	v4 =	vmul.f32 v5, v0  }
0x107: {  	v5 =	vld [tilespmem:s2+$0x0];
	[tilespmem:s21+$0x0] =	vst v6  }
0x108: {  	v6 =	vunpack.i.l.bf16.f32 v8;
	[tilespmem:s21+$0x10] =	vst v4  }
0x109: {  	v4 =	vunpack.i.u.bf16.f32 v8;
	v6 =	vmul.f32 v6, v3;
	v11 =	vld [tilespmem:s5+$0x10]  }
0x10a: {  	s11 =	simm.s32 $0x19E90;
	s20 =	simm.s32 $0x175F0;
	v4 =	vmul.f32 v4, v3;
	v7 =	vunpack.i.l.bf16.f32 v9  }
0x10b: {  	s29 =	simm.s32 $0x40;
	v8 =	vld [tilespmem:s20+$0xFFFFFFE0];
	v7 =	vmul.f32 v7, v2;
	[tilespmem:s11+$0xFFFFFFC0] =	vst v6;
	v6 =	vunpack.i.u.bf16.f32 v9  }
0x10c: {  	[tilespmem:s11+$0xFFFFFFD0] =	vst v4;
	v9 =	vunpack.i.l.bf16.f32 v5;
	v4 =	vld [tilespmem:s29+$0x16990];
	v6 =	vmul.f32 v6, v2  }
0x10d: {  	[tilespmem:s31+$0xFFFFFFE0] =	vst v7;
	v7 =	vunpack.i.u.bf16.f32 v5;
	v10 =	vmul.f32 v9, v1;
	v5 =	vld [tilespmem:s19+$0xFFFFFFF0]  }
0x10e: {  	s28 =	simm.s32 $0x19E90;
	s5 =	simm.s32 $0x140;
	v9 =	vmul.f32 v7, v1;
	[tilespmem:s31+$0xFFFFFFF0] =	vst v6;
	v7 =	vunpack.i.u.bf16.f32 v11;
	v6 =	vunpack.i.l.bf16.f32 v11  }
.LBB2_7:
0x10f: {  	p0 =	sne.s32 s5, $0x13C0;
	v11 =	vld [tilespmem:s14+$0x0];
	[tilespmem:s30+$0x0] =	vst v10;
	v6 =	vmul.f32 v6, v0;
	v7 =	vmul.f32 v7, v0;
	v0 =	vmovc v1;
	v1 =	vmov v2  }
0x110: {  	v2 =	vmov v3;
	v10 =	vunpack.i.l.bf16.f32 v8;
	[tilespmem:s30+$0x10] =	vst v9  }
0x111: {  	v8 =	vunpack.i.u.bf16.f32 v8;
	v9 =	vmul.f32 v10, v4;
	v12 =	vld [tilespmem:s2+$0x10];
	[tilespmem:s21+$0x30] =	vst v7;
	v3 =	vmov v4;
	s2 =	smov.u32 s14;
	s14 =	smov.u32 s19;
	s19 =	smov.u32 s20  }
.Ltmp2:
0x112: {  	s11 =	sadd.s32 $0x80, s11;
	s20 =	sadd.s32 $0x40, s20;
	v7 =	vmul.f32 v8, v3;
	v4 =	vunpack.i.l.bf16.f32 v5;
	[tilespmem:s21+$0x20] =	vst v6;
	(pc) =	sbr.rel @p0 .LBB2_7-.Ltmp2, $4  }
0x113: {  	s29 =	sshra.s32 s5, $0x2;
	v5 =	vunpack.i.u.bf16.f32 v5;
	s21 =	smov.u32 s30;
	s30 =	smov.u32 s31;
	v8 =	vld [tilespmem:s20+$0xFFFFFFE0];
	[tilespmem:s11+$0xFFFFFFC0] =	vst v9;
	v6 =	vmul.f32 v4, v2  }
0x114: {  	s31 =	smov.u32 s28;
	s28 =	smov.u32 s11;
	v4 =	vld [tilespmem:s29+$0x16990];
	[tilespmem:s11+$0xFFFFFFD0] =	vst v7;
	v7 =	vmul.f32 v5, v2;
	v9 =	vunpack.i.l.bf16.f32 v11  }
0x115: {  	v5 =	vld [tilespmem:s19+$0xFFFFFFF0];
	[tilespmem:s31+$0xFFFFFFE0] =	vst v6;
	v6 =	vunpack.i.u.bf16.f32 v11;
	v10 =	vmul.f32 v9, v1  }
0x116: {  	s5 =	sadd.s32 $0x40, s5;
	[tilespmem:s31+$0xFFFFFFF0] =	vst v7;
	v9 =	vmul.f32 v6, v1;
	v7 =	vunpack.i.u.bf16.f32 v12;
	v6 =	vunpack.i.l.bf16.f32 v12  }
0x117: {  	_ = 	snop  }
0x118: {  	v11 =	vunpack.i.l.bf16.f32 v8  }
0x119: {  	v8 =	vunpack.i.u.bf16.f32 v8;
	v11 =	vmul.f32 v11, v4  }
0x11a: {  	s5 =	sadd.s32 $0x80, s11;
	v8 =	vmul.f32 v8, v4  }
0x11b: {  	[tilespmem:s5+$0xFFFFFFC0] =	vst v11  }
0x11c: {  	[tilespmem:s5+$0xFFFFFFD0] =	vst v8  }
0x11d: {  	v8 =	vld [tilespmem:s20+$0xFFFFFFF0];
	_ =	sdelay $0x2  }
0x11e: {  	v11 =	vunpack.i.l.bf16.f32 v5  }
0x11f: {  	v5 =	vunpack.i.u.bf16.f32 v5;
	v11 =	vmul.f32 v11, v3  }
0x120: {  	v5 =	vmul.f32 v5, v3;
	v12 =	vunpack.i.l.bf16.f32 v8  }
0x121: {  	[tilespmem:s28+$0xFFFFFFE0] =	vst v11;
	v11 =	vld [tilespmem:s14+$0x0];
	v8 =	vunpack.i.u.bf16.f32 v8;
	v12 =	vmul.f32 v12, v4  }
0x122: {  	[tilespmem:s28+$0xFFFFFFF0] =	vst v5;
	v5 =	vmul.f32 v8, v4  }
0x123: {  	v8 =	vld [tilespmem:s19+$0x0];
	[tilespmem:s5+$0xFFFFFFE0] =	vst v12  }
0x124: {  	[tilespmem:s5+$0xFFFFFFF0] =	vst v5  }
0x125: {  	v5 =	vld [tilespmem:s20+$0x0]  }
0x126: {  	v63 =	vunpack.i.l.bf16.f32 v11  }
0x127: {  	[tilespmem:s30+$0x0] =	vst v10;
	v10 =	vunpack.i.u.bf16.f32 v11;
	v11 =	vmul.f32 v63, v2  }
0x128: {  	[tilespmem:s30+$0x10] =	vst v9;
	v9 =	vmul.f32 v10, v2;
	v10 =	vunpack.i.l.bf16.f32 v8  }
0x129: {  	[tilespmem:s31+$0x0] =	vst v11;
	v11 =	vld [tilespmem:s2+$0x10];
	v8 =	vunpack.i.u.bf16.f32 v8;
	v10 =	vmul.f32 v10, v3  }
0x12a: {  	[tilespmem:s31+$0x10] =	vst v9;
	v8 =	vmul.f32 v8, v3;
	v9 =	vunpack.i.l.bf16.f32 v5  }
0x12b: {  	[tilespmem:s28+$0x0] =	vst v10;
	v10 =	vld [tilespmem:s14+$0x10];
	v5 =	vunpack.i.u.bf16.f32 v5;
	v9 =	vmul.f32 v9, v4  }
0x12c: {  	[tilespmem:s28+$0x10] =	vst v8;
	v5 =	vmul.f32 v5, v4  }
0x12d: {  	v7 =	vmul.f32 v7, v0;
	v8 =	vld [tilespmem:s19+$0x10];
	[tilespmem:s5+$0x0] =	vst v9  }
0x12e: {  	v0 =	vmul.f32 v6, v0;
	v6 =	vunpack.i.u.bf16.f32 v11;
	[tilespmem:s5+$0x10] =	vst v5  }
0x12f: {  	[tilespmem:s21+$0x30] =	vst v7;
	v6 =	vmul.f32 v6, v1;
	v5 =	vunpack.i.l.bf16.f32 v11;
	v7 =	vld [tilespmem:s20+$0x10]  }
0x130: {  	[tilespmem:s21+$0x20] =	vst v0;
	v0 =	vmul.f32 v5, v1;
	v1 =	vunpack.i.u.bf16.f32 v10  }
0x131: {  	[tilespmem:s30+$0x30] =	vst v6;
	v5 =	vunpack.i.l.bf16.f32 v10;
	v1 =	vmul.f32 v1, v2  }
0x132: {  	[tilespmem:s30+$0x20] =	vst v0;
	v0 =	vmul.f32 v5, v2;
	v2 =	vunpack.i.u.bf16.f32 v8  }
0x133: {  	v2 =	vmul.f32 v2, v3;
	[tilespmem:s31+$0x30] =	vst v1;
	v1 =	vunpack.i.l.bf16.f32 v8  }
0x134: {  	[tilespmem:s31+$0x20] =	vst v0;
	v0 =	vmul.f32 v1, v3;
	v1 =	vunpack.i.u.bf16.f32 v7  }
0x135: {  	[tilespmem:s28+$0x30] =	vst v2;
	v2 =	vunpack.i.l.bf16.f32 v7;
	v1 =	vmul.f32 v1, v4  }
0x136: {  	s21 =	sshll.u32 s15, $0x2;
	[tilespmem:s28+$0x20] =	vst v0;
	v0 =	vmul.f32 v2, v4  }
0x137: {  	s17 =	simm.s32 $0x17430;
	s2 =	sadd.s32 $0x4, s21;
	[tilespmem:s5+$0x30] =	vst v1  }
0x138: {  	s14 =	simm.s32 $0x19CD0;
	s20 =	simm.s32 $0x174D0;
	[tilespmem:s5+$0x20] =	vst v0;
	s5 =	smul.u32 $0x50, s2  }
0x139: {  	[spmem:s3] =	stream.indirect.scatter.add.f32 [tilespmem:s14], [sflag:$0xB], $0x80, s17, s26, $0xb8;
	[tilespmem:$0x1ECD0] =	vst v63  }
0x13a: {  	s2 =	smul.u32 $0x500, s2;
	s19 =	sadd.s32 $0x13880, s5;
	s5 =	sadd.s32 s4, s5  }
0x13b: {  	[tilespmem:s20], [sflag:$0x1] =	stream.indirect.gather [hbm4b:s1+s26], $0x40, s19, s26, $0xb8;
	[tilespmem:$0x1ECD0] =	vst v63  }
0x13c: {  	s2 =	sadd.s32 s8, s2;
	s5 =	sshrl.u32 s5, $0x3  }
0x13d: {  	s17 =	simm.s32 $0x0;
	s2 =	sshrl.u32 s2, $0x3;
	s5 =	sadd.s32 s6, s5  }
0x13e: {  	[tilespmem:s18], [sflag:$0x3] =	stream.linear.gather [hbm4b:s5+s17], $0x50, $0x38;
	[tilespmem:$0x1ECD0] =	vst v63  }
0x13f: {  	s19 =	simm.s32 $0x15F90;
	s2 =	sadd.s32 s7, s2  }
0x140: {  	[tilespmem:s19], [sflag:$0x7] =	stream.linear.gather [hbm4b:s2+s17], $0x500, $0x38;
	[tilespmem:$0x1ECD0] =	vst v63  }
0x141: {  	_ =	swait.ge [sflag:s16], $0x1400  }
0x142: {  	[sflag:s16] =	ssyncset.done $0x0  }
0x143: {  	[sflag:s16] =	ssyncadd.s32 $0xFFFFEC00  }
0x144: {  	_ =	swait.ge [sflag:s13], $0x50  }
0x145: {  	[sflag:s13] =	ssyncset.done $0x0  }
0x146: {  	[sflag:s13] =	ssyncadd.s32 $0xFFFFFFB0  }
0x147: {  	_ =	swait.ge [sflag:s25], $0x500  }
0x148: {  	[sflag:s25] =	ssyncset.done $0x0  }
0x149: {  	[sflag:s25] =	ssyncadd.s32 $0xFFFFFB00  }
0x14a: {  	_ =	swait.ge [sflag:s0], $0x2800  }
0x14b: {  	[sflag:s0] =	ssyncset.done $0x0  }
0x14c: {  	s5 =	simm.s32 $0x188F0;
	[sflag:s0] =	ssyncadd.s32 $0xFFFFD800  }
0x14d: {  	s20 =	simm.s32 $0x0;
	v1 =	vld [tilespmem:s5+$0xFFFFFFE0]  }
0x14e: {  	v0 =	vld [tilespmem:s20+$0x16E90];
	_ =	sdelay $0x3  }
0x14f: {  	v2 =	vunpack.i.l.bf16.f32 v1  }
0x150: {  	v1 =	vunpack.i.u.bf16.f32 v1;
	v2 =	vmul.f32 v2, v0  }
0x151: {  	s30 =	simm.s32 $0x1C510;
	s31 =	simm.s32 $0x18930;
	v3 =	vmul.f32 v1, v0  }
0x152: {  	s11 =	simm.s32 $0x10;
	v4 =	vld [tilespmem:s31+$0xFFFFFFE0];
	[tilespmem:s30+$0xFFFFFFC0] =	vst v2  }
0x153: {  	v1 =	vld [tilespmem:s11+$0x16E90];
	[tilespmem:s30+$0xFFFFFFD0] =	vst v3  }
0x154: {  	v2 =	vld [tilespmem:s5+$0xFFFFFFF0];
	_ =	sdelay $0x2  }
0x155: {  	v3 =	vunpack.i.l.bf16.f32 v4  }
0x156: {  	v4 =	vunpack.i.u.bf16.f32 v4;
	v3 =	vmul.f32 v3, v1  }
0x157: {  	s19 =	simm.s32 $0x18970;
	s2 =	simm.s32 $0x1C590;
	v4 =	vmul.f32 v4, v1;
	v5 =	vunpack.i.l.bf16.f32 v2  }
0x158: {  	s14 =	simm.s32 $0x20;
	v6 =	vld [tilespmem:s19+$0xFFFFFFE0];
	[tilespmem:s2+$0xFFFFFFC0] =	vst v3;
	v3 =	vunpack.i.u.bf16.f32 v2;
	v5 =	vmul.f32 v5, v0  }
0x159: {  	[tilespmem:s2+$0xFFFFFFD0] =	vst v4;
	v2 =	vld [tilespmem:s14+$0x16E90];
	v3 =	vmul.f32 v3, v0  }
0x15a: {  	v4 =	vld [tilespmem:s31+$0xFFFFFFF0];
	[tilespmem:s30+$0xFFFFFFE0] =	vst v5  }
0x15b: {  	[tilespmem:s30+$0xFFFFFFF0] =	vst v3  }
0x15c: {  	v5 =	vld [tilespmem:s5+$0x0]  }
0x15d: {  	v3 =	vunpack.i.l.bf16.f32 v6  }
0x15e: {  	v6 =	vunpack.i.u.bf16.f32 v6;
	v3 =	vmul.f32 v3, v2  }
0x15f: {  	s20 =	simm.s32 $0x189B0;
	s14 =	simm.s32 $0x1C610;
	v6 =	vmul.f32 v6, v2;
	v7 =	vunpack.i.l.bf16.f32 v4  }
0x160: {  	s17 =	simm.s32 $0x30;
	v8 =	vld [tilespmem:s20+$0xFFFFFFE0];
	v4 =	vunpack.i.u.bf16.f32 v4;
	v7 =	vmul.f32 v7, v1;
	[tilespmem:s14+$0xFFFFFFC0] =	vst v3  }
0x161: {  	v4 =	vmul.f32 v4, v1;
	v3 =	vld [tilespmem:s17+$0x16E90];
	[tilespmem:s14+$0xFFFFFFD0] =	vst v6;
	v6 =	vunpack.i.l.bf16.f32 v5  }
0x162: {  	v9 =	vld [tilespmem:s19+$0xFFFFFFF0];
	[tilespmem:s2+$0xFFFFFFE0] =	vst v7;
	v5 =	vunpack.i.u.bf16.f32 v5;
	v6 =	vmul.f32 v6, v0  }
0x163: {  	[tilespmem:s2+$0xFFFFFFF0] =	vst v4;
	v4 =	vmul.f32 v5, v0  }
0x164: {  	v5 =	vld [tilespmem:s31+$0x0];
	[tilespmem:s30+$0x0] =	vst v6  }
0x165: {  	v6 =	vunpack.i.l.bf16.f32 v8;
	[tilespmem:s30+$0x10] =	vst v4  }
0x166: {  	v4 =	vunpack.i.u.bf16.f32 v8;
	v6 =	vmul.f32 v6, v3;
	v11 =	vld [tilespmem:s5+$0x10]  }
0x167: {  	s28 =	simm.s32 $0x189F0;
	v4 =	vmul.f32 v4, v3;
	v7 =	vunpack.i.l.bf16.f32 v9;
	s5 =	simm.s32 $0x1C690  }
0x168: {  	s17 =	simm.s32 $0x40;
	v8 =	vld [tilespmem:s28+$0xFFFFFFE0];
	v7 =	vmul.f32 v7, v2;
	[tilespmem:s5+$0xFFFFFFC0] =	vst v6;
	v6 =	vunpack.i.u.bf16.f32 v9  }
0x169: {  	[tilespmem:s5+$0xFFFFFFD0] =	vst v4;
	v9 =	vunpack.i.l.bf16.f32 v5;
	v4 =	vld [tilespmem:s17+$0x16E90];
	v6 =	vmul.f32 v6, v2  }
0x16a: {  	[tilespmem:s14+$0xFFFFFFE0] =	vst v7;
	v7 =	vunpack.i.u.bf16.f32 v5;
	v10 =	vmul.f32 v9, v1;
	v5 =	vld [tilespmem:s20+$0xFFFFFFF0]  }
0x16b: {  	s29 =	simm.s32 $0x140;
	s11 =	simm.s32 $0x1C690;
	v9 =	vmul.f32 v7, v1;
	[tilespmem:s14+$0xFFFFFFF0] =	vst v6;
	v7 =	vunpack.i.u.bf16.f32 v11;
	v6 =	vunpack.i.l.bf16.f32 v11  }
.LBB2_9:
0x16c: {  	p0 =	sne.s32 s29, $0x13C0;
	v11 =	vld [tilespmem:s19+$0x0];
	[tilespmem:s2+$0x0] =	vst v10;
	v6 =	vmul.f32 v6, v0;
	v7 =	vmul.f32 v7, v0;
	v0 =	vmovc v1;
	v1 =	vmov v2  }
0x16d: {  	v2 =	vmov v3;
	v10 =	vunpack.i.l.bf16.f32 v8;
	[tilespmem:s2+$0x10] =	vst v9  }
0x16e: {  	v8 =	vunpack.i.u.bf16.f32 v8;
	v9 =	vmul.f32 v10, v4;
	v12 =	vld [tilespmem:s31+$0x10];
	[tilespmem:s30+$0x30] =	vst v7;
	v3 =	vmov v4;
	s31 =	smov.u32 s19;
	s19 =	smov.u32 s20;
	s20 =	smov.u32 s28  }
.Ltmp3:
0x16f: {  	s5 =	sadd.s32 $0x80, s5;
	s28 =	sadd.s32 $0x40, s28;
	v7 =	vmul.f32 v8, v3;
	v4 =	vunpack.i.l.bf16.f32 v5;
	[tilespmem:s30+$0x20] =	vst v6;
	(pc) =	sbr.rel @p0 .LBB2_9-.Ltmp3, $4  }
0x170: {  	s17 =	sshra.s32 s29, $0x2;
	v5 =	vunpack.i.u.bf16.f32 v5;
	s30 =	smov.u32 s2;
	s2 =	smov.u32 s14;
	v8 =	vld [tilespmem:s28+$0xFFFFFFE0];
	[tilespmem:s5+$0xFFFFFFC0] =	vst v9;
	v6 =	vmul.f32 v4, v2  }
0x171: {  	s14 =	smov.u32 s11;
	s11 =	smov.u32 s5;
	v4 =	vld [tilespmem:s17+$0x16E90];
	[tilespmem:s5+$0xFFFFFFD0] =	vst v7;
	v7 =	vmul.f32 v5, v2;
	v9 =	vunpack.i.l.bf16.f32 v11  }
0x172: {  	v5 =	vld [tilespmem:s20+$0xFFFFFFF0];
	[tilespmem:s14+$0xFFFFFFE0] =	vst v6;
	v6 =	vunpack.i.u.bf16.f32 v11;
	v10 =	vmul.f32 v9, v1  }
0x173: {  	s29 =	sadd.s32 $0x40, s29;
	[tilespmem:s14+$0xFFFFFFF0] =	vst v7;
	v9 =	vmul.f32 v6, v1;
	v7 =	vunpack.i.u.bf16.f32 v12;
	v6 =	vunpack.i.l.bf16.f32 v12  }
0x174: {  	_ = 	snop  }
0x175: {  	v11 =	vunpack.i.l.bf16.f32 v8  }
0x176: {  	v8 =	vunpack.i.u.bf16.f32 v8;
	v11 =	vmul.f32 v11, v4  }
0x177: {  	s5 =	sadd.s32 $0x80, s5;
	v8 =	vmul.f32 v8, v4  }
0x178: {  	[tilespmem:s5+$0xFFFFFFC0] =	vst v11  }
0x179: {  	[tilespmem:s5+$0xFFFFFFD0] =	vst v8  }
0x17a: {  	v8 =	vld [tilespmem:s28+$0xFFFFFFF0];
	_ =	sdelay $0x2  }
0x17b: {  	v11 =	vunpack.i.l.bf16.f32 v5  }
0x17c: {  	v5 =	vunpack.i.u.bf16.f32 v5;
	v11 =	vmul.f32 v11, v3  }
0x17d: {  	v5 =	vmul.f32 v5, v3;
	v12 =	vunpack.i.l.bf16.f32 v8  }
0x17e: {  	[tilespmem:s11+$0xFFFFFFE0] =	vst v11;
	v11 =	vld [tilespmem:s19+$0x0];
	v8 =	vunpack.i.u.bf16.f32 v8;
	v12 =	vmul.f32 v12, v4  }
0x17f: {  	[tilespmem:s11+$0xFFFFFFF0] =	vst v5;
	v5 =	vmul.f32 v8, v4  }
0x180: {  	v8 =	vld [tilespmem:s20+$0x0];
	[tilespmem:s5+$0xFFFFFFE0] =	vst v12  }
0x181: {  	[tilespmem:s5+$0xFFFFFFF0] =	vst v5  }
0x182: {  	v5 =	vld [tilespmem:s28+$0x0]  }
0x183: {  	v63 =	vunpack.i.l.bf16.f32 v11  }
0x184: {  	[tilespmem:s2+$0x0] =	vst v10;
	v10 =	vunpack.i.u.bf16.f32 v11;
	v11 =	vmul.f32 v63, v2  }
0x185: {  	[tilespmem:s2+$0x10] =	vst v9;
	v9 =	vmul.f32 v10, v2;
	v10 =	vunpack.i.l.bf16.f32 v8  }
0x186: {  	[tilespmem:s14+$0x0] =	vst v11;
	v11 =	vld [tilespmem:s31+$0x10];
	v8 =	vunpack.i.u.bf16.f32 v8;
	v10 =	vmul.f32 v10, v3  }
0x187: {  	[tilespmem:s14+$0x10] =	vst v9;
	v8 =	vmul.f32 v8, v3;
	v9 =	vunpack.i.l.bf16.f32 v5  }
0x188: {  	[tilespmem:s11+$0x0] =	vst v10;
	v10 =	vld [tilespmem:s19+$0x10];
	v5 =	vunpack.i.u.bf16.f32 v5;
	v9 =	vmul.f32 v9, v4  }
0x189: {  	[tilespmem:s11+$0x10] =	vst v8;
	v5 =	vmul.f32 v5, v4  }
0x18a: {  	v7 =	vmul.f32 v7, v0;
	v8 =	vld [tilespmem:s20+$0x10];
	[tilespmem:s5+$0x0] =	vst v9  }
0x18b: {  	v0 =	vmul.f32 v6, v0;
	v6 =	vunpack.i.u.bf16.f32 v11;
	[tilespmem:s5+$0x10] =	vst v5  }
0x18c: {  	[tilespmem:s30+$0x30] =	vst v7;
	v6 =	vmul.f32 v6, v1;
	v5 =	vunpack.i.l.bf16.f32 v11;
	v7 =	vld [tilespmem:s28+$0x10]  }
0x18d: {  	[tilespmem:s30+$0x20] =	vst v0;
	v0 =	vmul.f32 v5, v1;
	v1 =	vunpack.i.u.bf16.f32 v10  }
0x18e: {  	[tilespmem:s2+$0x30] =	vst v6;
	v5 =	vunpack.i.l.bf16.f32 v10;
	v1 =	vmul.f32 v1, v2  }
0x18f: {  	[tilespmem:s2+$0x20] =	vst v0;
	v0 =	vmul.f32 v5, v2;
	v2 =	vunpack.i.u.bf16.f32 v8  }
0x190: {  	v2 =	vmul.f32 v2, v3;
	[tilespmem:s14+$0x30] =	vst v1;
	v1 =	vunpack.i.l.bf16.f32 v8  }
0x191: {  	[tilespmem:s14+$0x20] =	vst v0;
	v0 =	vmul.f32 v1, v3;
	v1 =	vunpack.i.u.bf16.f32 v7  }
0x192: {  	[tilespmem:s11+$0x30] =	vst v2;
	v2 =	vunpack.i.l.bf16.f32 v7;
	v1 =	vmul.f32 v1, v4  }
0x193: {  	[tilespmem:s11+$0x20] =	vst v0;
	v0 =	vmul.f32 v2, v4  }
0x194: {  	s2 =	sadd.s32 $0x5, s21;
	[tilespmem:s5+$0x30] =	vst v1  }
0x195: {  	[tilespmem:s5+$0x20] =	vst v0;
	s5 =	smul.u32 $0x50, s2  }
0x196: {  	s19 =	simm.s32 $0x1C4D0;
	s20 =	simm.s32 $0x17480;
	s2 =	smul.u32 $0x500, s2  }
0x197: {  	[spmem:s3] =	stream.indirect.scatter.add.f32 [tilespmem:s19], [sflag:$0xC], $0x80, s20, s26, $0xb8;
	[tilespmem:$0x1ECD0] =	vst v63  }
0x198: {  	s19 =	simm.s32 $0x188D0;
	s17 =	sadd.s32 $0x13880, s5;
	s5 =	sadd.s32 s4, s5  }
0x199: {  	[tilespmem:s19], [sflag:$0x2] =	stream.indirect.gather [hbm4b:s1+s26], $0x40, s17, s26, $0xb8;
	[tilespmem:$0x1ECD0] =	vst v63  }
0x19a: {  	s20 =	simm.s32 $0x0;
	s2 =	sadd.s32 s8, s2;
	s5 =	sshrl.u32 s5, $0x3  }
0x19b: {  	s17 =	simm.s32 $0x173E0;
	s2 =	sshrl.u32 s2, $0x3;
	s5 =	sadd.s32 s6, s5  }
0x19c: {  	[tilespmem:s17], [sflag:$0x4] =	stream.linear.gather [hbm4b:s5+s20], $0x50, $0x38;
	[tilespmem:$0x1ECD0] =	vst v63  }
0x19d: {  	s19 =	simm.s32 $0x16490;
	s2 =	sadd.s32 s7, s2  }
0x19e: {  	[tilespmem:s19], [sflag:$0x8] =	stream.linear.gather [hbm4b:s2+s20], $0x500, $0x38;
	[tilespmem:$0x1ECD0] =	vst v63  }
0x19f: {  	_ =	swait.ge [sflag:s24], $0x1400  }
0x1a0: {  	[sflag:s24] =	ssyncset.done $0x0  }
0x1a1: {  	[sflag:s24] =	ssyncadd.s32 $0xFFFFEC00  }
0x1a2: {  	_ =	swait.ge [sflag:s9], $0x50  }
0x1a3: {  	[sflag:s9] =	ssyncset.done $0x0  }
0x1a4: {  	[sflag:s9] =	ssyncadd.s32 $0xFFFFFFB0  }
0x1a5: {  	_ =	swait.ge [sflag:s10], $0x500  }
0x1a6: {  	[sflag:s10] =	ssyncset.done $0x0  }
0x1a7: {  	[sflag:s10] =	ssyncadd.s32 $0xFFFFFB00  }
0x1a8: {  	_ =	swait.ge [sflag:s12], $0x2800  }
0x1a9: {  	[sflag:s12] =	ssyncset.done $0x0  }
0x1aa: {  	s5 =	simm.s32 $0x174F0;
	[sflag:s12] =	ssyncadd.s32 $0xFFFFD800  }
0x1ab: {  	s20 =	simm.s32 $0x0;
	v1 =	vld [tilespmem:s5+$0xFFFFFFE0]  }
0x1ac: {  	v0 =	vld [tilespmem:s20+$0x15F90];
	_ =	sdelay $0x3  }
0x1ad: {  	v2 =	vunpack.i.l.bf16.f32 v1  }
0x1ae: {  	v1 =	vunpack.i.u.bf16.f32 v1;
	v2 =	vmul.f32 v2, v0  }
0x1af: {  	s30 =	simm.s32 $0x19D10;
	s31 =	simm.s32 $0x17530;
	v3 =	vmul.f32 v1, v0  }
0x1b0: {  	s11 =	simm.s32 $0x10;
	v4 =	vld [tilespmem:s31+$0xFFFFFFE0];
	[tilespmem:s30+$0xFFFFFFC0] =	vst v2  }
0x1b1: {  	v1 =	vld [tilespmem:s11+$0x15F90];
	[tilespmem:s30+$0xFFFFFFD0] =	vst v3  }
0x1b2: {  	v2 =	vld [tilespmem:s5+$0xFFFFFFF0];
	_ =	sdelay $0x2  }
0x1b3: {  	v3 =	vunpack.i.l.bf16.f32 v4  }
0x1b4: {  	v4 =	vunpack.i.u.bf16.f32 v4;
	v3 =	vmul.f32 v3, v1  }
0x1b5: {  	s19 =	simm.s32 $0x17570;
	s2 =	simm.s32 $0x19D90;
	v4 =	vmul.f32 v4, v1;
	v5 =	vunpack.i.l.bf16.f32 v2  }
0x1b6: {  	s14 =	simm.s32 $0x20;
	v6 =	vld [tilespmem:s19+$0xFFFFFFE0];
	[tilespmem:s2+$0xFFFFFFC0] =	vst v3;
	v3 =	vunpack.i.u.bf16.f32 v2;
	v5 =	vmul.f32 v5, v0  }
0x1b7: {  	[tilespmem:s2+$0xFFFFFFD0] =	vst v4;
	v2 =	vld [tilespmem:s14+$0x15F90];
	v3 =	vmul.f32 v3, v0  }
0x1b8: {  	v4 =	vld [tilespmem:s31+$0xFFFFFFF0];
	[tilespmem:s30+$0xFFFFFFE0] =	vst v5  }
0x1b9: {  	[tilespmem:s30+$0xFFFFFFF0] =	vst v3  }
0x1ba: {  	v5 =	vld [tilespmem:s5+$0x0]  }
0x1bb: {  	v3 =	vunpack.i.l.bf16.f32 v6  }
0x1bc: {  	v6 =	vunpack.i.u.bf16.f32 v6;
	v3 =	vmul.f32 v3, v2  }
0x1bd: {  	s20 =	simm.s32 $0x175B0;
	s14 =	simm.s32 $0x19E10;
	v6 =	vmul.f32 v6, v2;
	v7 =	vunpack.i.l.bf16.f32 v4  }
0x1be: {  	s17 =	simm.s32 $0x30;
	v8 =	vld [tilespmem:s20+$0xFFFFFFE0];
	v4 =	vunpack.i.u.bf16.f32 v4;
	v7 =	vmul.f32 v7, v1;
	[tilespmem:s14+$0xFFFFFFC0] =	vst v3  }
0x1bf: {  	v4 =	vmul.f32 v4, v1;
	v3 =	vld [tilespmem:s17+$0x15F90];
	[tilespmem:s14+$0xFFFFFFD0] =	vst v6;
	v6 =	vunpack.i.l.bf16.f32 v5  }
0x1c0: {  	v9 =	vld [tilespmem:s19+$0xFFFFFFF0];
	[tilespmem:s2+$0xFFFFFFE0] =	vst v7;
	v5 =	vunpack.i.u.bf16.f32 v5;
	v6 =	vmul.f32 v6, v0  }
0x1c1: {  	[tilespmem:s2+$0xFFFFFFF0] =	vst v4;
	v4 =	vmul.f32 v5, v0  }
0x1c2: {  	v5 =	vld [tilespmem:s31+$0x0];
	[tilespmem:s30+$0x0] =	vst v6  }
0x1c3: {  	v6 =	vunpack.i.l.bf16.f32 v8;
	[tilespmem:s30+$0x10] =	vst v4  }
0x1c4: {  	v4 =	vunpack.i.u.bf16.f32 v8;
	v6 =	vmul.f32 v6, v3;
	v11 =	vld [tilespmem:s5+$0x10]  }
0x1c5: {  	s28 =	simm.s32 $0x175F0;
	v4 =	vmul.f32 v4, v3;
	v7 =	vunpack.i.l.bf16.f32 v9;
	s5 =	simm.s32 $0x19E90  }
0x1c6: {  	s17 =	simm.s32 $0x40;
	v8 =	vld [tilespmem:s28+$0xFFFFFFE0];
	v7 =	vmul.f32 v7, v2;
	[tilespmem:s5+$0xFFFFFFC0] =	vst v6;
	v6 =	vunpack.i.u.bf16.f32 v9  }
0x1c7: {  	[tilespmem:s5+$0xFFFFFFD0] =	vst v4;
	v9 =	vunpack.i.l.bf16.f32 v5;
	v4 =	vld [tilespmem:s17+$0x15F90];
	v6 =	vmul.f32 v6, v2  }
0x1c8: {  	[tilespmem:s14+$0xFFFFFFE0] =	vst v7;
	v7 =	vunpack.i.u.bf16.f32 v5;
	v10 =	vmul.f32 v9, v1;
	v5 =	vld [tilespmem:s20+$0xFFFFFFF0]  }
0x1c9: {  	s29 =	simm.s32 $0x140;
	s11 =	simm.s32 $0x19E90;
	v9 =	vmul.f32 v7, v1;
	[tilespmem:s14+$0xFFFFFFF0] =	vst v6;
	v7 =	vunpack.i.u.bf16.f32 v11;
	v6 =	vunpack.i.l.bf16.f32 v11  }
.LBB2_11:
0x1ca: {  	p0 =	sne.s32 s29, $0x13C0;
	v11 =	vld [tilespmem:s19+$0x0];
	[tilespmem:s2+$0x0] =	vst v10;
	v6 =	vmul.f32 v6, v0;
	v7 =	vmul.f32 v7, v0;
	v0 =	vmovc v1;
	v1 =	vmov v2  }
0x1cb: {  	v2 =	vmov v3;
	v10 =	vunpack.i.l.bf16.f32 v8;
	[tilespmem:s2+$0x10] =	vst v9  }
0x1cc: {  	v8 =	vunpack.i.u.bf16.f32 v8;
	v9 =	vmul.f32 v10, v4;
	v12 =	vld [tilespmem:s31+$0x10];
	[tilespmem:s30+$0x30] =	vst v7;
	v3 =	vmov v4;
	s31 =	smov.u32 s19;
	s19 =	smov.u32 s20;
	s20 =	smov.u32 s28  }
.Ltmp4:
0x1cd: {  	s5 =	sadd.s32 $0x80, s5;
	s28 =	sadd.s32 $0x40, s28;
	v7 =	vmul.f32 v8, v3;
	v4 =	vunpack.i.l.bf16.f32 v5;
	[tilespmem:s30+$0x20] =	vst v6;
	(pc) =	sbr.rel @p0 .LBB2_11-.Ltmp4, $4  }
0x1ce: {  	s17 =	sshra.s32 s29, $0x2;
	v5 =	vunpack.i.u.bf16.f32 v5;
	s30 =	smov.u32 s2;
	s2 =	smov.u32 s14;
	v8 =	vld [tilespmem:s28+$0xFFFFFFE0];
	[tilespmem:s5+$0xFFFFFFC0] =	vst v9;
	v6 =	vmul.f32 v4, v2  }
0x1cf: {  	s14 =	smov.u32 s11;
	s11 =	smov.u32 s5;
	v4 =	vld [tilespmem:s17+$0x15F90];
	[tilespmem:s5+$0xFFFFFFD0] =	vst v7;
	v7 =	vmul.f32 v5, v2;
	v9 =	vunpack.i.l.bf16.f32 v11  }
0x1d0: {  	v5 =	vld [tilespmem:s20+$0xFFFFFFF0];
	[tilespmem:s14+$0xFFFFFFE0] =	vst v6;
	v6 =	vunpack.i.u.bf16.f32 v11;
	v10 =	vmul.f32 v9, v1  }
0x1d1: {  	s29 =	sadd.s32 $0x40, s29;
	[tilespmem:s14+$0xFFFFFFF0] =	vst v7;
	v9 =	vmul.f32 v6, v1;
	v7 =	vunpack.i.u.bf16.f32 v12;
	v6 =	vunpack.i.l.bf16.f32 v12  }
0x1d2: {  	_ = 	snop  }
0x1d3: {  	v11 =	vunpack.i.l.bf16.f32 v8  }
0x1d4: {  	v8 =	vunpack.i.u.bf16.f32 v8;
	v11 =	vmul.f32 v11, v4  }
0x1d5: {  	s5 =	sadd.s32 $0x80, s5;
	v8 =	vmul.f32 v8, v4  }
0x1d6: {  	[tilespmem:s5+$0xFFFFFFC0] =	vst v11  }
0x1d7: {  	[tilespmem:s5+$0xFFFFFFD0] =	vst v8  }
0x1d8: {  	v8 =	vld [tilespmem:s28+$0xFFFFFFF0];
	_ =	sdelay $0x2  }
0x1d9: {  	v11 =	vunpack.i.l.bf16.f32 v5  }
0x1da: {  	v5 =	vunpack.i.u.bf16.f32 v5;
	v11 =	vmul.f32 v11, v3  }
0x1db: {  	v5 =	vmul.f32 v5, v3;
	v12 =	vunpack.i.l.bf16.f32 v8  }
0x1dc: {  	[tilespmem:s11+$0xFFFFFFE0] =	vst v11;
	v11 =	vld [tilespmem:s19+$0x0];
	v8 =	vunpack.i.u.bf16.f32 v8;
	v12 =	vmul.f32 v12, v4  }
0x1dd: {  	[tilespmem:s11+$0xFFFFFFF0] =	vst v5;
	v5 =	vmul.f32 v8, v4  }
0x1de: {  	v8 =	vld [tilespmem:s20+$0x0];
	[tilespmem:s5+$0xFFFFFFE0] =	vst v12  }
0x1df: {  	[tilespmem:s5+$0xFFFFFFF0] =	vst v5  }
0x1e0: {  	v5 =	vld [tilespmem:s28+$0x0]  }
0x1e1: {  	v63 =	vunpack.i.l.bf16.f32 v11  }
0x1e2: {  	[tilespmem:s2+$0x0] =	vst v10;
	v10 =	vunpack.i.u.bf16.f32 v11;
	v11 =	vmul.f32 v63, v2  }
0x1e3: {  	[tilespmem:s2+$0x10] =	vst v9;
	v9 =	vmul.f32 v10, v2;
	v10 =	vunpack.i.l.bf16.f32 v8  }
0x1e4: {  	[tilespmem:s14+$0x0] =	vst v11;
	v11 =	vld [tilespmem:s31+$0x10];
	v8 =	vunpack.i.u.bf16.f32 v8;
	v10 =	vmul.f32 v10, v3  }
0x1e5: {  	[tilespmem:s14+$0x10] =	vst v9;
	v8 =	vmul.f32 v8, v3;
	v9 =	vunpack.i.l.bf16.f32 v5  }
0x1e6: {  	[tilespmem:s11+$0x0] =	vst v10;
	v10 =	vld [tilespmem:s19+$0x10];
	v5 =	vunpack.i.u.bf16.f32 v5;
	v9 =	vmul.f32 v9, v4  }
0x1e7: {  	[tilespmem:s11+$0x10] =	vst v8;
	v5 =	vmul.f32 v5, v4  }
0x1e8: {  	v7 =	vmul.f32 v7, v0;
	v8 =	vld [tilespmem:s20+$0x10];
	[tilespmem:s5+$0x0] =	vst v9  }
0x1e9: {  	v0 =	vmul.f32 v6, v0;
	v6 =	vunpack.i.u.bf16.f32 v11;
	[tilespmem:s5+$0x10] =	vst v5  }
0x1ea: {  	[tilespmem:s30+$0x30] =	vst v7;
	v6 =	vmul.f32 v6, v1;
	v5 =	vunpack.i.l.bf16.f32 v11;
	v7 =	vld [tilespmem:s28+$0x10]  }
0x1eb: {  	[tilespmem:s30+$0x20] =	vst v0;
	v0 =	vmul.f32 v5, v1;
	v1 =	vunpack.i.u.bf16.f32 v10  }
0x1ec: {  	[tilespmem:s2+$0x30] =	vst v6;
	v5 =	vunpack.i.l.bf16.f32 v10;
	v1 =	vmul.f32 v1, v2  }
0x1ed: {  	[tilespmem:s2+$0x20] =	vst v0;
	v0 =	vmul.f32 v5, v2;
	v2 =	vunpack.i.u.bf16.f32 v8  }
0x1ee: {  	v2 =	vmul.f32 v2, v3;
	[tilespmem:s14+$0x30] =	vst v1;
	v1 =	vunpack.i.l.bf16.f32 v8  }
0x1ef: {  	s2 =	sadd.s32 $0x6, s21;
	[tilespmem:s14+$0x20] =	vst v0;
	v0 =	vmul.f32 v1, v3;
	v1 =	vunpack.i.u.bf16.f32 v7  }
0x1f0: {  	s19 =	smul.u32 $0x50, s2;
	[tilespmem:s11+$0x30] =	vst v2;
	v2 =	vunpack.i.l.bf16.f32 v7;
	v1 =	vmul.f32 v1, v4  }
0x1f1: {  	s2 =	smul.u32 $0x500, s2;
	[tilespmem:s11+$0x20] =	vst v0;
	v0 =	vmul.f32 v2, v4  }
0x1f2: {  	s17 =	simm.s32 $0x174D0;
	[tilespmem:s5+$0x30] =	vst v1  }
0x1f3: {  	s20 =	simm.s32 $0x19CD0;
	s2 =	sadd.s32 s8, s2;
	[tilespmem:s5+$0x20] =	vst v0;
	s5 =	sadd.s32 s4, s19  }
0x1f4: {  	[spmem:s3] =	stream.indirect.scatter.add.f32 [tilespmem:s20], [sflag:$0xB], $0x80, s18, s26, $0xb8;
	[tilespmem:$0x1ECD0] =	vst v63  }
0x1f5: {  	s14 =	sadd.s32 $0x13880, s19;
	s2 =	sshrl.u32 s2, $0x3;
	s5 =	sshrl.u32 s5, $0x3  }
0x1f6: {  	[tilespmem:s17], [sflag:$0x1] =	stream.indirect.gather [hbm4b:s1+s26], $0x40, s14, s26, $0xb8;
	[tilespmem:$0x1ECD0] =	vst v63  }
0x1f7: {  	s19 =	simm.s32 $0x0;
	s20 =	simm.s32 $0x17430;
	s5 =	sadd.s32 s6, s5  }
0x1f8: {  	[tilespmem:s20], [sflag:$0x5] =	stream.linear.gather [hbm4b:s5+s19], $0x50, $0x38;
	[tilespmem:$0x1ECD0] =	vst v63  }
0x1f9: {  	s2 =	sadd.s32 s7, s2;
	s14 =	simm.s32 $0x16990  }
0x1fa: {  	[tilespmem:s14], [sflag:$0x9] =	stream.linear.gather [hbm4b:s2+s19], $0x500, $0x38;
	[tilespmem:$0x1ECD0] =	vst v63  }
0x1fb: {  	_ =	swait.ge [sflag:s16], $0x1400  }
0x1fc: {  	[sflag:s16] =	ssyncset.done $0x0  }
0x1fd: {  	s17 =	simm.s32 $0x4;
	[sflag:s16] =	ssyncadd.s32 $0xFFFFEC00  }
0x1fe: {  	_ =	swait.ge [sflag:s17], $0x50  }
0x1ff: {  	[sflag:s17] =	ssyncset.done $0x0  }
0x200: {  	s19 =	simm.s32 $0x8;
	[sflag:s17] =	ssyncadd.s32 $0xFFFFFFB0  }
0x201: {  	_ =	swait.ge [sflag:s19], $0x500  }
0x202: {  	[sflag:s19] =	ssyncset.done $0x0  }
0x203: {  	[sflag:s19] =	ssyncadd.s32 $0xFFFFFB00  }
0x204: {  	_ =	swait.ge [sflag:s0], $0x2800  }
0x205: {  	[sflag:s0] =	ssyncset.done $0x0  }
0x206: {  	s5 =	simm.s32 $0x188F0;
	[sflag:s0] =	ssyncadd.s32 $0xFFFFD800  }
0x207: {  	s20 =	simm.s32 $0x0;
	v1 =	vld [tilespmem:s5+$0xFFFFFFE0]  }
0x208: {  	v0 =	vld [tilespmem:s20+$0x16490];
	_ =	sdelay $0x3  }
0x209: {  	v2 =	vunpack.i.l.bf16.f32 v1  }
0x20a: {  	v1 =	vunpack.i.u.bf16.f32 v1;
	v2 =	vmul.f32 v2, v0  }
0x20b: {  	s30 =	simm.s32 $0x1C510;
	s31 =	simm.s32 $0x18930;
	v3 =	vmul.f32 v1, v0  }
0x20c: {  	s11 =	simm.s32 $0x10;
	v4 =	vld [tilespmem:s31+$0xFFFFFFE0];
	[tilespmem:s30+$0xFFFFFFC0] =	vst v2  }
0x20d: {  	v1 =	vld [tilespmem:s11+$0x16490];
	[tilespmem:s30+$0xFFFFFFD0] =	vst v3  }
0x20e: {  	v2 =	vld [tilespmem:s5+$0xFFFFFFF0];
	_ =	sdelay $0x2  }
0x20f: {  	v3 =	vunpack.i.l.bf16.f32 v4  }
0x210: {  	v4 =	vunpack.i.u.bf16.f32 v4;
	v3 =	vmul.f32 v3, v1  }
0x211: {  	s2 =	simm.s32 $0x1C590;
	s19 =	simm.s32 $0x18970;
	v4 =	vmul.f32 v4, v1;
	v5 =	vunpack.i.l.bf16.f32 v2  }
0x212: {  	s14 =	simm.s32 $0x20;
	v6 =	vld [tilespmem:s19+$0xFFFFFFE0];
	[tilespmem:s2+$0xFFFFFFC0] =	vst v3;
	v3 =	vunpack.i.u.bf16.f32 v2;
	v5 =	vmul.f32 v5, v0  }
0x213: {  	[tilespmem:s2+$0xFFFFFFD0] =	vst v4;
	v2 =	vld [tilespmem:s14+$0x16490];
	v3 =	vmul.f32 v3, v0  }
0x214: {  	v4 =	vld [tilespmem:s31+$0xFFFFFFF0];
	[tilespmem:s30+$0xFFFFFFE0] =	vst v5  }
0x215: {  	[tilespmem:s30+$0xFFFFFFF0] =	vst v3  }
0x216: {  	v5 =	vld [tilespmem:s5+$0x0]  }
0x217: {  	v3 =	vunpack.i.l.bf16.f32 v6  }
0x218: {  	v6 =	vunpack.i.u.bf16.f32 v6;
	v3 =	vmul.f32 v3, v2  }
0x219: {  	s20 =	simm.s32 $0x189B0;
	s14 =	simm.s32 $0x1C610;
	v6 =	vmul.f32 v6, v2;
	v7 =	vunpack.i.l.bf16.f32 v4  }
0x21a: {  	s17 =	simm.s32 $0x30;
	v8 =	vld [tilespmem:s20+$0xFFFFFFE0];
	v4 =	vunpack.i.u.bf16.f32 v4;
	v7 =	vmul.f32 v7, v1;
	[tilespmem:s14+$0xFFFFFFC0] =	vst v3  }
0x21b: {  	v4 =	vmul.f32 v4, v1;
	v3 =	vld [tilespmem:s17+$0x16490];
	[tilespmem:s14+$0xFFFFFFD0] =	vst v6;
	v6 =	vunpack.i.l.bf16.f32 v5  }
0x21c: {  	v9 =	vld [tilespmem:s19+$0xFFFFFFF0];
	[tilespmem:s2+$0xFFFFFFE0] =	vst v7;
	v5 =	vunpack.i.u.bf16.f32 v5;
	v6 =	vmul.f32 v6, v0  }
0x21d: {  	[tilespmem:s2+$0xFFFFFFF0] =	vst v4;
	v4 =	vmul.f32 v5, v0  }
0x21e: {  	v5 =	vld [tilespmem:s31+$0x0];
	[tilespmem:s30+$0x0] =	vst v6  }
0x21f: {  	v6 =	vunpack.i.l.bf16.f32 v8;
	[tilespmem:s30+$0x10] =	vst v4  }
0x220: {  	v4 =	vunpack.i.u.bf16.f32 v8;
	v6 =	vmul.f32 v6, v3;
	v11 =	vld [tilespmem:s5+$0x10]  }
0x221: {  	s28 =	simm.s32 $0x189F0;
	v4 =	vmul.f32 v4, v3;
	v7 =	vunpack.i.l.bf16.f32 v9;
	s5 =	simm.s32 $0x1C690  }
0x222: {  	s17 =	simm.s32 $0x40;
	v8 =	vld [tilespmem:s28+$0xFFFFFFE0];
	v7 =	vmul.f32 v7, v2;
	[tilespmem:s5+$0xFFFFFFC0] =	vst v6;
	v6 =	vunpack.i.u.bf16.f32 v9  }
0x223: {  	[tilespmem:s5+$0xFFFFFFD0] =	vst v4;
	v9 =	vunpack.i.l.bf16.f32 v5;
	v4 =	vld [tilespmem:s17+$0x16490];
	v6 =	vmul.f32 v6, v2  }
0x224: {  	[tilespmem:s14+$0xFFFFFFE0] =	vst v7;
	v7 =	vunpack.i.u.bf16.f32 v5;
	v10 =	vmul.f32 v9, v1;
	v5 =	vld [tilespmem:s20+$0xFFFFFFF0]  }
0x225: {  	s29 =	simm.s32 $0x140;
	s11 =	simm.s32 $0x1C690;
	v9 =	vmul.f32 v7, v1;
	[tilespmem:s14+$0xFFFFFFF0] =	vst v6;
	v7 =	vunpack.i.u.bf16.f32 v11;
	v6 =	vunpack.i.l.bf16.f32 v11  }
.LBB2_13:
0x226: {  	p0 =	sne.s32 s29, $0x13C0;
	v11 =	vld [tilespmem:s19+$0x0];
	[tilespmem:s2+$0x0] =	vst v10;
	v6 =	vmul.f32 v6, v0;
	v7 =	vmul.f32 v7, v0;
	v0 =	vmovc v1;
	v1 =	vmov v2  }
0x227: {  	v2 =	vmov v3;
	v10 =	vunpack.i.l.bf16.f32 v8;
	[tilespmem:s2+$0x10] =	vst v9  }
0x228: {  	v8 =	vunpack.i.u.bf16.f32 v8;
	v9 =	vmul.f32 v10, v4;
	v12 =	vld [tilespmem:s31+$0x10];
	[tilespmem:s30+$0x30] =	vst v7;
	v3 =	vmov v4;
	s31 =	smov.u32 s19;
	s19 =	smov.u32 s20;
	s20 =	smov.u32 s28  }
.Ltmp5:
0x229: {  	s5 =	sadd.s32 $0x80, s5;
	s28 =	sadd.s32 $0x40, s28;
	v7 =	vmul.f32 v8, v3;
	v4 =	vunpack.i.l.bf16.f32 v5;
	[tilespmem:s30+$0x20] =	vst v6;
	(pc) =	sbr.rel @p0 .LBB2_13-.Ltmp5, $4  }
0x22a: {  	s17 =	sshra.s32 s29, $0x2;
	v5 =	vunpack.i.u.bf16.f32 v5;
	s30 =	smov.u32 s2;
	s2 =	smov.u32 s14;
	v8 =	vld [tilespmem:s28+$0xFFFFFFE0];
	[tilespmem:s5+$0xFFFFFFC0] =	vst v9;
	v6 =	vmul.f32 v4, v2  }
0x22b: {  	s14 =	smov.u32 s11;
	s11 =	smov.u32 s5;
	v4 =	vld [tilespmem:s17+$0x16490];
	[tilespmem:s5+$0xFFFFFFD0] =	vst v7;
	v7 =	vmul.f32 v5, v2;
	v9 =	vunpack.i.l.bf16.f32 v11  }
0x22c: {  	v5 =	vld [tilespmem:s20+$0xFFFFFFF0];
	[tilespmem:s14+$0xFFFFFFE0] =	vst v6;
	v6 =	vunpack.i.u.bf16.f32 v11;
	v10 =	vmul.f32 v9, v1  }
0x22d: {  	s29 =	sadd.s32 $0x40, s29;
	[tilespmem:s14+$0xFFFFFFF0] =	vst v7;
	v9 =	vmul.f32 v6, v1;
	v7 =	vunpack.i.u.bf16.f32 v12;
	v6 =	vunpack.i.l.bf16.f32 v12  }
0x22e: {  	_ = 	snop  }
0x22f: {  	v11 =	vunpack.i.l.bf16.f32 v8  }
0x230: {  	v36 =	vunpack.i.u.bf16.f32 v8;
	v11 =	vmul.f32 v11, v4  }
0x231: {  	s5 =	sadd.s32 $0x80, s5;
	v8 =	vmul.f32 v36, v4  }
0x232: {  	[tilespmem:s5+$0xFFFFFFC0] =	vst v11  }
0x233: {  	[tilespmem:s5+$0xFFFFFFD0] =	vst v8  }
0x234: {  	v8 =	vld [tilespmem:s28+$0xFFFFFFF0];
	_ =	sdelay $0x2  }
0x235: {  	v37 =	vunpack.i.l.bf16.f32 v5  }
0x236: {  	v38 =	vunpack.i.u.bf16.f32 v5;
	v11 =	vmul.f32 v37, v3  }
0x237: {  	v5 =	vmul.f32 v38, v3;
	v12 =	vunpack.i.l.bf16.f32 v8  }
0x238: {  	v39 =	vld [tilespmem:s19+$0x0];
	[tilespmem:s11+$0xFFFFFFE0] =	vst v11;
	v8 =	vunpack.i.u.bf16.f32 v8;
	v12 =	vmul.f32 v12, v4  }
0x239: {  	[tilespmem:s11+$0xFFFFFFF0] =	vst v5;
	v40 =	vmul.f32 v8, v4  }
0x23a: {  	v41 =	vld [tilespmem:s20+$0x0];
	[tilespmem:s5+$0xFFFFFFE0] =	vst v12  }
0x23b: {  	[tilespmem:s5+$0xFFFFFFF0] =	vst v40  }
0x23c: {  	v5 =	vld [tilespmem:s28+$0x0]  }
0x23d: {  	v42 =	vunpack.i.l.bf16.f32 v39  }
0x23e: {  	[tilespmem:s2+$0x0] =	vst v10;
	v43 =	vunpack.i.u.bf16.f32 v39;
	v44 =	vmul.f32 v42, v2  }
0x23f: {  	[tilespmem:s2+$0x10] =	vst v9;
	v45 =	vmul.f32 v43, v2;
	v46 =	vunpack.i.l.bf16.f32 v41  }
0x240: {  	v47 =	vld [tilespmem:s31+$0x10];
	[tilespmem:s14+$0x0] =	vst v44;
	v8 =	vunpack.i.u.bf16.f32 v41;
	v10 =	vmul.f32 v46, v3  }
0x241: {  	[tilespmem:s14+$0x10] =	vst v45;
	v8 =	vmul.f32 v8, v3;
	v48 =	vunpack.i.l.bf16.f32 v5  }
0x242: {  	v49 =	vld [tilespmem:s19+$0x10];
	[tilespmem:s11+$0x0] =	vst v10;
	v5 =	vunpack.i.u.bf16.f32 v5;
	v9 =	vmul.f32 v48, v4  }
0x243: {  	[tilespmem:s11+$0x10] =	vst v8;
	v5 =	vmul.f32 v5, v4  }
0x244: {  	v7 =	vmul.f32 v7, v0;
	v8 =	vld [tilespmem:s20+$0x10];
	[tilespmem:s5+$0x0] =	vst v9  }
0x245: {  	v50 =	vmul.f32 v6, v0;
	v51 =	vunpack.i.u.bf16.f32 v47;
	[tilespmem:s5+$0x10] =	vst v5  }
0x246: {  	[tilespmem:s30+$0x30] =	vst v7;
	v52 =	vunpack.i.l.bf16.f32 v47;
	v6 =	vmul.f32 v51, v1;
	v53 =	vld [tilespmem:s28+$0x10]  }
0x247: {  	[tilespmem:s30+$0x20] =	vst v50;
	v54 =	vmul.f32 v52, v1;
	v55 =	vunpack.i.u.bf16.f32 v49  }
0x248: {  	[tilespmem:s2+$0x30] =	vst v6;
	v56 =	vunpack.i.l.bf16.f32 v49;
	v1 =	vmul.f32 v55, v2  }
0x249: {  	[tilespmem:s2+$0x20] =	vst v54;
	v57 =	vmul.f32 v56, v2;
	v58 =	vunpack.i.u.bf16.f32 v8  }
0x24a: {  	[tilespmem:s14+$0x30] =	vst v1;
	v59 =	vunpack.i.l.bf16.f32 v8;
	v2 =	vmul.f32 v58, v3  }
0x24b: {  	[tilespmem:s14+$0x20] =	vst v57;
	v60 =	vmul.f32 v59, v3;
	v61 =	vunpack.i.u.bf16.f32 v53  }
0x24c: {  	s31 =	sadd.s32 $0x7, s21;
	[tilespmem:s11+$0x30] =	vst v2;
	v62 =	vunpack.i.l.bf16.f32 v53;
	v1 =	vmul.f32 v61, v4  }
0x24d: {  	s15 =	sadd.s32 $0x1, s15;
	s17 =	smul.u32 $0x50, s31;
	[tilespmem:s11+$0x20] =	vst v60;
	v63 =	vmul.f32 v62, v4  }
0x24e: {  	s29 =	simm.s32 $0x0;
	p0 =	sne.s32 s15, $0x1E;
	[tilespmem:s5+$0x30] =	vst v1  }
0x24f: {  	s21 =	sadd.s32 $0x13880, s17;
	s19 =	simm.s32 $0x173E0;
	s20 =	simm.s32 $0x1C4D0;
	[tilespmem:s5+$0x20] =	vst v63  }
0x250: {  	[spmem:s3] =	stream.indirect.scatter.add.f32 [tilespmem:s20], [sflag:$0xC], $0x80, s19, s26, $0xb8;
	[tilespmem:$0x1ECD0] =	vst v63  }
0x251: {  	s2 =	smul.u32 $0x500, s31;
	s28 =	simm.s32 $0x188D0;
	s5 =	sadd.s32 s4, s17  }
0x252: {  	[tilespmem:s28], [sflag:$0x2] =	stream.indirect.gather [hbm4b:s1+s26], $0x40, s21, s26, $0xb8;
	[tilespmem:$0x1ECD0] =	vst v63  }
.Ltmp6:
0x253: {  	s2 =	sadd.s32 s8, s2;
	s5 =	sshrl.u32 s5, $0x3;
	(pc) =	sbr.rel @p0 .LBB2_6-.Ltmp6, $4  }
0x254: {  	s30 =	simm.s32 $0x17480;
	s2 =	sshrl.u32 s2, $0x3;
	s5 =	sadd.s32 s6, s5  }
0x255: {  	[tilespmem:s30], [sflag:$0x6] =	stream.linear.gather [hbm4b:s5+s29], $0x50, $0x38;
	[tilespmem:$0x1ECD0] =	vst v63  }
0x256: {  	s31 =	simm.s32 $0x16E90;
	s2 =	sadd.s32 s7, s2  }
0x257: {  	[tilespmem:s31], [sflag:$0xA] =	stream.linear.gather [hbm4b:s2+s29], $0x500, $0x38;
	[tilespmem:$0x1ECD0] =	vst v63  }
0x258: {  	_ =	swait.ge [sflag:s24], $0x1400  }
0x259: {  	[sflag:s24] =	ssyncset.done $0x0  }
0x25a: {  	[sflag:s24] =	ssyncadd.s32 $0xFFFFEC00  }
0x25b: {  	_ =	swait.ge [sflag:s22], $0x50  }
0x25c: {  	[sflag:s22] =	ssyncset.done $0x0  }
0x25d: {  	[sflag:s22] =	ssyncadd.s32 $0xFFFFFFB0  }
0x25e: {  	_ =	swait.ge [sflag:s23], $0x500  }
0x25f: {  	[sflag:s23] =	ssyncset.done $0x0  }
0x260: {  	[sflag:s23] =	ssyncadd.s32 $0xFFFFFB00  }
0x261: {  	_ =	swait.ge [sflag:s12], $0x2800  }
0x262: {  	[sflag:s12] =	ssyncset.done $0x0  }
0x263: {  	s5 =	simm.s32 $0x174F0;
	[sflag:s12] =	ssyncadd.s32 $0xFFFFD800  }
0x264: {  	s2 =	simm.s32 $0x0;
	v1 =	vld [tilespmem:s5+$0xFFFFFFE0]  }
0x265: {  	v0 =	vld [tilespmem:s2+$0x16990];
	_ =	sdelay $0x3  }
0x266: {  	v2 =	vunpack.i.l.bf16.f32 v1  }
0x267: {  	v1 =	vunpack.i.u.bf16.f32 v1;
	v2 =	vmul.f32 v2, v0  }
0x268: {  	s15 =	simm.s32 $0x19D10;
	s21 =	simm.s32 $0x17530;
	v3 =	vmul.f32 v1, v0  }
0x269: {  	s20 =	simm.s32 $0x10;
	v4 =	vld [tilespmem:s21+$0xFFFFFFE0];
	[tilespmem:s15+$0xFFFFFFC0] =	vst v2  }
0x26a: {  	v1 =	vld [tilespmem:s20+$0x16990];
	[tilespmem:s15+$0xFFFFFFD0] =	vst v3  }
0x26b: {  	v2 =	vld [tilespmem:s5+$0xFFFFFFF0];
	_ =	sdelay $0x2  }
0x26c: {  	v3 =	vunpack.i.l.bf16.f32 v4  }
0x26d: {  	v4 =	vunpack.i.u.bf16.f32 v4;
	v3 =	vmul.f32 v3, v1  }
0x26e: {  	s19 =	simm.s32 $0x17570;
	s2 =	simm.s32 $0x19D90;
	v4 =	vmul.f32 v4, v1;
	v5 =	vunpack.i.l.bf16.f32 v2  }
0x26f: {  	s11 =	simm.s32 $0x20;
	v6 =	vld [tilespmem:s19+$0xFFFFFFE0];
	[tilespmem:s2+$0xFFFFFFC0] =	vst v3;
	v3 =	vunpack.i.u.bf16.f32 v2;
	v5 =	vmul.f32 v5, v0  }
0x270: {  	[tilespmem:s2+$0xFFFFFFD0] =	vst v4;
	v2 =	vld [tilespmem:s11+$0x16990];
	v3 =	vmul.f32 v3, v0  }
0x271: {  	v4 =	vld [tilespmem:s21+$0xFFFFFFF0];
	[tilespmem:s15+$0xFFFFFFE0] =	vst v5  }
0x272: {  	[tilespmem:s15+$0xFFFFFFF0] =	vst v3  }
0x273: {  	v5 =	vld [tilespmem:s5+$0x0]  }
0x274: {  	v3 =	vunpack.i.l.bf16.f32 v6  }
0x275: {  	v6 =	vunpack.i.u.bf16.f32 v6;
	v3 =	vmul.f32 v3, v2  }
0x276: {  	s14 =	simm.s32 $0x19E10;
	s20 =	simm.s32 $0x175B0;
	v6 =	vmul.f32 v6, v2;
	v7 =	vunpack.i.l.bf16.f32 v4  }
0x277: {  	s30 =	simm.s32 $0x30;
	v8 =	vld [tilespmem:s20+$0xFFFFFFE0];
	v4 =	vunpack.i.u.bf16.f32 v4;
	v7 =	vmul.f32 v7, v1;
	[tilespmem:s14+$0xFFFFFFC0] =	vst v3  }
0x278: {  	v4 =	vmul.f32 v4, v1;
	v3 =	vld [tilespmem:s30+$0x16990];
	[tilespmem:s14+$0xFFFFFFD0] =	vst v6;
	v6 =	vunpack.i.l.bf16.f32 v5  }
0x279: {  	v9 =	vld [tilespmem:s19+$0xFFFFFFF0];
	[tilespmem:s2+$0xFFFFFFE0] =	vst v7;
	v5 =	vunpack.i.u.bf16.f32 v5;
	v6 =	vmul.f32 v6, v0  }
0x27a: {  	[tilespmem:s2+$0xFFFFFFF0] =	vst v4;
	v4 =	vmul.f32 v5, v0  }
0x27b: {  	v5 =	vld [tilespmem:s21+$0x0];
	[tilespmem:s15+$0x0] =	vst v6  }
0x27c: {  	v6 =	vunpack.i.l.bf16.f32 v8;
	[tilespmem:s15+$0x10] =	vst v4  }
0x27d: {  	v4 =	vunpack.i.u.bf16.f32 v8;
	v6 =	vmul.f32 v6, v3;
	v11 =	vld [tilespmem:s5+$0x10]  }
0x27e: {  	s28 =	simm.s32 $0x175F0;
	v4 =	vmul.f32 v4, v3;
	v7 =	vunpack.i.l.bf16.f32 v9;
	s5 =	simm.s32 $0x19E90  }
0x27f: {  	s31 =	simm.s32 $0x40;
	v8 =	vld [tilespmem:s28+$0xFFFFFFE0];
	v7 =	vmul.f32 v7, v2;
	[tilespmem:s5+$0xFFFFFFC0] =	vst v6;
	v6 =	vunpack.i.u.bf16.f32 v9  }
0x280: {  	[tilespmem:s5+$0xFFFFFFD0] =	vst v4;
	v9 =	vunpack.i.l.bf16.f32 v5;
	v4 =	vld [tilespmem:s31+$0x16990];
	v6 =	vmul.f32 v6, v2  }
0x281: {  	[tilespmem:s14+$0xFFFFFFE0] =	vst v7;
	v7 =	vunpack.i.u.bf16.f32 v5;
	v10 =	vmul.f32 v9, v1;
	v5 =	vld [tilespmem:s20+$0xFFFFFFF0]  }
0x282: {  	s29 =	simm.s32 $0x140;
	s11 =	simm.s32 $0x19E90;
	v9 =	vmul.f32 v7, v1;
	[tilespmem:s14+$0xFFFFFFF0] =	vst v6;
	v7 =	vunpack.i.u.bf16.f32 v11;
	v6 =	vunpack.i.l.bf16.f32 v11  }
.LBB2_16:
0x283: {  	p0 =	sne.s32 s29, $0x13C0;
	v11 =	vld [tilespmem:s19+$0x0];
	[tilespmem:s2+$0x0] =	vst v10;
	v6 =	vmul.f32 v6, v0;
	v7 =	vmul.f32 v7, v0;
	v0 =	vmovc v1;
	v1 =	vmov v2  }
0x284: {  	v2 =	vmov v3;
	v10 =	vunpack.i.l.bf16.f32 v8;
	[tilespmem:s2+$0x10] =	vst v9  }
0x285: {  	v8 =	vunpack.i.u.bf16.f32 v8;
	v9 =	vmul.f32 v10, v4;
	v12 =	vld [tilespmem:s21+$0x10];
	[tilespmem:s15+$0x30] =	vst v7;
	v3 =	vmov v4;
	s21 =	smov.u32 s19;
	s19 =	smov.u32 s20;
	s20 =	smov.u32 s28  }
.Ltmp7:
0x286: {  	s5 =	sadd.s32 $0x80, s5;
	s28 =	sadd.s32 $0x40, s28;
	v7 =	vmul.f32 v8, v3;
	v4 =	vunpack.i.l.bf16.f32 v5;
	[tilespmem:s15+$0x20] =	vst v6;
	(pc) =	sbr.rel @p0 .LBB2_16-.Ltmp7, $4  }
0x287: {  	s17 =	sshra.s32 s29, $0x2;
	v5 =	vunpack.i.u.bf16.f32 v5;
	s15 =	smov.u32 s2;
	s2 =	smov.u32 s14;
	v8 =	vld [tilespmem:s28+$0xFFFFFFE0];
	[tilespmem:s5+$0xFFFFFFC0] =	vst v9;
	v6 =	vmul.f32 v4, v2  }
0x288: {  	s14 =	smov.u32 s11;
	s11 =	smov.u32 s5;
	v4 =	vld [tilespmem:s17+$0x16990];
	[tilespmem:s5+$0xFFFFFFD0] =	vst v7;
	v7 =	vmul.f32 v5, v2;
	v9 =	vunpack.i.l.bf16.f32 v11  }
0x289: {  	v5 =	vld [tilespmem:s20+$0xFFFFFFF0];
	[tilespmem:s14+$0xFFFFFFE0] =	vst v6;
	v6 =	vunpack.i.u.bf16.f32 v11;
	v10 =	vmul.f32 v9, v1  }
0x28a: {  	s29 =	sadd.s32 $0x40, s29;
	[tilespmem:s14+$0xFFFFFFF0] =	vst v7;
	v9 =	vmul.f32 v6, v1;
	v7 =	vunpack.i.u.bf16.f32 v12;
	v6 =	vunpack.i.l.bf16.f32 v12  }
0x28b: {  	_ = 	snop  }
0x28c: {  	v11 =	vunpack.i.l.bf16.f32 v8  }
0x28d: {  	v8 =	vunpack.i.u.bf16.f32 v8;
	v11 =	vmul.f32 v11, v4  }
0x28e: {  	s5 =	sadd.s32 $0x80, s5;
	v8 =	vmul.f32 v8, v4  }
0x28f: {  	[tilespmem:s5+$0xFFFFFFC0] =	vst v11  }
0x290: {  	[tilespmem:s5+$0xFFFFFFD0] =	vst v8  }
0x291: {  	v8 =	vld [tilespmem:s28+$0xFFFFFFF0];
	_ =	sdelay $0x2  }
0x292: {  	v11 =	vunpack.i.l.bf16.f32 v5  }
0x293: {  	v5 =	vunpack.i.u.bf16.f32 v5;
	v11 =	vmul.f32 v11, v3  }
0x294: {  	v5 =	vmul.f32 v5, v3;
	v12 =	vunpack.i.l.bf16.f32 v8  }
0x295: {  	[tilespmem:s11+$0xFFFFFFE0] =	vst v11;
	v11 =	vld [tilespmem:s19+$0x0];
	v8 =	vunpack.i.u.bf16.f32 v8;
	v12 =	vmul.f32 v12, v4  }
0x296: {  	[tilespmem:s11+$0xFFFFFFF0] =	vst v5;
	v5 =	vmul.f32 v8, v4  }
0x297: {  	v8 =	vld [tilespmem:s20+$0x0];
	[tilespmem:s5+$0xFFFFFFE0] =	vst v12  }
0x298: {  	[tilespmem:s5+$0xFFFFFFF0] =	vst v5  }
0x299: {  	v5 =	vld [tilespmem:s28+$0x0]  }
0x29a: {  	v63 =	vunpack.i.l.bf16.f32 v11  }
0x29b: {  	[tilespmem:s2+$0x0] =	vst v10;
	v10 =	vunpack.i.u.bf16.f32 v11;
	v11 =	vmul.f32 v63, v2  }
0x29c: {  	[tilespmem:s2+$0x10] =	vst v9;
	v9 =	vmul.f32 v10, v2;
	v10 =	vunpack.i.l.bf16.f32 v8  }
0x29d: {  	[tilespmem:s14+$0x0] =	vst v11;
	v11 =	vld [tilespmem:s21+$0x10];
	v8 =	vunpack.i.u.bf16.f32 v8;
	v10 =	vmul.f32 v10, v3  }
0x29e: {  	[tilespmem:s14+$0x10] =	vst v9;
	v8 =	vmul.f32 v8, v3;
	v9 =	vunpack.i.l.bf16.f32 v5  }
0x29f: {  	[tilespmem:s11+$0x0] =	vst v10;
	v10 =	vld [tilespmem:s19+$0x10];
	v5 =	vunpack.i.u.bf16.f32 v5;
	v9 =	vmul.f32 v9, v4  }
0x2a0: {  	[tilespmem:s11+$0x10] =	vst v8;
	v5 =	vmul.f32 v5, v4  }
0x2a1: {  	v7 =	vmul.f32 v7, v0;
	v8 =	vld [tilespmem:s20+$0x10];
	[tilespmem:s5+$0x0] =	vst v9  }
0x2a2: {  	v0 =	vmul.f32 v6, v0;
	v6 =	vunpack.i.u.bf16.f32 v11;
	[tilespmem:s5+$0x10] =	vst v5  }
0x2a3: {  	[tilespmem:s15+$0x30] =	vst v7;
	v6 =	vmul.f32 v6, v1;
	v5 =	vunpack.i.l.bf16.f32 v11;
	v7 =	vld [tilespmem:s28+$0x10]  }
0x2a4: {  	[tilespmem:s15+$0x20] =	vst v0;
	v0 =	vmul.f32 v5, v1;
	v1 =	vunpack.i.u.bf16.f32 v10  }
0x2a5: {  	[tilespmem:s2+$0x30] =	vst v6;
	v5 =	vunpack.i.l.bf16.f32 v10;
	v1 =	vmul.f32 v1, v2  }
0x2a6: {  	[tilespmem:s2+$0x20] =	vst v0;
	v0 =	vmul.f32 v5, v2;
	v2 =	vunpack.i.u.bf16.f32 v8  }
0x2a7: {  	v2 =	vmul.f32 v2, v3;
	[tilespmem:s14+$0x30] =	vst v1;
	v1 =	vunpack.i.l.bf16.f32 v8  }
0x2a8: {  	[tilespmem:s14+$0x20] =	vst v0;
	v0 =	vmul.f32 v1, v3;
	v1 =	vunpack.i.u.bf16.f32 v7  }
0x2a9: {  	[tilespmem:s11+$0x30] =	vst v2;
	v2 =	vunpack.i.l.bf16.f32 v7;
	v1 =	vmul.f32 v1, v4  }
0x2aa: {  	[tilespmem:s11+$0x20] =	vst v0;
	v0 =	vmul.f32 v2, v4  }
0x2ab: {  	[tilespmem:s5+$0x30] =	vst v1  }
0x2ac: {  	s11 =	simm.s32 $0x17430;
	[tilespmem:s5+$0x20] =	vst v0;
	s5 =	simm.s32 $0x19CD0  }
0x2ad: {  	[spmem:s3] =	stream.indirect.scatter.add.f32 [tilespmem:s5], [sflag:$0xB], $0x80, s11, s26, $0xb8;
	[tilespmem:$0x1ECD0] =	vst v63  }
0x2ae: {  	s15 =	simm.s32 $0x15F40;
	s14 =	simm.s32 $0x174D0  }
0x2af: {  	[tilespmem:s14], [sflag:$0x1] =	stream.indirect.gather [hbm4b:s1+s26], $0x40, s15, s26, $0xb8;
	[tilespmem:$0x1ECD0] =	vst v63  }
0x2b0: {  	s17 =	simm.s32 $0x0;
	s31 =	simm.s32 $0x17390;
	s19 =	rddreg [dreg:$0xf]  }
0x2b1: {  	[tilespmem:s31], [sflag:$0x3] =	stream.linear.gather [hbm4b:s19+s17], $0x50, $0x38;
	[tilespmem:$0x1ECD0] =	vst v63  }
0x2b2: {  	s21 =	simm.s32 $0x15F90;
	s20 =	rddreg [dreg:$0x10]  }
0x2b3: {  	[tilespmem:s21], [sflag:$0x7] =	stream.linear.gather [hbm4b:s20+s17], $0x500, $0x38;
	[tilespmem:$0x1ECD0] =	vst v63  }
0x2b4: {  	_ =	swait.ge [sflag:s16], $0x1400  }
0x2b5: {  	[sflag:s16] =	ssyncset.done $0x0  }
0x2b6: {  	[sflag:s16] =	ssyncadd.s32 $0xFFFFEC00  }
0x2b7: {  	_ =	swait.ge [sflag:s13], $0x50  }
0x2b8: {  	[sflag:s13] =	ssyncset.done $0x0  }
0x2b9: {  	[sflag:s13] =	ssyncadd.s32 $0xFFFFFFB0  }
0x2ba: {  	_ =	swait.ge [sflag:s25], $0x500  }
0x2bb: {  	[sflag:s25] =	ssyncset.done $0x0  }
0x2bc: {  	[sflag:s25] =	ssyncadd.s32 $0xFFFFFB00  }
0x2bd: {  	_ =	swait.ge [sflag:s0], $0x2800  }
0x2be: {  	[sflag:s0] =	ssyncset.done $0x0  }
0x2bf: {  	s5 =	simm.s32 $0x188F0;
	[sflag:s0] =	ssyncadd.s32 $0xFFFFD800  }
0x2c0: {  	s30 =	simm.s32 $0x0;
	v1 =	vld [tilespmem:s5+$0xFFFFFFE0]  }
0x2c1: {  	v0 =	vld [tilespmem:s30+$0x16E90];
	_ =	sdelay $0x3  }
0x2c2: {  	v2 =	vunpack.i.l.bf16.f32 v1  }
0x2c3: {  	v1 =	vunpack.i.u.bf16.f32 v1;
	v2 =	vmul.f32 v2, v0  }
0x2c4: {  	s15 =	simm.s32 $0x1C510;
	s21 =	simm.s32 $0x18930;
	v3 =	vmul.f32 v1, v0  }
0x2c5: {  	s11 =	simm.s32 $0x10;
	v4 =	vld [tilespmem:s21+$0xFFFFFFE0];
	[tilespmem:s15+$0xFFFFFFC0] =	vst v2  }
0x2c6: {  	v1 =	vld [tilespmem:s11+$0x16E90];
	[tilespmem:s15+$0xFFFFFFD0] =	vst v3  }
0x2c7: {  	v2 =	vld [tilespmem:s5+$0xFFFFFFF0];
	_ =	sdelay $0x2  }
0x2c8: {  	v3 =	vunpack.i.l.bf16.f32 v4  }
0x2c9: {  	v4 =	vunpack.i.u.bf16.f32 v4;
	v3 =	vmul.f32 v3, v1  }
0x2ca: {  	s2 =	simm.s32 $0x1C590;
	s19 =	simm.s32 $0x18970;
	v4 =	vmul.f32 v4, v1;
	v5 =	vunpack.i.l.bf16.f32 v2  }
0x2cb: {  	s14 =	simm.s32 $0x20;
	v6 =	vld [tilespmem:s19+$0xFFFFFFE0];
	[tilespmem:s2+$0xFFFFFFC0] =	vst v3;
	v3 =	vunpack.i.u.bf16.f32 v2;
	v5 =	vmul.f32 v5, v0  }
0x2cc: {  	[tilespmem:s2+$0xFFFFFFD0] =	vst v4;
	v2 =	vld [tilespmem:s14+$0x16E90];
	v3 =	vmul.f32 v3, v0  }
0x2cd: {  	v4 =	vld [tilespmem:s21+$0xFFFFFFF0];
	[tilespmem:s15+$0xFFFFFFE0] =	vst v5  }
0x2ce: {  	[tilespmem:s15+$0xFFFFFFF0] =	vst v3  }
0x2cf: {  	v5 =	vld [tilespmem:s5+$0x0]  }
0x2d0: {  	v3 =	vunpack.i.l.bf16.f32 v6  }
0x2d1: {  	v6 =	vunpack.i.u.bf16.f32 v6;
	v3 =	vmul.f32 v3, v2  }
0x2d2: {  	s20 =	simm.s32 $0x189B0;
	s14 =	simm.s32 $0x1C610;
	v6 =	vmul.f32 v6, v2;
	v7 =	vunpack.i.l.bf16.f32 v4  }
0x2d3: {  	s17 =	simm.s32 $0x30;
	v8 =	vld [tilespmem:s20+$0xFFFFFFE0];
	v4 =	vunpack.i.u.bf16.f32 v4;
	v7 =	vmul.f32 v7, v1;
	[tilespmem:s14+$0xFFFFFFC0] =	vst v3  }
0x2d4: {  	v4 =	vmul.f32 v4, v1;
	v3 =	vld [tilespmem:s17+$0x16E90];
	[tilespmem:s14+$0xFFFFFFD0] =	vst v6;
	v6 =	vunpack.i.l.bf16.f32 v5  }
0x2d5: {  	v9 =	vld [tilespmem:s19+$0xFFFFFFF0];
	[tilespmem:s2+$0xFFFFFFE0] =	vst v7;
	v5 =	vunpack.i.u.bf16.f32 v5;
	v6 =	vmul.f32 v6, v0  }
0x2d6: {  	[tilespmem:s2+$0xFFFFFFF0] =	vst v4;
	v4 =	vmul.f32 v5, v0  }
0x2d7: {  	v5 =	vld [tilespmem:s21+$0x0];
	[tilespmem:s15+$0x0] =	vst v6  }
0x2d8: {  	v6 =	vunpack.i.l.bf16.f32 v8;
	[tilespmem:s15+$0x10] =	vst v4  }
0x2d9: {  	v4 =	vunpack.i.u.bf16.f32 v8;
	v6 =	vmul.f32 v6, v3;
	v11 =	vld [tilespmem:s5+$0x10]  }
0x2da: {  	s28 =	simm.s32 $0x189F0;
	v4 =	vmul.f32 v4, v3;
	v7 =	vunpack.i.l.bf16.f32 v9;
	s5 =	simm.s32 $0x1C690  }
0x2db: {  	s30 =	simm.s32 $0x40;
	v8 =	vld [tilespmem:s28+$0xFFFFFFE0];
	v7 =	vmul.f32 v7, v2;
	[tilespmem:s5+$0xFFFFFFC0] =	vst v6;
	v6 =	vunpack.i.u.bf16.f32 v9  }
0x2dc: {  	[tilespmem:s5+$0xFFFFFFD0] =	vst v4;
	v9 =	vunpack.i.l.bf16.f32 v5;
	v4 =	vld [tilespmem:s30+$0x16E90];
	v6 =	vmul.f32 v6, v2  }
0x2dd: {  	[tilespmem:s14+$0xFFFFFFE0] =	vst v7;
	v7 =	vunpack.i.u.bf16.f32 v5;
	v10 =	vmul.f32 v9, v1;
	v5 =	vld [tilespmem:s20+$0xFFFFFFF0]  }
0x2de: {  	s29 =	simm.s32 $0x140;
	s11 =	simm.s32 $0x1C690;
	v9 =	vmul.f32 v7, v1;
	[tilespmem:s14+$0xFFFFFFF0] =	vst v6;
	v7 =	vunpack.i.u.bf16.f32 v11;
	v6 =	vunpack.i.l.bf16.f32 v11  }
.LBB2_18:
0x2df: {  	p0 =	sne.s32 s29, $0x13C0;
	v11 =	vld [tilespmem:s19+$0x0];
	[tilespmem:s2+$0x0] =	vst v10;
	v6 =	vmul.f32 v6, v0;
	v7 =	vmul.f32 v7, v0;
	v0 =	vmovc v1;
	v1 =	vmov v2  }
0x2e0: {  	v2 =	vmov v3;
	v10 =	vunpack.i.l.bf16.f32 v8;
	[tilespmem:s2+$0x10] =	vst v9  }
0x2e1: {  	v8 =	vunpack.i.u.bf16.f32 v8;
	v9 =	vmul.f32 v10, v4;
	v12 =	vld [tilespmem:s21+$0x10];
	[tilespmem:s15+$0x30] =	vst v7;
	v3 =	vmov v4;
	s21 =	smov.u32 s19;
	s19 =	smov.u32 s20;
	s20 =	smov.u32 s28  }
.Ltmp8:
0x2e2: {  	s5 =	sadd.s32 $0x80, s5;
	s28 =	sadd.s32 $0x40, s28;
	v7 =	vmul.f32 v8, v3;
	v4 =	vunpack.i.l.bf16.f32 v5;
	[tilespmem:s15+$0x20] =	vst v6;
	(pc) =	sbr.rel @p0 .LBB2_18-.Ltmp8, $4  }
0x2e3: {  	s17 =	sshra.s32 s29, $0x2;
	v5 =	vunpack.i.u.bf16.f32 v5;
	s15 =	smov.u32 s2;
	s2 =	smov.u32 s14;
	v8 =	vld [tilespmem:s28+$0xFFFFFFE0];
	[tilespmem:s5+$0xFFFFFFC0] =	vst v9;
	v6 =	vmul.f32 v4, v2  }
0x2e4: {  	s14 =	smov.u32 s11;
	s11 =	smov.u32 s5;
	v4 =	vld [tilespmem:s17+$0x16E90];
	[tilespmem:s5+$0xFFFFFFD0] =	vst v7;
	v7 =	vmul.f32 v5, v2;
	v9 =	vunpack.i.l.bf16.f32 v11  }
0x2e5: {  	v5 =	vld [tilespmem:s20+$0xFFFFFFF0];
	[tilespmem:s14+$0xFFFFFFE0] =	vst v6;
	v6 =	vunpack.i.u.bf16.f32 v11;
	v10 =	vmul.f32 v9, v1  }
0x2e6: {  	s29 =	sadd.s32 $0x40, s29;
	[tilespmem:s14+$0xFFFFFFF0] =	vst v7;
	v9 =	vmul.f32 v6, v1;
	v7 =	vunpack.i.u.bf16.f32 v12;
	v6 =	vunpack.i.l.bf16.f32 v12  }
0x2e7: {  	_ = 	snop  }
0x2e8: {  	v11 =	vunpack.i.l.bf16.f32 v8  }
0x2e9: {  	v8 =	vunpack.i.u.bf16.f32 v8;
	v11 =	vmul.f32 v11, v4  }
0x2ea: {  	s5 =	sadd.s32 $0x80, s5;
	v8 =	vmul.f32 v8, v4  }
0x2eb: {  	[tilespmem:s5+$0xFFFFFFC0] =	vst v11  }
0x2ec: {  	[tilespmem:s5+$0xFFFFFFD0] =	vst v8  }
0x2ed: {  	v8 =	vld [tilespmem:s28+$0xFFFFFFF0];
	_ =	sdelay $0x2  }
0x2ee: {  	v11 =	vunpack.i.l.bf16.f32 v5  }
0x2ef: {  	v5 =	vunpack.i.u.bf16.f32 v5;
	v11 =	vmul.f32 v11, v3  }
0x2f0: {  	v5 =	vmul.f32 v5, v3;
	v12 =	vunpack.i.l.bf16.f32 v8  }
0x2f1: {  	[tilespmem:s11+$0xFFFFFFE0] =	vst v11;
	v11 =	vld [tilespmem:s19+$0x0];
	v8 =	vunpack.i.u.bf16.f32 v8;
	v12 =	vmul.f32 v12, v4  }
0x2f2: {  	[tilespmem:s11+$0xFFFFFFF0] =	vst v5;
	v5 =	vmul.f32 v8, v4  }
0x2f3: {  	v8 =	vld [tilespmem:s20+$0x0];
	[tilespmem:s5+$0xFFFFFFE0] =	vst v12  }
0x2f4: {  	[tilespmem:s5+$0xFFFFFFF0] =	vst v5  }
0x2f5: {  	v5 =	vld [tilespmem:s28+$0x0]  }
0x2f6: {  	v63 =	vunpack.i.l.bf16.f32 v11  }
0x2f7: {  	[tilespmem:s2+$0x0] =	vst v10;
	v10 =	vunpack.i.u.bf16.f32 v11;
	v11 =	vmul.f32 v63, v2  }
0x2f8: {  	[tilespmem:s2+$0x10] =	vst v9;
	v9 =	vmul.f32 v10, v2;
	v10 =	vunpack.i.l.bf16.f32 v8  }
0x2f9: {  	[tilespmem:s14+$0x0] =	vst v11;
	v11 =	vld [tilespmem:s21+$0x10];
	v8 =	vunpack.i.u.bf16.f32 v8;
	v10 =	vmul.f32 v10, v3  }
0x2fa: {  	[tilespmem:s14+$0x10] =	vst v9;
	v8 =	vmul.f32 v8, v3;
	v9 =	vunpack.i.l.bf16.f32 v5  }
0x2fb: {  	[tilespmem:s11+$0x0] =	vst v10;
	v10 =	vld [tilespmem:s19+$0x10];
	v5 =	vunpack.i.u.bf16.f32 v5;
	v9 =	vmul.f32 v9, v4  }
0x2fc: {  	[tilespmem:s11+$0x10] =	vst v8;
	v5 =	vmul.f32 v5, v4  }
0x2fd: {  	v7 =	vmul.f32 v7, v0;
	v8 =	vld [tilespmem:s20+$0x10];
	[tilespmem:s5+$0x0] =	vst v9  }
0x2fe: {  	v0 =	vmul.f32 v6, v0;
	v6 =	vunpack.i.u.bf16.f32 v11;
	[tilespmem:s5+$0x10] =	vst v5  }
0x2ff: {  	[tilespmem:s15+$0x30] =	vst v7;
	v6 =	vmul.f32 v6, v1;
	v5 =	vunpack.i.l.bf16.f32 v11;
	v7 =	vld [tilespmem:s28+$0x10]  }
0x300: {  	[tilespmem:s15+$0x20] =	vst v0;
	v0 =	vmul.f32 v5, v1;
	v1 =	vunpack.i.u.bf16.f32 v10  }
0x301: {  	[tilespmem:s2+$0x30] =	vst v6;
	v5 =	vunpack.i.l.bf16.f32 v10;
	v1 =	vmul.f32 v1, v2  }
0x302: {  	[tilespmem:s2+$0x20] =	vst v0;
	v0 =	vmul.f32 v5, v2;
	v2 =	vunpack.i.u.bf16.f32 v8  }
0x303: {  	v2 =	vmul.f32 v2, v3;
	[tilespmem:s14+$0x30] =	vst v1;
	v1 =	vunpack.i.l.bf16.f32 v8  }
0x304: {  	[tilespmem:s14+$0x20] =	vst v0;
	v0 =	vmul.f32 v1, v3;
	v1 =	vunpack.i.u.bf16.f32 v7  }
0x305: {  	[tilespmem:s11+$0x30] =	vst v2;
	v2 =	vunpack.i.l.bf16.f32 v7;
	v1 =	vmul.f32 v1, v4  }
0x306: {  	[tilespmem:s11+$0x20] =	vst v0;
	v0 =	vmul.f32 v2, v4  }
0x307: {  	[tilespmem:s5+$0x30] =	vst v1  }
0x308: {  	s21 =	simm.s32 $0x17480;
	s20 =	simm.s32 $0x1C4D0;
	[tilespmem:s5+$0x20] =	vst v0  }
0x309: {  	[spmem:s3] =	stream.indirect.scatter.add.f32 [tilespmem:s20], [sflag:$0xC], $0x80, s21, s26, $0xb8;
	[tilespmem:$0x1ECD0] =	vst v63  }
0x30a: {  	_ =	swait.ge [sflag:s24], $0x1400  }
0x30b: {  	[sflag:s24] =	ssyncset.done $0x0  }
0x30c: {  	[sflag:s24] =	ssyncadd.s32 $0xFFFFEC00  }
0x30d: {  	_ =	swait.ge [sflag:s9], $0x50  }
0x30e: {  	[sflag:s9] =	ssyncset.done $0x0  }
0x30f: {  	[sflag:s9] =	ssyncadd.s32 $0xFFFFFFB0  }
0x310: {  	_ =	swait.ge [sflag:s10], $0x500  }
0x311: {  	[sflag:s10] =	ssyncset.done $0x0  }
0x312: {  	[sflag:s10] =	ssyncadd.s32 $0xFFFFFB00  }
0x313: {  	_ =	swait.ge [sflag:s12], $0x2800  }
0x314: {  	[sflag:s12] =	ssyncset.done $0x0  }
0x315: {  	s5 =	simm.s32 $0x174F0;
	[sflag:s12] =	ssyncadd.s32 $0xFFFFD800  }
0x316: {  	s30 =	simm.s32 $0x0;
	v1 =	vld [tilespmem:s5+$0xFFFFFFE0]  }
0x317: {  	v0 =	vld [tilespmem:s30+$0x15F90];
	_ =	sdelay $0x3  }
0x318: {  	v2 =	vunpack.i.l.bf16.f32 v1  }
0x319: {  	v1 =	vunpack.i.u.bf16.f32 v1;
	v2 =	vmul.f32 v2, v0  }
0x31a: {  	s15 =	simm.s32 $0x19D10;
	s21 =	simm.s32 $0x17530;
	v3 =	vmul.f32 v1, v0  }
0x31b: {  	s11 =	simm.s32 $0x10;
	v4 =	vld [tilespmem:s21+$0xFFFFFFE0];
	[tilespmem:s15+$0xFFFFFFC0] =	vst v2  }
0x31c: {  	v1 =	vld [tilespmem:s11+$0x15F90];
	[tilespmem:s15+$0xFFFFFFD0] =	vst v3  }
0x31d: {  	v2 =	vld [tilespmem:s5+$0xFFFFFFF0];
	_ =	sdelay $0x2  }
0x31e: {  	v3 =	vunpack.i.l.bf16.f32 v4  }
0x31f: {  	v4 =	vunpack.i.u.bf16.f32 v4;
	v3 =	vmul.f32 v3, v1  }
0x320: {  	s19 =	simm.s32 $0x17570;
	s2 =	simm.s32 $0x19D90;
	v4 =	vmul.f32 v4, v1;
	v5 =	vunpack.i.l.bf16.f32 v2  }
0x321: {  	s14 =	simm.s32 $0x20;
	v6 =	vld [tilespmem:s19+$0xFFFFFFE0];
	[tilespmem:s2+$0xFFFFFFC0] =	vst v3;
	v3 =	vunpack.i.u.bf16.f32 v2;
	v5 =	vmul.f32 v5, v0  }
0x322: {  	[tilespmem:s2+$0xFFFFFFD0] =	vst v4;
	v2 =	vld [tilespmem:s14+$0x15F90];
	v3 =	vmul.f32 v3, v0  }
0x323: {  	v4 =	vld [tilespmem:s21+$0xFFFFFFF0];
	[tilespmem:s15+$0xFFFFFFE0] =	vst v5  }
0x324: {  	[tilespmem:s15+$0xFFFFFFF0] =	vst v3  }
0x325: {  	v5 =	vld [tilespmem:s5+$0x0]  }
0x326: {  	v3 =	vunpack.i.l.bf16.f32 v6  }
0x327: {  	v6 =	vunpack.i.u.bf16.f32 v6;
	v3 =	vmul.f32 v3, v2  }
0x328: {  	s20 =	simm.s32 $0x175B0;
	s14 =	simm.s32 $0x19E10;
	v6 =	vmul.f32 v6, v2;
	v7 =	vunpack.i.l.bf16.f32 v4  }
0x329: {  	s17 =	simm.s32 $0x30;
	v8 =	vld [tilespmem:s20+$0xFFFFFFE0];
	v4 =	vunpack.i.u.bf16.f32 v4;
	v7 =	vmul.f32 v7, v1;
	[tilespmem:s14+$0xFFFFFFC0] =	vst v3  }
0x32a: {  	v4 =	vmul.f32 v4, v1;
	v3 =	vld [tilespmem:s17+$0x15F90];
	[tilespmem:s14+$0xFFFFFFD0] =	vst v6;
	v6 =	vunpack.i.l.bf16.f32 v5  }
0x32b: {  	v9 =	vld [tilespmem:s19+$0xFFFFFFF0];
	[tilespmem:s2+$0xFFFFFFE0] =	vst v7;
	v5 =	vunpack.i.u.bf16.f32 v5;
	v6 =	vmul.f32 v6, v0  }
0x32c: {  	[tilespmem:s2+$0xFFFFFFF0] =	vst v4;
	v4 =	vmul.f32 v5, v0  }
0x32d: {  	v5 =	vld [tilespmem:s21+$0x0];
	[tilespmem:s15+$0x0] =	vst v6  }
0x32e: {  	v6 =	vunpack.i.l.bf16.f32 v8;
	[tilespmem:s15+$0x10] =	vst v4  }
0x32f: {  	v4 =	vunpack.i.u.bf16.f32 v8;
	v6 =	vmul.f32 v6, v3;
	v11 =	vld [tilespmem:s5+$0x10]  }
0x330: {  	s28 =	simm.s32 $0x175F0;
	v4 =	vmul.f32 v4, v3;
	v7 =	vunpack.i.l.bf16.f32 v9;
	s5 =	simm.s32 $0x19E90  }
0x331: {  	s30 =	simm.s32 $0x40;
	v8 =	vld [tilespmem:s28+$0xFFFFFFE0];
	v7 =	vmul.f32 v7, v2;
	[tilespmem:s5+$0xFFFFFFC0] =	vst v6;
	v6 =	vunpack.i.u.bf16.f32 v9  }
0x332: {  	[tilespmem:s5+$0xFFFFFFD0] =	vst v4;
	v9 =	vunpack.i.l.bf16.f32 v5;
	v4 =	vld [tilespmem:s30+$0x15F90];
	v6 =	vmul.f32 v6, v2  }
0x333: {  	[tilespmem:s14+$0xFFFFFFE0] =	vst v7;
	v7 =	vunpack.i.u.bf16.f32 v5;
	v10 =	vmul.f32 v9, v1;
	v5 =	vld [tilespmem:s20+$0xFFFFFFF0]  }
0x334: {  	s29 =	simm.s32 $0x140;
	s11 =	simm.s32 $0x19E90;
	v9 =	vmul.f32 v7, v1;
	[tilespmem:s14+$0xFFFFFFF0] =	vst v6;
	v7 =	vunpack.i.u.bf16.f32 v11;
	v6 =	vunpack.i.l.bf16.f32 v11  }
.LBB2_20:
0x335: {  	p0 =	sne.s32 s29, $0x13C0;
	v11 =	vld [tilespmem:s19+$0x0];
	[tilespmem:s2+$0x0] =	vst v10;
	v6 =	vmul.f32 v6, v0;
	v7 =	vmul.f32 v7, v0;
	v0 =	vmovc v1;
	v1 =	vmov v2  }
0x336: {  	v2 =	vmov v3;
	v10 =	vunpack.i.l.bf16.f32 v8;
	[tilespmem:s2+$0x10] =	vst v9  }
0x337: {  	v8 =	vunpack.i.u.bf16.f32 v8;
	v9 =	vmul.f32 v10, v4;
	v12 =	vld [tilespmem:s21+$0x10];
	[tilespmem:s15+$0x30] =	vst v7;
	v3 =	vmov v4;
	s21 =	smov.u32 s19;
	s19 =	smov.u32 s20;
	s20 =	smov.u32 s28  }
.Ltmp9:
0x338: {  	s5 =	sadd.s32 $0x80, s5;
	s28 =	sadd.s32 $0x40, s28;
	v7 =	vmul.f32 v8, v3;
	v4 =	vunpack.i.l.bf16.f32 v5;
	[tilespmem:s15+$0x20] =	vst v6;
	(pc) =	sbr.rel @p0 .LBB2_20-.Ltmp9, $4  }
0x339: {  	s17 =	sshra.s32 s29, $0x2;
	v5 =	vunpack.i.u.bf16.f32 v5;
	s15 =	smov.u32 s2;
	s2 =	smov.u32 s14;
	v8 =	vld [tilespmem:s28+$0xFFFFFFE0];
	[tilespmem:s5+$0xFFFFFFC0] =	vst v9;
	v6 =	vmul.f32 v4, v2  }
0x33a: {  	s14 =	smov.u32 s11;
	s11 =	smov.u32 s5;
	v4 =	vld [tilespmem:s17+$0x15F90];
	[tilespmem:s5+$0xFFFFFFD0] =	vst v7;
	v7 =	vmul.f32 v5, v2;
	v9 =	vunpack.i.l.bf16.f32 v11  }
0x33b: {  	v5 =	vld [tilespmem:s20+$0xFFFFFFF0];
	[tilespmem:s14+$0xFFFFFFE0] =	vst v6;
	v6 =	vunpack.i.u.bf16.f32 v11;
	v10 =	vmul.f32 v9, v1  }
0x33c: {  	s29 =	sadd.s32 $0x40, s29;
	[tilespmem:s14+$0xFFFFFFF0] =	vst v7;
	v9 =	vmul.f32 v6, v1;
	v7 =	vunpack.i.u.bf16.f32 v12;
	v6 =	vunpack.i.l.bf16.f32 v12  }
0x33d: {  	_ = 	snop  }
0x33e: {  	v11 =	vunpack.i.l.bf16.f32 v8  }
0x33f: {  	v36 =	vunpack.i.u.bf16.f32 v8;
	v11 =	vmul.f32 v11, v4  }
0x340: {  	s5 =	sadd.s32 $0x80, s5;
	v8 =	vmul.f32 v36, v4  }
0x341: {  	[tilespmem:s5+$0xFFFFFFC0] =	vst v11  }
0x342: {  	[tilespmem:s5+$0xFFFFFFD0] =	vst v8  }
0x343: {  	v8 =	vld [tilespmem:s28+$0xFFFFFFF0];
	_ =	sdelay $0x2  }
0x344: {  	v37 =	vunpack.i.l.bf16.f32 v5  }
0x345: {  	v38 =	vunpack.i.u.bf16.f32 v5;
	v11 =	vmul.f32 v37, v3  }
0x346: {  	v5 =	vmul.f32 v38, v3;
	v12 =	vunpack.i.l.bf16.f32 v8  }
0x347: {  	v39 =	vld [tilespmem:s19+$0x0];
	[tilespmem:s11+$0xFFFFFFE0] =	vst v11;
	v8 =	vunpack.i.u.bf16.f32 v8;
	v12 =	vmul.f32 v12, v4  }
0x348: {  	[tilespmem:s11+$0xFFFFFFF0] =	vst v5;
	v40 =	vmul.f32 v8, v4  }
0x349: {  	v41 =	vld [tilespmem:s20+$0x0];
	[tilespmem:s5+$0xFFFFFFE0] =	vst v12  }
0x34a: {  	[tilespmem:s5+$0xFFFFFFF0] =	vst v40  }
0x34b: {  	v5 =	vld [tilespmem:s28+$0x0]  }
0x34c: {  	v42 =	vunpack.i.l.bf16.f32 v39  }
0x34d: {  	[tilespmem:s2+$0x0] =	vst v10;
	v43 =	vunpack.i.u.bf16.f32 v39;
	v44 =	vmul.f32 v42, v2  }
0x34e: {  	[tilespmem:s2+$0x10] =	vst v9;
	v45 =	vmul.f32 v43, v2;
	v46 =	vunpack.i.l.bf16.f32 v41  }
0x34f: {  	v47 =	vld [tilespmem:s21+$0x10];
	[tilespmem:s14+$0x0] =	vst v44;
	v8 =	vunpack.i.u.bf16.f32 v41;
	v10 =	vmul.f32 v46, v3  }
0x350: {  	[tilespmem:s14+$0x10] =	vst v45;
	v8 =	vmul.f32 v8, v3;
	v48 =	vunpack.i.l.bf16.f32 v5  }
0x351: {  	v49 =	vld [tilespmem:s19+$0x10];
	[tilespmem:s11+$0x0] =	vst v10;
	v5 =	vunpack.i.u.bf16.f32 v5;
	v9 =	vmul.f32 v48, v4  }
0x352: {  	[tilespmem:s11+$0x10] =	vst v8;
	v5 =	vmul.f32 v5, v4  }
0x353: {  	v7 =	vmul.f32 v7, v0;
	v8 =	vld [tilespmem:s20+$0x10];
	[tilespmem:s5+$0x0] =	vst v9  }
0x354: {  	v50 =	vmul.f32 v6, v0;
	v51 =	vunpack.i.u.bf16.f32 v47;
	[tilespmem:s5+$0x10] =	vst v5  }
0x355: {  	[tilespmem:s15+$0x30] =	vst v7;
	v52 =	vunpack.i.l.bf16.f32 v47;
	v6 =	vmul.f32 v51, v1;
	v53 =	vld [tilespmem:s28+$0x10]  }
0x356: {  	[tilespmem:s15+$0x20] =	vst v50;
	v54 =	vmul.f32 v52, v1;
	v55 =	vunpack.i.u.bf16.f32 v49  }
0x357: {  	[tilespmem:s2+$0x30] =	vst v6;
	v56 =	vunpack.i.l.bf16.f32 v49;
	v1 =	vmul.f32 v55, v2  }
0x358: {  	[tilespmem:s2+$0x20] =	vst v54;
	v57 =	vmul.f32 v56, v2;
	v58 =	vunpack.i.u.bf16.f32 v8  }
0x359: {  	[tilespmem:s14+$0x30] =	vst v1;
	v59 =	vunpack.i.l.bf16.f32 v8;
	v2 =	vmul.f32 v58, v3  }
0x35a: {  	[tilespmem:s14+$0x20] =	vst v57;
	v60 =	vmul.f32 v59, v3;
	v61 =	vunpack.i.u.bf16.f32 v53  }
0x35b: {  	[tilespmem:s11+$0x30] =	vst v2;
	v62 =	vunpack.i.l.bf16.f32 v53;
	v1 =	vmul.f32 v61, v4  }
0x35c: {  	[tilespmem:s11+$0x20] =	vst v60;
	v63 =	vmul.f32 v62, v4  }
0x35d: {  	[tilespmem:s5+$0x30] =	vst v1  }
0x35e: {  	s19 =	simm.s32 $0x19CD0;
	[tilespmem:s5+$0x20] =	vst v63  }
0x35f: {  	[spmem:s3] =	stream.indirect.scatter.add.f32 [tilespmem:s19], [sflag:$0xB], $0x80, s31, s26, $0xb8;
	[tilespmem:$0x1ECD0] =	vst v63  }
0x360: {  	_ =	swait.ge [sflag:s0], $0x2800  }
0x361: {  	[sflag:s0] =	ssyncset.done $0x0  }
0x362: {  	[sflag:s0] =	ssyncadd.s32 $0xFFFFD800  }
0x363: {  	_ =	swait.ge [sflag:s12], $0x2800  }
0x364: {  	[sflag:s12] =	ssyncset.done $0x0  }
0x365: {  	[sflag:s12] =	ssyncadd.s32 $0xFFFFD800  }
0x366: {  	[bflag:$0x0] =	sbarrier.arrive $0xFFFF  }
0x367: {  	s20 =	rddreg [dreg:$0x11]  }
0x368: {  	s21 =	rddreg [dreg:$0x14]  }
0x369: {  	s14 =	simm.s32 $0xD;
	s28 =	rddreg [dreg:$0x15]  }
0x36a: {  	[hbm:s20], [sflag:s21] =	dma.local [spmem:s28], $0x2710  }
0x36b: {  	_ =	swait.ge [sflag:s14], $0x2710  }
0x36c: {  	s29 =	rddreg [dreg:$0x13]  }
0x36d: {  	s30 =	rddreg [dreg:$0x12];
	s5 =	sadd.s32 $0x1, s29  }
0x36e: {  	p0 =	sne.s32 s5, s30  }
.Ltmp10:
0x36f: {  	_ = 	snop;
	(pc) =	sbr.rel @p0 .LBB2_1-.Ltmp10, $3  }
0x370: {  	_ =	sdelay $0x1  }
0x371: {  	[sflag:s14] =	ssyncset.done $0x0  }
0x372: {  	[sflag:s14] =	ssyncadd.s32 $0xFFFFD8F0  }
0x373: {  	_ =	sfence.sel $0x180000  }
0x374: {  	[bflag:$0x0] =	sbarrier.arrive $0xFFFF  }
0x375: {  	_ =	strace $0x90000047  }
0x376: {  	s0 =	stileid.u32;
	[bflag:$0x2] =	sbarrier.arrive $0xFFFF  }
0x377: {  	p0 =	sne.s32 s0, $0x0;
	s0 =	rddreg [dreg:$0x3]  }
0x378: {  	s0 =	sadd.s32 @!p0 $0x100000, s0  }
0x379: {  	[sflag:s0] =	ssyncadd.tile.s32 @!p0 $0x1;
	_ =	shalt  }
.Lfunc_end2:
_tile_overlayer_lowered:
.L_overlay_start_2:
0x37a: {  	(tag) =	ssettag $0x2  }
0x37b: {  	s0 =	rddreg [dreg:$0x0];
	s2 =	stileid.u32  }
0x37c: {  	s1 =	rddreg [dreg:$0x1];
	p0 =	sne.s32 s2, $0x0  }
0x37d: {  	s3 =	rddreg [dreg:$0x2];
	[bflag:$0x3] =	sbarrier.arrive $0xFFFF;
	s2 =	simm.s32 @!p0 $0x1C0D  }
0x37e: {  	[timem:s3], [sflag:s2] =	dma.local @!p0 [hbm:s0], s1  }
0x37f: {  	s0 =	simm.s32 @!p0 $0xD  }
0x380: {  	_ =	swait.ge @!p0 [sflag:s0], s1  }
0x381: {  	s1 =	ssub.s32 @!p0 $0x0, s1;
	[sflag:s0] =	ssyncset.done @!p0 $0x0  }
0x382: {  	[sflag:s0] =	ssyncadd.s32 @!p0 s1  }
0x383: {  	[bflag:$0x3] =	sbarrier.arrive $0xFFFF  }
0x384: {  	_ =	shalt  }

</sc_bundles>
